<compile_context>
chip_gen: v7x
topology: tpu7x:2x2x1
jax: 0.10.2.dev20260603
libtpu: 0.0.44.dev20260713+nightly
codegen_flags: <defaults>
</compile_context>

<pallas_src>
import functools

import jax
import jax.numpy as jnp
from jax import lax
from jax.experimental import pallas as pl
from jax.experimental.pallas import tpu as pltpu
from jax.experimental.pallas import tpu_sc as plsc

N = 10000
E = 320000
D = 128

NC = 2
NS = 16
NW = NC * NS
C = 128
NCHUNK = E // C
CHUNK_ITERS = -(-NCHUNK // NW)
ROWS_PER_SUB = 624
TAIL_OFF = NS * ROWS_PER_SUB
TAIL_ROWS = N - TAIL_OFF

BLK = 1000
GRID = N // BLK



def _sc_agg_body(xn_hbm, src_hbm, dst_hbm, ewb_hbm, out_hbm,
                 src_v, dst_v, w16_v, rows_v, accum, sem):
    cid = lax.axis_index("c")
    sid = lax.axis_index("s")
    wid = sid * NC + cid

    zero16 = jnp.zeros((16,), jnp.float32)

    def _zrow(e, carry):
        for dblk in range(D // 16):
            rows_v[e, pl.ds(dblk * 16, 16)] = zero16
        return carry

    lax.fori_loop(0, C, _zrow, 0)
    for off in range(0, ROWS_PER_SUB, C):
        sz = min(C, ROWS_PER_SUB - off)
        pltpu.sync_copy(rows_v.at[pl.ds(0, sz)],
                        accum.at[pl.ds(sid * ROWS_PER_SUB + off, sz)])

    @pl.when(sid == 0)
    def _ztail():
        pltpu.sync_copy(rows_v.at[pl.ds(0, TAIL_ROWS)],
                        accum.at[pl.ds(TAIL_OFF, TAIL_ROWS)])

    plsc.subcore_barrier()

    def _chunk(i, carry):
        c = i * NW + wid

        @pl.when(c < NCHUNK)
        def _():
            base = pl.multiple_of(c * C, C)
            pltpu.sync_copy(src_hbm.at[pl.ds(base, C)], src_v)
            pltpu.sync_copy(dst_hbm.at[pl.ds(base, C)], dst_v)
            pltpu.sync_copy(ewb_hbm.at[pl.ds(base, C)], w16_v)
            pltpu.async_copy(xn_hbm.at[src_v], rows_v, sem).wait()

            def _scale(e, carry2):
                w = w16_v[e, :]
                for dblk in range(D // 16):
                    sl = pl.ds(dblk * 16, 16)
                    rows_v[e, sl] = rows_v[e, sl] * w
                return carry2

            lax.fori_loop(0, C, _scale, 0)
            pltpu.sync_copy(rows_v, accum.at[dst_v], add=True)

        return carry

    lax.fori_loop(0, CHUNK_ITERS, _chunk, 0)
    plsc.subcore_barrier()

    pltpu.sync_copy(accum.at[pl.ds(sid * ROWS_PER_SUB, ROWS_PER_SUB)],
                    out_hbm.at[pl.ds(cid * N + sid * ROWS_PER_SUB, ROWS_PER_SUB)])

    @pl.when(sid == 0)
    def _wtail():
        pltpu.sync_copy(accum.at[pl.ds(TAIL_OFF, TAIL_ROWS)],
                        out_hbm.at[pl.ds(cid * N + TAIL_OFF, TAIL_ROWS)])


_sc_agg = pl.kernel(
    _sc_agg_body,
    out_type=jax.ShapeDtypeStruct((2 * N, D), jnp.float32),
    mesh=plsc.VectorSubcoreMesh(core_axis_name="c", subcore_axis_name="s",
                                num_cores=NC, num_subcores=NS),
    scratch_types=[
        pltpu.VMEM((C,), jnp.int32),
        pltpu.VMEM((C,), jnp.int32),
        pltpu.VMEM((C, 16), jnp.float32),
        pltpu.VMEM((C, D), jnp.float32),
        pltpu.VMEM_SHARED((N, D), jnp.float32),
        pltpu.SemaphoreType.DMA,
    ],
)



def _ln(x, g, b):
    mu = jnp.mean(x, axis=-1, keepdims=True)
    var = jnp.mean((x - mu) ** 2, axis=-1, keepdims=True)
    return (x - mu) / jnp.sqrt(var + 1e-5) * g + b


def _ln_kernel(x_ref, g_ref, b_ref, o_ref):
    o_ref[...] = _ln(x_ref[...], g_ref[...], b_ref[...])


def _mid_kernel(p0_ref, p1_ref, x_ref, w_ref, b_ref, g_ref, bln_ref,
                xnew_ref, xn_ref):
    agg = p0_ref[...] + p1_ref[...]
    h = jnp.dot(agg, w_ref[...], preferred_element_type=jnp.float32) + b_ref[...]
    xnew = x_ref[...] + jnp.maximum(h, 0.0)
    xnew_ref[...] = xnew
    xn_ref[...] = _ln(xnew, g_ref[...], bln_ref[...])


def _final_kernel(p0_ref, p1_ref, x_ref, w_ref, b_ref, wp_ref, bp_ref, o_ref):
    agg = p0_ref[...] + p1_ref[...]
    h = jnp.dot(agg, w_ref[...], preferred_element_type=jnp.float32) + b_ref[...]
    xnew = x_ref[...] + jnp.maximum(h, 0.0)
    o_ref[...] = (jnp.dot(xnew, wp_ref[...], preferred_element_type=jnp.float32)
                  + bp_ref[...])


_row_spec = pl.BlockSpec((BLK, D), lambda i: (i, 0))
_p1_spec = pl.BlockSpec((BLK, D), lambda i: (i + GRID, 0))
_vec_spec = pl.BlockSpec((1, D), lambda i: (0, 0))
_mat_spec = pl.BlockSpec((D, D), lambda i: (0, 0))


_ln_call = pl.pallas_call(
    _ln_kernel,
    grid=(GRID,),
    in_specs=[_row_spec, _vec_spec, _vec_spec],
    out_specs=_row_spec,
    out_shape=jax.ShapeDtypeStruct((N, D), jnp.float32),
)

_mid_call = pl.pallas_call(
    _mid_kernel,
    grid=(GRID,),
    in_specs=[_row_spec, _p1_spec, _row_spec, _mat_spec, _vec_spec,
              _vec_spec, _vec_spec],
    out_specs=[_row_spec, _row_spec],
    out_shape=[jax.ShapeDtypeStruct((N, D), jnp.float32),
               jax.ShapeDtypeStruct((N, D), jnp.float32)],
)

_final_call = pl.pallas_call(
    _final_kernel,
    grid=(GRID,),
    in_specs=[_row_spec, _p1_spec, _row_spec, _mat_spec, _vec_spec,
              _mat_spec, _vec_spec],
    out_specs=_row_spec,
    out_shape=jax.ShapeDtypeStruct((N, D), jnp.float32),
)


def kernel(x, edge_index, edge_weight,
           ln_g4, ln_b4, W4, b4,
           ln_g5, ln_b5, W5, b5,
           ln_g6, ln_b6, W6, b6,
           ln_g7, ln_b7, W7, b7,
           W_post, b_post):
    src = edge_index[0]
    dst = edge_index[1]
    ewb = jnp.broadcast_to(edge_weight[:, None], (E, 16))

    r = lambda v: v.reshape(1, D)

    xn = _ln_call(x, r(ln_g4), r(ln_b4))
    parts = _sc_agg(xn, src, dst, ewb)
    x, xn = _mid_call(parts, parts, x, W4, r(b4), r(ln_g5), r(ln_b5))
    parts = _sc_agg(xn, src, dst, ewb)
    x, xn = _mid_call(parts, parts, x, W5, r(b5), r(ln_g6), r(ln_b6))
    parts = _sc_agg(xn, src, dst, ewb)
    x, xn = _mid_call(parts, parts, x, W6, r(b6), r(ln_g7), r(ln_b7))
    parts = _sc_agg(xn, src, dst, ewb)
    out = _final_call(parts, parts, x, W7, r(b7), W_post, r(b_post))
    return out

# --- scband reference (transcript-rebuilt; emitter-appended) ---
"""Pipeline reference for scband-trainable-gnnbackbone-6923487282465 (READ-ONLY COPY).

The authoritative reference and input builder live on the scoring server;
editing this copy changes nothing except your own understanding.
"""

import jax, jax.numpy as jnp
import numpy as np

N = 10000
E = 320000
D = 128


def layer_norm(x, g, b):
    mu = jnp.mean(x, axis=-1, keepdims=True)
    var = jnp.var(x, axis=-1, keepdims=True)
    return (x - mu) / jnp.sqrt(var + 1e-5) * g + b


def gcn_block(x, src, dst, ew, g, bln, W, bb):
    xn = layer_norm(x, g, bln)
    m = xn[src] * ew[:, None]
    agg = jax.ops.segment_sum(m, dst, num_segments=N)
    h = agg @ W + bb
    h = jax.nn.relu(h)
    # dropout is identity in eval mode
    return x + h


def setup_inputs(seed: int = 0) -> dict:
    key = jax.random.key(seed)
    ks = jax.random.split(key, 16)
    inp = {}
    inp["x"] = jax.random.normal(ks[0], (N, D), dtype=jnp.float32)
    inp["edge_index"] = jax.random.randint(ks[1], (2, E), 0, N, dtype=jnp.int32)
    inp["edge_weight"] = jax.random.uniform(ks[2], (E,), dtype=jnp.float32)
    scale = 1.0 / np.sqrt(D)
    for i, l in enumerate([4, 5, 6, 7]):
        inp[f"ln_g{l}"] = jnp.ones((D,), dtype=jnp.float32)
        inp[f"ln_b{l}"] = jnp.zeros((D,), dtype=jnp.float32)
        inp[f"W{l}"] = jax.random.normal(ks[3 + i], (D, D), dtype=jnp.float32) * scale
        inp[f"b{l}"] = jnp.zeros((D,), dtype=jnp.float32)
    inp["W_post"] = jax.random.normal(ks[8], (D, D), dtype=jnp.float32) * scale
    inp["b_post"] = jnp.zeros((D,), dtype=jnp.float32)
    return inp


def reference(x, edge_index, edge_weight,
              ln_g4, ln_b4, W4, b4,
              ln_g5, ln_b5, W5, b5,
              ln_g6, ln_b6, W6, b6,
              ln_g7, ln_b7, W7, b7,
              W_post, b_post):
    src = edge_index[0]
    dst = edge_index[1]
    x = gcn_block(x, src, dst, edge_weight, ln_g4, ln_b4, W4, b4)
    x = gcn_block(x, src, dst, edge_weight, ln_g5, ln_b5, W5, b5)
    x = gcn_block(x, src, dst, edge_weight, ln_g6, ln_b6, W6, b6)
    x = gcn_block(x, src, dst, edge_weight, ln_g7, ln_b7, W7, b7)
    x = x @ W_post + b_post
    return x

if __name__ == "__main__":
    import jax
    _d = setup_inputs()
    print(jax.jit(kernel)(*tuple(_d.values())))

</pallas_src>

<mosaic_0001>
#map = affine_map<(d0, d1) -> (0, 0)>
#map1 = affine_map<(d0, d1) -> (0)>
module attributes {stable_mosaic.version = 14 : i64} {
  func.func @_sc_agg_body(%arg0: i32, %arg1: i32, %arg2: memref<10000x128xf32, #tpu.memory_space<hbm>>, %arg3: memref<320000xi32, #tpu.memory_space<hbm>>, %arg4: memref<320000xi32, #tpu.memory_space<hbm>>, %arg5: memref<320000x16xf32, #tpu.memory_space<hbm>>, %arg6: memref<20000x128xf32, #tpu.memory_space<hbm>>, %arg7: memref<128xi32, #tpu.memory_space<vmem>>, %arg8: memref<128xi32, #tpu.memory_space<vmem>>, %arg9: memref<128x16xf32, #tpu.memory_space<vmem>>, %arg10: memref<128x128xf32, #tpu.memory_space<vmem>>, %arg11: memref<10000x128xf32, #tpu.memory_space<vmem_shared>>, %arg12: memref<!tpu.dma_semaphore, #tpu.memory_space<semaphore_mem>>) attributes {dimension_semantics = [#tpu.dimension_semantics<core_parallel>, #tpu.dimension_semantics<subcore_parallel>], iteration_bounds = array<i64: 2, 16>, scalar_prefetch = 0 : i64, scratch_operands = 6 : i64, tpu.core_type = #tpu.core_type<sc_vector_subcore>, window_params = [{transform_indices = #map}, {transform_indices = #map1}, {transform_indices = #map1}, {transform_indices = #map}, {transform_indices = #map}]} {
    %mul3A = arith.constant 2 : i32
    %mul3A_0 = arith.muli %arg1, %mul3A : i32
    %add3A = arith.addi %mul3A_0, %arg0 : i32
    %broadcast_in_dim3A = arith.constant 0.000000e+00 : f32
    %broadcast_in_dim3A_1 = vector.broadcast %broadcast_in_dim3A : f32 to vector<16xf32>
    %scan3A = arith.constant 0 : i32
    %scan3A_2 = arith.constant 0 : i32
    %scan3A_3 = arith.constant 128 : i32
    %scan3A_4 = arith.addi %scan3A_2, %scan3A_3 : i32
    %scan3A_5 = arith.constant 1 : i32
    scf.for %scan3A_48 = %scan3A_2 to %scan3A_4 step %scan3A_5  : i32 {
      %swap3A = arith.index_cast %scan3A_48 : i32 to index
      %swap3A_49 = arith.constant 0 : index
      %swap3A_50 = tpu.vector_load %arg10[%swap3A, %swap3A_49] {strides = array<i32>} : memref<128x128xf32, #tpu.memory_space<vmem>>, vector<1x16xf32>,
      %swap3A_51 = vector.shape_cast %swap3A_50 : vector<1x16xf32> to vector<16xf32>
      %swap3A_52 = vector.shape_cast %broadcast_in_dim3A_1 : vector<16xf32> to vector<1x16xf32>
      tpu.vector_store %arg10[%swap3A, %swap3A_49], %swap3A_52 {strides = array<i32>} : memref<128x128xf32, #tpu.memory_space<vmem>>, vector<1x16xf32>,
      %swap3A_53 = arith.index_cast %scan3A_48 : i32 to index
      %swap3A_54 = arith.constant 16 : index
      %swap3A_55 = tpu.vector_load %arg10[%swap3A_53, %swap3A_54] {strides = array<i32>} : memref<128x128xf32, #tpu.memory_space<vmem>>, vector<1x16xf32>,
      %swap3A_56 = vector.shape_cast %swap3A_55 : vector<1x16xf32> to vector<16xf32>
      %swap3A_57 = vector.shape_cast %broadcast_in_dim3A_1 : vector<16xf32> to vector<1x16xf32>
      tpu.vector_store %arg10[%swap3A_53, %swap3A_54], %swap3A_57 {strides = array<i32>} : memref<128x128xf32, #tpu.memory_space<vmem>>, vector<1x16xf32>,
      %swap3A_58 = arith.index_cast %scan3A_48 : i32 to index
      %swap3A_59 = arith.constant 32 : index
      %swap3A_60 = tpu.vector_load %arg10[%swap3A_58, %swap3A_59] {strides = array<i32>} : memref<128x128xf32, #tpu.memory_space<vmem>>, vector<1x16xf32>,
      %swap3A_61 = vector.shape_cast %swap3A_60 : vector<1x16xf32> to vector<16xf32>
      %swap3A_62 = vector.shape_cast %broadcast_in_dim3A_1 : vector<16xf32> to vector<1x16xf32>
      tpu.vector_store %arg10[%swap3A_58, %swap3A_59], %swap3A_62 {strides = array<i32>} : memref<128x128xf32, #tpu.memory_space<vmem>>, vector<1x16xf32>,
      %swap3A_63 = arith.index_cast %scan3A_48 : i32 to index
      %swap3A_64 = arith.constant 48 : index
      %swap3A_65 = tpu.vector_load %arg10[%swap3A_63, %swap3A_64] {strides = array<i32>} : memref<128x128xf32, #tpu.memory_space<vmem>>, vector<1x16xf32>,
      %swap3A_66 = vector.shape_cast %swap3A_65 : vector<1x16xf32> to vector<16xf32>
      %swap3A_67 = vector.shape_cast %broadcast_in_dim3A_1 : vector<16xf32> to vector<1x16xf32>
      tpu.vector_store %arg10[%swap3A_63, %swap3A_64], %swap3A_67 {strides = array<i32>} : memref<128x128xf32, #tpu.memory_space<vmem>>, vector<1x16xf32>,
      %swap3A_68 = arith.index_cast %scan3A_48 : i32 to index
      %swap3A_69 = arith.constant 64 : index
      %swap3A_70 = tpu.vector_load %arg10[%swap3A_68, %swap3A_69] {strides = array<i32>} : memref<128x128xf32, #tpu.memory_space<vmem>>, vector<1x16xf32>,
      %swap3A_71 = vector.shape_cast %swap3A_70 : vector<1x16xf32> to vector<16xf32>
      %swap3A_72 = vector.shape_cast %broadcast_in_dim3A_1 : vector<16xf32> to vector<1x16xf32>
      tpu.vector_store %arg10[%swap3A_68, %swap3A_69], %swap3A_72 {strides = array<i32>} : memref<128x128xf32, #tpu.memory_space<vmem>>, vector<1x16xf32>,
      %swap3A_73 = arith.index_cast %scan3A_48 : i32 to index
      %swap3A_74 = arith.constant 80 : index
      %swap3A_75 = tpu.vector_load %arg10[%swap3A_73, %swap3A_74] {strides = array<i32>} : memref<128x128xf32, #tpu.memory_space<vmem>>, vector<1x16xf32>,
      %swap3A_76 = vector.shape_cast %swap3A_75 : vector<1x16xf32> to vector<16xf32>
      %swap3A_77 = vector.shape_cast %broadcast_in_dim3A_1 : vector<16xf32> to vector<1x16xf32>
      tpu.vector_store %arg10[%swap3A_73, %swap3A_74], %swap3A_77 {strides = array<i32>} : memref<128x128xf32, #tpu.memory_space<vmem>>, vector<1x16xf32>,
      %swap3A_78 = arith.index_cast %scan3A_48 : i32 to index
      %swap3A_79 = arith.constant 96 : index
      %swap3A_80 = tpu.vector_load %arg10[%swap3A_78, %swap3A_79] {strides = array<i32>} : memref<128x128xf32, #tpu.memory_space<vmem>>, vector<1x16xf32>,
      %swap3A_81 = vector.shape_cast %swap3A_80 : vector<1x16xf32> to vector<16xf32>
      %swap3A_82 = vector.shape_cast %broadcast_in_dim3A_1 : vector<16xf32> to vector<1x16xf32>
      tpu.vector_store %arg10[%swap3A_78, %swap3A_79], %swap3A_82 {strides = array<i32>} : memref<128x128xf32, #tpu.memory_space<vmem>>, vector<1x16xf32>,
      %swap3A_83 = arith.index_cast %scan3A_48 : i32 to index
      %swap3A_84 = arith.constant 112 : index
      %swap3A_85 = tpu.vector_load %arg10[%swap3A_83, %swap3A_84] {strides = array<i32>} : memref<128x128xf32, #tpu.memory_space<vmem>>, vector<1x16xf32>,
      %swap3A_86 = vector.shape_cast %swap3A_85 : vector<1x16xf32> to vector<16xf32>
      %swap3A_87 = vector.shape_cast %broadcast_in_dim3A_1 : vector<16xf32> to vector<1x16xf32>
      tpu.vector_store %arg10[%swap3A_83, %swap3A_84], %swap3A_87 {strides = array<i32>} : memref<128x128xf32, #tpu.memory_space<vmem>>, vector<1x16xf32>,
    }
    %scan3A_6 = arith.constant 128 : i32
    %mul3A_7 = arith.constant 624 : i32
    %mul3A_8 = arith.muli %arg1, %mul3A_7 : i32
    %add3A_9 = arith.constant 0 : i32
    %add3A_10 = arith.addi %mul3A_8, %add3A_9 : i32
    "tpu.region"() ({
      %run_scoped3A = tpu.sem_alloc : memref<!tpu.dma_semaphore, #tpu.memory_space<semaphore_mem>>
      %dma_start3A = arith.constant 0 : i32
      %dma_start3A_48 = arith.constant 0 : i32
      %dma_start3A_49 = tpu.memref_slice %arg10[%dma_start3A, %dma_start3A_48] : memref<128x128xf32, #tpu.memory_space<vmem>> -> memref<128x128xf32, #tpu.memory_space<vmem>>
      %dma_start3A_50 = arith.constant 0 : i32
      %dma_start3A_51 = tpu.memref_slice %arg11[%add3A_10, %dma_start3A_50] : memref<10000x128xf32, #tpu.memory_space<vmem_shared>> -> memref<128x128xf32, #tpu.memory_space<vmem_shared>>
      %dma_start3A_52 = arith.constant 0 : i32
      %dma_start3A_53 = tpu.memref_slice %arg11[%add3A_10, %dma_start3A_52] : memref<10000x128xf32, #tpu.memory_space<vmem_shared>> -> memref<128x128xf32, #tpu.memory_space<vmem_shared>>
      %dma_start3A_54 = arith.constant 0 : i32
      %dma_start3A_55 = arith.constant 0 : i32
      %dma_start3A_56 = tpu.memref_slice %arg10[%dma_start3A_54, %dma_start3A_55] : memref<128x128xf32, #tpu.memory_space<vmem>> -> memref<128x128xf32, #tpu.memory_space<vmem>>
      tpu.enqueue_dma source(%dma_start3A_56 : memref<128x128xf32, #tpu.memory_space<vmem>>) target(%dma_start3A_53 : memref<128x128xf32, #tpu.memory_space<vmem_shared>>) target_semaphore(%run_scoped3A : memref<!tpu.dma_semaphore, #tpu.memory_space<semaphore_mem>>)
      %dma_wait3A = arith.constant 0 : i32
      %dma_wait3A_57 = arith.constant 0 : i32
      %dma_wait3A_58 = tpu.memref_slice %arg10[%dma_wait3A, %dma_wait3A_57] : memref<128x128xf32, #tpu.memory_space<vmem>> -> memref<128x128xf32, #tpu.memory_space<vmem>>
      %dma_wait3A_59 = arith.constant 0 : i32
      %dma_wait3A_60 = tpu.memref_slice %arg11[%add3A_10, %dma_wait3A_59] : memref<10000x128xf32, #tpu.memory_space<vmem_shared>> -> memref<128x128xf32, #tpu.memory_space<vmem_shared>>
      %dma_wait3A_61 = arith.constant 0 : i32
      %dma_wait3A_62 = tpu.memref_slice %arg11[%add3A_10, %dma_wait3A_61] : memref<10000x128xf32, #tpu.memory_space<vmem_shared>> -> memref<128x128xf32, #tpu.memory_space<vmem_shared>>
      %dma_wait3A_63 = arith.constant 0 : i32
      %dma_wait3A_64 = arith.constant 0 : i32
      %dma_wait3A_65 = tpu.memref_slice %arg10[%dma_wait3A_63, %dma_wait3A_64] : memref<128x128xf32, #tpu.memory_space<vmem>> -> memref<128x128xf32, #tpu.memory_space<vmem>>
      tpu.wait_dma2 semaphore(%run_scoped3A : memref<!tpu.dma_semaphore, #tpu.memory_space<semaphore_mem>>) src(%dma_wait3A_65 : memref<128x128xf32, #tpu.memory_space<vmem>>) dst(%dma_wait3A_62 : memref<128x128xf32, #tpu.memory_space<vmem_shared>>)
      tpu.yield
    }) : () -> ()
    %mul3A_11 = arith.constant 624 : i32
    %mul3A_12 = arith.muli %arg1, %mul3A_11 : i32
    %add3A_13 = arith.constant 128 : i32
    %add3A_14 = arith.addi %mul3A_12, %add3A_13 : i32
    "tpu.region"() ({
      %run_scoped3A = tpu.sem_alloc : memref<!tpu.dma_semaphore, #tpu.memory_space<semaphore_mem>>
      %dma_start3A = arith.constant 0 : i32
      %dma_start3A_48 = arith.constant 0 : i32
      %dma_start3A_49 = tpu.memref_slice %arg10[%dma_start3A, %dma_start3A_48] : memref<128x128xf32, #tpu.memory_space<vmem>> -> memref<128x128xf32, #tpu.memory_space<vmem>>
      %dma_start3A_50 = arith.constant 0 : i32
      %dma_start3A_51 = tpu.memref_slice %arg11[%add3A_14, %dma_start3A_50] : memref<10000x128xf32, #tpu.memory_space<vmem_shared>> -> memref<128x128xf32, #tpu.memory_space<vmem_shared>>
      %dma_start3A_52 = arith.constant 0 : i32
      %dma_start3A_53 = tpu.memref_slice %arg11[%add3A_14, %dma_start3A_52] : memref<10000x128xf32, #tpu.memory_space<vmem_shared>> -> memref<128x128xf32, #tpu.memory_space<vmem_shared>>
      %dma_start3A_54 = arith.constant 0 : i32
      %dma_start3A_55 = arith.constant 0 : i32
      %dma_start3A_56 = tpu.memref_slice %arg10[%dma_start3A_54, %dma_start3A_55] : memref<128x128xf32, #tpu.memory_space<vmem>> -> memref<128x128xf32, #tpu.memory_space<vmem>>
      tpu.enqueue_dma source(%dma_start3A_56 : memref<128x128xf32, #tpu.memory_space<vmem>>) target(%dma_start3A_53 : memref<128x128xf32, #tpu.memory_space<vmem_shared>>) target_semaphore(%run_scoped3A : memref<!tpu.dma_semaphore, #tpu.memory_space<semaphore_mem>>)
      %dma_wait3A = arith.constant 0 : i32
      %dma_wait3A_57 = arith.constant 0 : i32
      %dma_wait3A_58 = tpu.memref_slice %arg10[%dma_wait3A, %dma_wait3A_57] : memref<128x128xf32, #tpu.memory_space<vmem>> -> memref<128x128xf32, #tpu.memory_space<vmem>>
      %dma_wait3A_59 = arith.constant 0 : i32
      %dma_wait3A_60 = tpu.memref_slice %arg11[%add3A_14, %dma_wait3A_59] : memref<10000x128xf32, #tpu.memory_space<vmem_shared>> -> memref<128x128xf32, #tpu.memory_space<vmem_shared>>
      %dma_wait3A_61 = arith.constant 0 : i32
      %dma_wait3A_62 = tpu.memref_slice %arg11[%add3A_14, %dma_wait3A_61] : memref<10000x128xf32, #tpu.memory_space<vmem_shared>> -> memref<128x128xf32, #tpu.memory_space<vmem_shared>>
      %dma_wait3A_63 = arith.constant 0 : i32
      %dma_wait3A_64 = arith.constant 0 : i32
      %dma_wait3A_65 = tpu.memref_slice %arg10[%dma_wait3A_63, %dma_wait3A_64] : memref<128x128xf32, #tpu.memory_space<vmem>> -> memref<128x128xf32, #tpu.memory_space<vmem>>
      tpu.wait_dma2 semaphore(%run_scoped3A : memref<!tpu.dma_semaphore, #tpu.memory_space<semaphore_mem>>) src(%dma_wait3A_65 : memref<128x128xf32, #tpu.memory_space<vmem>>) dst(%dma_wait3A_62 : memref<128x128xf32, #tpu.memory_space<vmem_shared>>)
      tpu.yield
    }) : () -> ()
    %mul3A_15 = arith.constant 624 : i32
    %mul3A_16 = arith.muli %arg1, %mul3A_15 : i32
    %add3A_17 = arith.constant 256 : i32
    %add3A_18 = arith.addi %mul3A_16, %add3A_17 : i32
    "tpu.region"() ({
      %run_scoped3A = tpu.sem_alloc : memref<!tpu.dma_semaphore, #tpu.memory_space<semaphore_mem>>
      %dma_start3A = arith.constant 0 : i32
      %dma_start3A_48 = arith.constant 0 : i32
      %dma_start3A_49 = tpu.memref_slice %arg10[%dma_start3A, %dma_start3A_48] : memref<128x128xf32, #tpu.memory_space<vmem>> -> memref<128x128xf32, #tpu.memory_space<vmem>>
      %dma_start3A_50 = arith.constant 0 : i32
      %dma_start3A_51 = tpu.memref_slice %arg11[%add3A_18, %dma_start3A_50] : memref<10000x128xf32, #tpu.memory_space<vmem_shared>> -> memref<128x128xf32, #tpu.memory_space<vmem_shared>>
      %dma_start3A_52 = arith.constant 0 : i32
      %dma_start3A_53 = tpu.memref_slice %arg11[%add3A_18, %dma_start3A_52] : memref<10000x128xf32, #tpu.memory_space<vmem_shared>> -> memref<128x128xf32, #tpu.memory_space<vmem_shared>>
      %dma_start3A_54 = arith.constant 0 : i32
      %dma_start3A_55 = arith.constant 0 : i32
      %dma_start3A_56 = tpu.memref_slice %arg10[%dma_start3A_54, %dma_start3A_55] : memref<128x128xf32, #tpu.memory_space<vmem>> -> memref<128x128xf32, #tpu.memory_space<vmem>>
      tpu.enqueue_dma source(%dma_start3A_56 : memref<128x128xf32, #tpu.memory_space<vmem>>) target(%dma_start3A_53 : memref<128x128xf32, #tpu.memory_space<vmem_shared>>) target_semaphore(%run_scoped3A : memref<!tpu.dma_semaphore, #tpu.memory_space<semaphore_mem>>)
      %dma_wait3A = arith.constant 0 : i32
      %dma_wait3A_57 = arith.constant 0 : i32
      %dma_wait3A_58 = tpu.memref_slice %arg10[%dma_wait3A, %dma_wait3A_57] : memref<128x128xf32, #tpu.memory_space<vmem>> -> memref<128x128xf32, #tpu.memory_space<vmem>>
      %dma_wait3A_59 = arith.constant 0 : i32
      %dma_wait3A_60 = tpu.memref_slice %arg11[%add3A_18, %dma_wait3A_59] : memref<10000x128xf32, #tpu.memory_space<vmem_shared>> -> memref<128x128xf32, #tpu.memory_space<vmem_shared>>
      %dma_wait3A_61 = arith.constant 0 : i32
      %dma_wait3A_62 = tpu.memref_slice %arg11[%add3A_18, %dma_wait3A_61] : memref<10000x128xf32, #tpu.memory_space<vmem_shared>> -> memref<128x128xf32, #tpu.memory_space<vmem_shared>>
      %dma_wait3A_63 = arith.constant 0 : i32
      %dma_wait3A_64 = arith.constant 0 : i32
      %dma_wait3A_65 = tpu.memref_slice %arg10[%dma_wait3A_63, %dma_wait3A_64] : memref<128x128xf32, #tpu.memory_space<vmem>> -> memref<128x128xf32, #tpu.memory_space<vmem>>
      tpu.wait_dma2 semaphore(%run_scoped3A : memref<!tpu.dma_semaphore, #tpu.memory_space<semaphore_mem>>) src(%dma_wait3A_65 : memref<128x128xf32, #tpu.memory_space<vmem>>) dst(%dma_wait3A_62 : memref<128x128xf32, #tpu.memory_space<vmem_shared>>)
      tpu.yield
    }) : () -> ()
    %mul3A_19 = arith.constant 624 : i32
    %mul3A_20 = arith.muli %arg1, %mul3A_19 : i32
    %add3A_21 = arith.constant 384 : i32
    %add3A_22 = arith.addi %mul3A_20, %add3A_21 : i32
    "tpu.region"() ({
      %run_scoped3A = tpu.sem_alloc : memref<!tpu.dma_semaphore, #tpu.memory_space<semaphore_mem>>
      %dma_start3A = arith.constant 0 : i32
      %dma_start3A_48 = arith.constant 0 : i32
      %dma_start3A_49 = tpu.memref_slice %arg10[%dma_start3A, %dma_start3A_48] : memref<128x128xf32, #tpu.memory_space<vmem>> -> memref<128x128xf32, #tpu.memory_space<vmem>>
      %dma_start3A_50 = arith.constant 0 : i32
      %dma_start3A_51 = tpu.memref_slice %arg11[%add3A_22, %dma_start3A_50] : memref<10000x128xf32, #tpu.memory_space<vmem_shared>> -> memref<128x128xf32, #tpu.memory_space<vmem_shared>>
      %dma_start3A_52 = arith.constant 0 : i32
      %dma_start3A_53 = tpu.memref_slice %arg11[%add3A_22, %dma_start3A_52] : memref<10000x128xf32, #tpu.memory_space<vmem_shared>> -> memref<128x128xf32, #tpu.memory_space<vmem_shared>>
      %dma_start3A_54 = arith.constant 0 : i32
      %dma_start3A_55 = arith.constant 0 : i32
      %dma_start3A_56 = tpu.memref_slice %arg10[%dma_start3A_54, %dma_start3A_55] : memref<128x128xf32, #tpu.memory_space<vmem>> -> memref<128x128xf32, #tpu.memory_space<vmem>>
      tpu.enqueue_dma source(%dma_start3A_56 : memref<128x128xf32, #tpu.memory_space<vmem>>) target(%dma_start3A_53 : memref<128x128xf32, #tpu.memory_space<vmem_shared>>) target_semaphore(%run_scoped3A : memref<!tpu.dma_semaphore, #tpu.memory_space<semaphore_mem>>)
      %dma_wait3A = arith.constant 0 : i32
      %dma_wait3A_57 = arith.constant 0 : i32
      %dma_wait3A_58 = tpu.memref_slice %arg10[%dma_wait3A, %dma_wait3A_57] : memref<128x128xf32, #tpu.memory_space<vmem>> -> memref<128x128xf32, #tpu.memory_space<vmem>>
      %dma_wait3A_59 = arith.constant 0 : i32
      %dma_wait3A_60 = tpu.memref_slice %arg11[%add3A_22, %dma_wait3A_59] : memref<10000x128xf32, #tpu.memory_space<vmem_shared>> -> memref<128x128xf32, #tpu.memory_space<vmem_shared>>
      %dma_wait3A_61 = arith.constant 0 : i32
      %dma_wait3A_62 = tpu.memref_slice %arg11[%add3A_22, %dma_wait3A_61] : memref<10000x128xf32, #tpu.memory_space<vmem_shared>> -> memref<128x128xf32, #tpu.memory_space<vmem_shared>>
      %dma_wait3A_63 = arith.constant 0 : i32
      %dma_wait3A_64 = arith.constant 0 : i32
      %dma_wait3A_65 = tpu.memref_slice %arg10[%dma_wait3A_63, %dma_wait3A_64] : memref<128x128xf32, #tpu.memory_space<vmem>> -> memref<128x128xf32, #tpu.memory_space<vmem>>
      tpu.wait_dma2 semaphore(%run_scoped3A : memref<!tpu.dma_semaphore, #tpu.memory_space<semaphore_mem>>) src(%dma_wait3A_65 : memref<128x128xf32, #tpu.memory_space<vmem>>) dst(%dma_wait3A_62 : memref<128x128xf32, #tpu.memory_space<vmem_shared>>)
      tpu.yield
    }) : () -> ()
    %mul3A_23 = arith.constant 624 : i32
    %mul3A_24 = arith.muli %arg1, %mul3A_23 : i32
    %add3A_25 = arith.constant 512 : i32
    %add3A_26 = arith.addi %mul3A_24, %add3A_25 : i32
    "tpu.region"() ({
      %run_scoped3A = tpu.sem_alloc : memref<!tpu.dma_semaphore, #tpu.memory_space<semaphore_mem>>
      %dma_start3A = arith.constant 0 : i32
      %dma_start3A_48 = arith.constant 0 : i32
      %dma_start3A_49 = tpu.memref_slice %arg10[%dma_start3A, %dma_start3A_48] : memref<128x128xf32, #tpu.memory_space<vmem>> -> memref<112x128xf32, #tpu.memory_space<vmem>>
      %dma_start3A_50 = arith.constant 0 : i32
      %dma_start3A_51 = tpu.memref_slice %arg11[%add3A_26, %dma_start3A_50] : memref<10000x128xf32, #tpu.memory_space<vmem_shared>> -> memref<112x128xf32, #tpu.memory_space<vmem_shared>>
      %dma_start3A_52 = arith.constant 0 : i32
      %dma_start3A_53 = tpu.memref_slice %arg11[%add3A_26, %dma_start3A_52] : memref<10000x128xf32, #tpu.memory_space<vmem_shared>> -> memref<112x128xf32, #tpu.memory_space<vmem_shared>>
      %dma_start3A_54 = arith.constant 0 : i32
      %dma_start3A_55 = arith.constant 0 : i32
      %dma_start3A_56 = tpu.memref_slice %arg10[%dma_start3A_54, %dma_start3A_55] : memref<128x128xf32, #tpu.memory_space<vmem>> -> memref<112x128xf32, #tpu.memory_space<vmem>>
      tpu.enqueue_dma source(%dma_start3A_56 : memref<112x128xf32, #tpu.memory_space<vmem>>) target(%dma_start3A_53 : memref<112x128xf32, #tpu.memory_space<vmem_shared>>) target_semaphore(%run_scoped3A : memref<!tpu.dma_semaphore, #tpu.memory_space<semaphore_mem>>)
      %dma_wait3A = arith.constant 0 : i32
      %dma_wait3A_57 = arith.constant 0 : i32
      %dma_wait3A_58 = tpu.memref_slice %arg10[%dma_wait3A, %dma_wait3A_57] : memref<128x128xf32, #tpu.memory_space<vmem>> -> memref<112x128xf32, #tpu.memory_space<vmem>>
      %dma_wait3A_59 = arith.constant 0 : i32
      %dma_wait3A_60 = tpu.memref_slice %arg11[%add3A_26, %dma_wait3A_59] : memref<10000x128xf32, #tpu.memory_space<vmem_shared>> -> memref<112x128xf32, #tpu.memory_space<vmem_shared>>
      %dma_wait3A_61 = arith.constant 0 : i32
      %dma_wait3A_62 = tpu.memref_slice %arg11[%add3A_26, %dma_wait3A_61] : memref<10000x128xf32, #tpu.memory_space<vmem_shared>> -> memref<112x128xf32, #tpu.memory_space<vmem_shared>>
      %dma_wait3A_63 = arith.constant 0 : i32
      %dma_wait3A_64 = arith.constant 0 : i32
      %dma_wait3A_65 = tpu.memref_slice %arg10[%dma_wait3A_63, %dma_wait3A_64] : memref<128x128xf32, #tpu.memory_space<vmem>> -> memref<112x128xf32, #tpu.memory_space<vmem>>
      tpu.wait_dma2 semaphore(%run_scoped3A : memref<!tpu.dma_semaphore, #tpu.memory_space<semaphore_mem>>) src(%dma_wait3A_65 : memref<112x128xf32, #tpu.memory_space<vmem>>) dst(%dma_wait3A_62 : memref<112x128xf32, #tpu.memory_space<vmem_shared>>)
      tpu.yield
    }) : () -> ()
    %eq3A = arith.constant 0 : i32
    %eq3A_27 = arith.cmpi eq, %arg1, %eq3A : i32
    %convert_element_type3A = arith.extui %eq3A_27 : i1 to i32
    %cond3A = arith.constant 0 : i32
    %cond3A_28 = arith.cmpi ne, %convert_element_type3A, %cond3A : i32
    scf.if %cond3A_28 {
      "tpu.region"() ({
        %run_scoped3A = tpu.sem_alloc : memref<!tpu.dma_semaphore, #tpu.memory_space<semaphore_mem>>
        %dma_start3A = arith.constant 0 : i32
        %dma_start3A_48 = arith.constant 0 : i32
        %dma_start3A_49 = tpu.memref_slice %arg10[%dma_start3A, %dma_start3A_48] : memref<128x128xf32, #tpu.memory_space<vmem>> -> memref<16x128xf32, #tpu.memory_space<vmem>>
        %dma_start3A_50 = arith.constant 9984 : i32
        %dma_start3A_51 = arith.constant 0 : i32
        %dma_start3A_52 = tpu.memref_slice %arg11[%dma_start3A_50, %dma_start3A_51] : memref<10000x128xf32, #tpu.memory_space<vmem_shared>> -> memref<16x128xf32, #tpu.memory_space<vmem_shared>>
        %dma_start3A_53 = arith.constant 9984 : i32
        %dma_start3A_54 = arith.constant 0 : i32
        %dma_start3A_55 = tpu.memref_slice %arg11[%dma_start3A_53, %dma_start3A_54] : memref<10000x128xf32, #tpu.memory_space<vmem_shared>> -> memref<16x128xf32, #tpu.memory_space<vmem_shared>>
        %dma_start3A_56 = arith.constant 0 : i32
        %dma_start3A_57 = arith.constant 0 : i32
        %dma_start3A_58 = tpu.memref_slice %arg10[%dma_start3A_56, %dma_start3A_57] : memref<128x128xf32, #tpu.memory_space<vmem>> -> memref<16x128xf32, #tpu.memory_space<vmem>>
        tpu.enqueue_dma source(%dma_start3A_58 : memref<16x128xf32, #tpu.memory_space<vmem>>) target(%dma_start3A_55 : memref<16x128xf32, #tpu.memory_space<vmem_shared>>) target_semaphore(%run_scoped3A : memref<!tpu.dma_semaphore, #tpu.memory_space<semaphore_mem>>)
        %dma_wait3A = arith.constant 0 : i32
        %dma_wait3A_59 = arith.constant 0 : i32
        %dma_wait3A_60 = tpu.memref_slice %arg10[%dma_wait3A, %dma_wait3A_59] : memref<128x128xf32, #tpu.memory_space<vmem>> -> memref<16x128xf32, #tpu.memory_space<vmem>>
        %dma_wait3A_61 = arith.constant 9984 : i32
        %dma_wait3A_62 = arith.constant 0 : i32
        %dma_wait3A_63 = tpu.memref_slice %arg11[%dma_wait3A_61, %dma_wait3A_62] : memref<10000x128xf32, #tpu.memory_space<vmem_shared>> -> memref<16x128xf32, #tpu.memory_space<vmem_shared>>
        %dma_wait3A_64 = arith.constant 9984 : i32
        %dma_wait3A_65 = arith.constant 0 : i32
        %dma_wait3A_66 = tpu.memref_slice %arg11[%dma_wait3A_64, %dma_wait3A_65] : memref<10000x128xf32, #tpu.memory_space<vmem_shared>> -> memref<16x128xf32, #tpu.memory_space<vmem_shared>>
        %dma_wait3A_67 = arith.constant 0 : i32
        %dma_wait3A_68 = arith.constant 0 : i32
        %dma_wait3A_69 = tpu.memref_slice %arg10[%dma_wait3A_67, %dma_wait3A_68] : memref<128x128xf32, #tpu.memory_space<vmem>> -> memref<16x128xf32, #tpu.memory_space<vmem>>
        tpu.wait_dma2 semaphore(%run_scoped3A : memref<!tpu.dma_semaphore, #tpu.memory_space<semaphore_mem>>) src(%dma_wait3A_69 : memref<16x128xf32, #tpu.memory_space<vmem>>) dst(%dma_wait3A_66 : memref<16x128xf32, #tpu.memory_space<vmem_shared>>)
        tpu.yield
      }) : () -> ()
    } else {
    }
    %barrier3A = arith.constant 0 : index
    tpu.barrier barrier_id(%barrier3A)
    %scan3A_29 = arith.constant 0 : i32
    %scan3A_30 = arith.constant 0 : i32
    %scan3A_31 = arith.constant 79 : i32
    %scan3A_32 = arith.addi %scan3A_30, %scan3A_31 : i32
    %scan3A_33 = arith.constant 1 : i32
    scf.for %scan3A_48 = %scan3A_30 to %scan3A_32 step %scan3A_33  : i32 {
      %mul3A_49 = arith.constant 32 : i32
      %mul3A_50 = arith.muli %scan3A_48, %mul3A_49 : i32
      %add3A_51 = arith.addi %mul3A_50, %add3A : i32
      %lt3A = arith.constant 2500 : i32
      %lt3A_52 = arith.cmpi slt, %add3A_51, %lt3A : i32
      %convert_element_type3A_53 = arith.extui %lt3A_52 : i1 to i32
      %cond3A_54 = arith.constant 0 : i32
      %cond3A_55 = arith.cmpi ne, %convert_element_type3A_53, %cond3A_54 : i32
      scf.if %cond3A_55 {
        %mul3A_56 = arith.constant 128 : i32
        %mul3A_57 = arith.muli %add3A_51, %mul3A_56 : i32
        %multiple_of3A = tpu.assume_multiple %mul3A_57, 128 : i32
        "tpu.region"() ({
          %run_scoped3A = tpu.sem_alloc : memref<!tpu.dma_semaphore, #tpu.memory_space<semaphore_mem>>
          %dma_start3A_68 = tpu.memref_slice %arg3[%multiple_of3A] : memref<320000xi32, #tpu.memory_space<hbm>> -> memref<128xi32, #tpu.memory_space<hbm>>
          %dma_start3A_69 = tpu.memref_slice %arg3[%multiple_of3A] : memref<320000xi32, #tpu.memory_space<hbm>> -> memref<128xi32, #tpu.memory_space<hbm>>
          tpu.enqueue_dma source(%dma_start3A_69 : memref<128xi32, #tpu.memory_space<hbm>>) target(%arg7 : memref<128xi32, #tpu.memory_space<vmem>>) target_semaphore(%run_scoped3A : memref<!tpu.dma_semaphore, #tpu.memory_space<semaphore_mem>>)
          %dma_wait3A_70 = tpu.memref_slice %arg3[%multiple_of3A] : memref<320000xi32, #tpu.memory_space<hbm>> -> memref<128xi32, #tpu.memory_space<hbm>>
          %dma_wait3A_71 = tpu.memref_slice %arg3[%multiple_of3A] : memref<320000xi32, #tpu.memory_space<hbm>> -> memref<128xi32, #tpu.memory_space<hbm>>
          tpu.wait_dma2 semaphore(%run_scoped3A : memref<!tpu.dma_semaphore, #tpu.memory_space<semaphore_mem>>) src(%dma_wait3A_71 : memref<128xi32, #tpu.memory_space<hbm>>) dst(%arg7 : memref<128xi32, #tpu.memory_space<vmem>>)
          tpu.yield
        }) : () -> ()
        "tpu.region"() ({
          %run_scoped3A = tpu.sem_alloc : memref<!tpu.dma_semaphore, #tpu.memory_space<semaphore_mem>>
          %dma_start3A_68 = tpu.memref_slice %arg4[%multiple_of3A] : memref<320000xi32, #tpu.memory_space<hbm>> -> memref<128xi32, #tpu.memory_space<hbm>>
          %dma_start3A_69 = tpu.memref_slice %arg4[%multiple_of3A] : memref<320000xi32, #tpu.memory_space<hbm>> -> memref<128xi32, #tpu.memory_space<hbm>>
          tpu.enqueue_dma source(%dma_start3A_69 : memref<128xi32, #tpu.memory_space<hbm>>) target(%arg8 : memref<128xi32, #tpu.memory_space<vmem>>) target_semaphore(%run_scoped3A : memref<!tpu.dma_semaphore, #tpu.memory_space<semaphore_mem>>)
          %dma_wait3A_70 = tpu.memref_slice %arg4[%multiple_of3A] : memref<320000xi32, #tpu.memory_space<hbm>> -> memref<128xi32, #tpu.memory_space<hbm>>
          %dma_wait3A_71 = tpu.memref_slice %arg4[%multiple_of3A] : memref<320000xi32, #tpu.memory_space<hbm>> -> memref<128xi32, #tpu.memory_space<hbm>>
          tpu.wait_dma2 semaphore(%run_scoped3A : memref<!tpu.dma_semaphore, #tpu.memory_space<semaphore_mem>>) src(%dma_wait3A_71 : memref<128xi32, #tpu.memory_space<hbm>>) dst(%arg8 : memref<128xi32, #tpu.memory_space<vmem>>)
          tpu.yield
        }) : () -> ()
        "tpu.region"() ({
          %run_scoped3A = tpu.sem_alloc : memref<!tpu.dma_semaphore, #tpu.memory_space<semaphore_mem>>
          %dma_start3A_68 = arith.constant 0 : i32
          %dma_start3A_69 = tpu.memref_slice %arg5[%multiple_of3A, %dma_start3A_68] : memref<320000x16xf32, #tpu.memory_space<hbm>> -> memref<128x16xf32, #tpu.memory_space<hbm>>
          %dma_start3A_70 = arith.constant 0 : i32
          %dma_start3A_71 = tpu.memref_slice %arg5[%multiple_of3A, %dma_start3A_70] : memref<320000x16xf32, #tpu.memory_space<hbm>> -> memref<128x16xf32, #tpu.memory_space<hbm>>
          tpu.enqueue_dma source(%dma_start3A_71 : memref<128x16xf32, #tpu.memory_space<hbm>>) target(%arg9 : memref<128x16xf32, #tpu.memory_space<vmem>>) target_semaphore(%run_scoped3A : memref<!tpu.dma_semaphore, #tpu.memory_space<semaphore_mem>>)
          %dma_wait3A_72 = arith.constant 0 : i32
          %dma_wait3A_73 = tpu.memref_slice %arg5[%multiple_of3A, %dma_wait3A_72] : memref<320000x16xf32, #tpu.memory_space<hbm>> -> memref<128x16xf32, #tpu.memory_space<hbm>>
          %dma_wait3A_74 = arith.constant 0 : i32
          %dma_wait3A_75 = tpu.memref_slice %arg5[%multiple_of3A, %dma_wait3A_74] : memref<320000x16xf32, #tpu.memory_space<hbm>> -> memref<128x16xf32, #tpu.memory_space<hbm>>
          tpu.wait_dma2 semaphore(%run_scoped3A : memref<!tpu.dma_semaphore, #tpu.memory_space<semaphore_mem>>) src(%dma_wait3A_75 : memref<128x16xf32, #tpu.memory_space<hbm>>) dst(%arg9 : memref<128x16xf32, #tpu.memory_space<vmem>>)
          tpu.yield
        }) : () -> ()
        %dma_start3A = arith.constant 0 : i32
        %dma_start3A_58 = arith.constant 0 : i32
        %dma_start3A_59 = tpu.memref_slice %arg2[%dma_start3A, %dma_start3A_58] : memref<10000x128xf32, #tpu.memory_space<hbm>> -> memref<10000x128xf32, #tpu.memory_space<hbm>>
        tpu.enqueue_indirect_dma source(%dma_start3A_59 : memref<10000x128xf32, #tpu.memory_space<hbm>>) target(%arg10 : memref<128x128xf32, #tpu.memory_space<vmem>>) offsets(%arg7 : memref<128xi32, #tpu.memory_space<vmem>>) semaphore(%arg12 : memref<!tpu.dma_semaphore, #tpu.memory_space<semaphore_mem>>)
        %dma_wait3A = arith.constant 0 : i32
        %dma_wait3A_60 = arith.constant 0 : i32
        %dma_wait3A_61 = tpu.memref_slice %arg2[%dma_wait3A, %dma_wait3A_60] : memref<10000x128xf32, #tpu.memory_space<hbm>> -> memref<10000x128xf32, #tpu.memory_space<hbm>>
        tpu.wait_indirect_dma semaphore(%arg12 : memref<!tpu.dma_semaphore, #tpu.memory_space<semaphore_mem>>) src(%dma_wait3A_61 : memref<10000x128xf32, #tpu.memory_space<hbm>>) dst(%arg10 : memref<128x128xf32, #tpu.memory_space<vmem>>)
        %scan3A_62 = arith.constant 0 : i32
        %scan3A_63 = arith.constant 0 : i32
        %scan3A_64 = arith.constant 128 : i32
        %scan3A_65 = arith.addi %scan3A_63, %scan3A_64 : i32
        %scan3A_66 = arith.constant 1 : i32
        scf.for %scan3A_68 = %scan3A_63 to %scan3A_65 step %scan3A_66  : i32 {
          %get3A = arith.index_cast %scan3A_68 : i32 to index
          %get3A_69 = arith.constant 0 : index
          %get3A_70 = tpu.vector_load %arg9[%get3A, %get3A_69] {strides = array<i32>} : memref<128x16xf32, #tpu.memory_space<vmem>>, vector<1x16xf32>,
          %get3A_71 = vector.shape_cast %get3A_70 : vector<1x16xf32> to vector<16xf32>
          %get3A_72 = arith.index_cast %scan3A_68 : i32 to index
          %get3A_73 = arith.constant 0 : index
          %get3A_74 = tpu.vector_load %arg10[%get3A_72, %get3A_73] {strides = array<i32>} : memref<128x128xf32, #tpu.memory_space<vmem>>, vector<1x16xf32>,
          %get3A_75 = vector.shape_cast %get3A_74 : vector<1x16xf32> to vector<16xf32>
          %mul3A_76 = arith.mulf %get3A_75, %get3A_71 : vector<16xf32>
          %swap3A = arith.index_cast %scan3A_68 : i32 to index
          %swap3A_77 = arith.constant 0 : index
          %swap3A_78 = tpu.vector_load %arg10[%swap3A, %swap3A_77] {strides = array<i32>} : memref<128x128xf32, #tpu.memory_space<vmem>>, vector<1x16xf32>,
          %swap3A_79 = vector.shape_cast %swap3A_78 : vector<1x16xf32> to vector<16xf32>
          %swap3A_80 = vector.shape_cast %mul3A_76 : vector<16xf32> to vector<1x16xf32>
          tpu.vector_store %arg10[%swap3A, %swap3A_77], %swap3A_80 {strides = array<i32>} : memref<128x128xf32, #tpu.memory_space<vmem>>, vector<1x16xf32>,
          %get3A_81 = arith.index_cast %scan3A_68 : i32 to index
          %get3A_82 = arith.constant 16 : index
          %get3A_83 = tpu.vector_load %arg10[%get3A_81, %get3A_82] {strides = array<i32>} : memref<128x128xf32, #tpu.memory_space<vmem>>, vector<1x16xf32>,
          %get3A_84 = vector.shape_cast %get3A_83 : vector<1x16xf32> to vector<16xf32>
          %mul3A_85 = arith.mulf %get3A_84, %get3A_71 : vector<16xf32>
          %swap3A_86 = arith.index_cast %scan3A_68 : i32 to index
          %swap3A_87 = arith.constant 16 : index
          %swap3A_88 = tpu.vector_load %arg10[%swap3A_86, %swap3A_87] {strides = array<i32>} : memref<128x128xf32, #tpu.memory_space<vmem>>, vector<1x16xf32>,
          %swap3A_89 = vector.shape_cast %swap3A_88 : vector<1x16xf32> to vector<16xf32>
          %swap3A_90 = vector.shape_cast %mul3A_85 : vector<16xf32> to vector<1x16xf32>
          tpu.vector_store %arg10[%swap3A_86, %swap3A_87], %swap3A_90 {strides = array<i32>} : memref<128x128xf32, #tpu.memory_space<vmem>>, vector<1x16xf32>,
          %get3A_91 = arith.index_cast %scan3A_68 : i32 to index
          %get3A_92 = arith.constant 32 : index
          %get3A_93 = tpu.vector_load %arg10[%get3A_91, %get3A_92] {strides = array<i32>} : memref<128x128xf32, #tpu.memory_space<vmem>>, vector<1x16xf32>,
          %get3A_94 = vector.shape_cast %get3A_93 : vector<1x16xf32> to vector<16xf32>
          %mul3A_95 = arith.mulf %get3A_94, %get3A_71 : vector<16xf32>
          %swap3A_96 = arith.index_cast %scan3A_68 : i32 to index
          %swap3A_97 = arith.constant 32 : index
          %swap3A_98 = tpu.vector_load %arg10[%swap3A_96, %swap3A_97] {strides = array<i32>} : memref<128x128xf32, #tpu.memory_space<vmem>>, vector<1x16xf32>,
          %swap3A_99 = vector.shape_cast %swap3A_98 : vector<1x16xf32> to vector<16xf32>
          %swap3A_100 = vector.shape_cast %mul3A_95 : vector<16xf32> to vector<1x16xf32>
          tpu.vector_store %arg10[%swap3A_96, %swap3A_97], %swap3A_100 {strides = array<i32>} : memref<128x128xf32, #tpu.memory_space<vmem>>, vector<1x16xf32>,
          %get3A_101 = arith.index_cast %scan3A_68 : i32 to index
          %get3A_102 = arith.constant 48 : index
          %get3A_103 = tpu.vector_load %arg10[%get3A_101, %get3A_102] {strides = array<i32>} : memref<128x128xf32, #tpu.memory_space<vmem>>, vector<1x16xf32>,
          %get3A_104 = vector.shape_cast %get3A_103 : vector<1x16xf32> to vector<16xf32>
          %mul3A_105 = arith.mulf %get3A_104, %get3A_71 : vector<16xf32>
          %swap3A_106 = arith.index_cast %scan3A_68 : i32 to index
          %swap3A_107 = arith.constant 48 : index
          %swap3A_108 = tpu.vector_load %arg10[%swap3A_106, %swap3A_107] {strides = array<i32>} : memref<128x128xf32, #tpu.memory_space<vmem>>, vector<1x16xf32>,
          %swap3A_109 = vector.shape_cast %swap3A_108 : vector<1x16xf32> to vector<16xf32>
          %swap3A_110 = vector.shape_cast %mul3A_105 : vector<16xf32> to vector<1x16xf32>
          tpu.vector_store %arg10[%swap3A_106, %swap3A_107], %swap3A_110 {strides = array<i32>} : memref<128x128xf32, #tpu.memory_space<vmem>>, vector<1x16xf32>,
          %get3A_111 = arith.index_cast %scan3A_68 : i32 to index
          %get3A_112 = arith.constant 64 : index
          %get3A_113 = tpu.vector_load %arg10[%get3A_111, %get3A_112] {strides = array<i32>} : memref<128x128xf32, #tpu.memory_space<vmem>>, vector<1x16xf32>,
          %get3A_114 = vector.shape_cast %get3A_113 : vector<1x16xf32> to vector<16xf32>
          %mul3A_115 = arith.mulf %get3A_114, %get3A_71 : vector<16xf32>
          %swap3A_116 = arith.index_cast %scan3A_68 : i32 to index
          %swap3A_117 = arith.constant 64 : index
          %swap3A_118 = tpu.vector_load %arg10[%swap3A_116, %swap3A_117] {strides = array<i32>} : memref<128x128xf32, #tpu.memory_space<vmem>>, vector<1x16xf32>,
          %swap3A_119 = vector.shape_cast %swap3A_118 : vector<1x16xf32> to vector<16xf32>
          %swap3A_120 = vector.shape_cast %mul3A_115 : vector<16xf32> to vector<1x16xf32>
          tpu.vector_store %arg10[%swap3A_116, %swap3A_117], %swap3A_120 {strides = array<i32>} : memref<128x128xf32, #tpu.memory_space<vmem>>, vector<1x16xf32>,
          %get3A_121 = arith.index_cast %scan3A_68 : i32 to index
          %get3A_122 = arith.constant 80 : index
          %get3A_123 = tpu.vector_load %arg10[%get3A_121, %get3A_122] {strides = array<i32>} : memref<128x128xf32, #tpu.memory_space<vmem>>, vector<1x16xf32>,
          %get3A_124 = vector.shape_cast %get3A_123 : vector<1x16xf32> to vector<16xf32>
          %mul3A_125 = arith.mulf %get3A_124, %get3A_71 : vector<16xf32>
          %swap3A_126 = arith.index_cast %scan3A_68 : i32 to index
          %swap3A_127 = arith.constant 80 : index
          %swap3A_128 = tpu.vector_load %arg10[%swap3A_126, %swap3A_127] {strides = array<i32>} : memref<128x128xf32, #tpu.memory_space<vmem>>, vector<1x16xf32>,
          %swap3A_129 = vector.shape_cast %swap3A_128 : vector<1x16xf32> to vector<16xf32>
          %swap3A_130 = vector.shape_cast %mul3A_125 : vector<16xf32> to vector<1x16xf32>
          tpu.vector_store %arg10[%swap3A_126, %swap3A_127], %swap3A_130 {strides = array<i32>} : memref<128x128xf32, #tpu.memory_space<vmem>>, vector<1x16xf32>,
          %get3A_131 = arith.index_cast %scan3A_68 : i32 to index
          %get3A_132 = arith.constant 96 : index
          %get3A_133 = tpu.vector_load %arg10[%get3A_131, %get3A_132] {strides = array<i32>} : memref<128x128xf32, #tpu.memory_space<vmem>>, vector<1x16xf32>,
          %get3A_134 = vector.shape_cast %get3A_133 : vector<1x16xf32> to vector<16xf32>
          %mul3A_135 = arith.mulf %get3A_134, %get3A_71 : vector<16xf32>
          %swap3A_136 = arith.index_cast %scan3A_68 : i32 to index
          %swap3A_137 = arith.constant 96 : index
          %swap3A_138 = tpu.vector_load %arg10[%swap3A_136, %swap3A_137] {strides = array<i32>} : memref<128x128xf32, #tpu.memory_space<vmem>>, vector<1x16xf32>,
          %swap3A_139 = vector.shape_cast %swap3A_138 : vector<1x16xf32> to vector<16xf32>
          %swap3A_140 = vector.shape_cast %mul3A_135 : vector<16xf32> to vector<1x16xf32>
          tpu.vector_store %arg10[%swap3A_136, %swap3A_137], %swap3A_140 {strides = array<i32>} : memref<128x128xf32, #tpu.memory_space<vmem>>, vector<1x16xf32>,
          %get3A_141 = arith.index_cast %scan3A_68 : i32 to index
          %get3A_142 = arith.constant 112 : index
          %get3A_143 = tpu.vector_load %arg10[%get3A_141, %get3A_142] {strides = array<i32>} : memref<128x128xf32, #tpu.memory_space<vmem>>, vector<1x16xf32>,
          %get3A_144 = vector.shape_cast %get3A_143 : vector<1x16xf32> to vector<16xf32>
          %mul3A_145 = arith.mulf %get3A_144, %get3A_71 : vector<16xf32>
          %swap3A_146 = arith.index_cast %scan3A_68 : i32 to index
          %swap3A_147 = arith.constant 112 : index
          %swap3A_148 = tpu.vector_load %arg10[%swap3A_146, %swap3A_147] {strides = array<i32>} : memref<128x128xf32, #tpu.memory_space<vmem>>, vector<1x16xf32>,
          %swap3A_149 = vector.shape_cast %swap3A_148 : vector<1x16xf32> to vector<16xf32>
          %swap3A_150 = vector.shape_cast %mul3A_145 : vector<16xf32> to vector<1x16xf32>
          tpu.vector_store %arg10[%swap3A_146, %swap3A_147], %swap3A_150 {strides = array<i32>} : memref<128x128xf32, #tpu.memory_space<vmem>>, vector<1x16xf32>,
        }
        %scan3A_67 = arith.constant 128 : i32
        "tpu.region"() ({
          %run_scoped3A = tpu.sem_alloc : memref<!tpu.dma_semaphore, #tpu.memory_space<semaphore_mem>>
          %dma_start3A_68 = arith.constant 0 : i32
          %dma_start3A_69 = arith.constant 0 : i32
          %dma_start3A_70 = tpu.memref_slice %arg11[%dma_start3A_68, %dma_start3A_69] : memref<10000x128xf32, #tpu.memory_space<vmem_shared>> -> memref<10000x128xf32, #tpu.memory_space<vmem_shared>>
          tpu.enqueue_indirect_dma source(%arg10 : memref<128x128xf32, #tpu.memory_space<vmem>>) target(%dma_start3A_70 : memref<10000x128xf32, #tpu.memory_space<vmem_shared>>) offsets(%arg8 : memref<128xi32, #tpu.memory_space<vmem>>) semaphore(%run_scoped3A : memref<!tpu.dma_semaphore, #tpu.memory_space<semaphore_mem>>) {add = true}
          %dma_wait3A_71 = arith.constant 0 : i32
          %dma_wait3A_72 = arith.constant 0 : i32
          %dma_wait3A_73 = tpu.memref_slice %arg11[%dma_wait3A_71, %dma_wait3A_72] : memref<10000x128xf32, #tpu.memory_space<vmem_shared>> -> memref<10000x128xf32, #tpu.memory_space<vmem_shared>>
          tpu.wait_indirect_dma semaphore(%run_scoped3A : memref<!tpu.dma_semaphore, #tpu.memory_space<semaphore_mem>>) src(%arg10 : memref<128x128xf32, #tpu.memory_space<vmem>>) dst(%dma_wait3A_73 : memref<10000x128xf32, #tpu.memory_space<vmem_shared>>)
          tpu.yield
        }) : () -> ()
      } else {
      }
    }
    %scan3A_34 = arith.constant 79 : i32
    %barrier3A_35 = arith.constant 0 : index
    tpu.barrier barrier_id(%barrier3A_35)
    %mul3A_36 = arith.constant 624 : i32
    %mul3A_37 = arith.muli %arg1, %mul3A_36 : i32
    %mul3A_38 = arith.constant 10000 : i32
    %mul3A_39 = arith.muli %arg0, %mul3A_38 : i32
    %mul3A_40 = arith.constant 624 : i32
    %mul3A_41 = arith.muli %arg1, %mul3A_40 : i32
    %add3A_42 = arith.addi %mul3A_39, %mul3A_41 : i32
    "tpu.region"() ({
      %run_scoped3A = tpu.sem_alloc : memref<!tpu.dma_semaphore, #tpu.memory_space<semaphore_mem>>
      %dma_start3A = arith.constant 0 : i32
      %dma_start3A_48 = tpu.memref_slice %arg6[%add3A_42, %dma_start3A] : memref<20000x128xf32, #tpu.memory_space<hbm>> -> memref<624x128xf32, #tpu.memory_space<hbm>>
      %dma_start3A_49 = arith.constant 0 : i32
      %dma_start3A_50 = tpu.memref_slice %arg11[%mul3A_37, %dma_start3A_49] : memref<10000x128xf32, #tpu.memory_space<vmem_shared>> -> memref<624x128xf32, #tpu.memory_space<vmem_shared>>
      tpu.enqueue_dma source(%dma_start3A_50 : memref<624x128xf32, #tpu.memory_space<vmem_shared>>) target(%dma_start3A_48 : memref<624x128xf32, #tpu.memory_space<hbm>>) target_semaphore(%run_scoped3A : memref<!tpu.dma_semaphore, #tpu.memory_space<semaphore_mem>>)
      %dma_wait3A = arith.constant 0 : i32
      %dma_wait3A_51 = tpu.memref_slice %arg6[%add3A_42, %dma_wait3A] : memref<20000x128xf32, #tpu.memory_space<hbm>> -> memref<624x128xf32, #tpu.memory_space<hbm>>
      %dma_wait3A_52 = arith.constant 0 : i32
      %dma_wait3A_53 = tpu.memref_slice %arg11[%mul3A_37, %dma_wait3A_52] : memref<10000x128xf32, #tpu.memory_space<vmem_shared>> -> memref<624x128xf32, #tpu.memory_space<vmem_shared>>
      tpu.wait_dma2 semaphore(%run_scoped3A : memref<!tpu.dma_semaphore, #tpu.memory_space<semaphore_mem>>) src(%dma_wait3A_53 : memref<624x128xf32, #tpu.memory_space<vmem_shared>>) dst(%dma_wait3A_51 : memref<624x128xf32, #tpu.memory_space<hbm>>)
      tpu.yield
    }) : () -> ()
    %eq3A_43 = arith.constant 0 : i32
    %eq3A_44 = arith.cmpi eq, %arg1, %eq3A_43 : i32
    %convert_element_type3A_45 = arith.extui %eq3A_44 : i1 to i32
    %cond3A_46 = arith.constant 0 : i32
    %cond3A_47 = arith.cmpi ne, %convert_element_type3A_45, %cond3A_46 : i32
    scf.if %cond3A_47 {
      %mul3A_48 = arith.constant 10000 : i32
      %mul3A_49 = arith.muli %arg0, %mul3A_48 : i32
      %add3A_50 = arith.constant 9984 : i32
      %add3A_51 = arith.addi %mul3A_49, %add3A_50 : i32
      "tpu.region"() ({
        %run_scoped3A = tpu.sem_alloc : memref<!tpu.dma_semaphore, #tpu.memory_space<semaphore_mem>>
        %dma_start3A = arith.constant 0 : i32
        %dma_start3A_52 = tpu.memref_slice %arg6[%add3A_51, %dma_start3A] : memref<20000x128xf32, #tpu.memory_space<hbm>> -> memref<16x128xf32, #tpu.memory_space<hbm>>
        %dma_start3A_53 = arith.constant 9984 : i32
        %dma_start3A_54 = arith.constant 0 : i32
        %dma_start3A_55 = tpu.memref_slice %arg11[%dma_start3A_53, %dma_start3A_54] : memref<10000x128xf32, #tpu.memory_space<vmem_shared>> -> memref<16x128xf32, #tpu.memory_space<vmem_shared>>
        tpu.enqueue_dma source(%dma_start3A_55 : memref<16x128xf32, #tpu.memory_space<vmem_shared>>) target(%dma_start3A_52 : memref<16x128xf32, #tpu.memory_space<hbm>>) target_semaphore(%run_scoped3A : memref<!tpu.dma_semaphore, #tpu.memory_space<semaphore_mem>>)
        %dma_wait3A = arith.constant 0 : i32
        %dma_wait3A_56 = tpu.memref_slice %arg6[%add3A_51, %dma_wait3A] : memref<20000x128xf32, #tpu.memory_space<hbm>> -> memref<16x128xf32, #tpu.memory_space<hbm>>
        %dma_wait3A_57 = arith.constant 9984 : i32
        %dma_wait3A_58 = arith.constant 0 : i32
        %dma_wait3A_59 = tpu.memref_slice %arg11[%dma_wait3A_57, %dma_wait3A_58] : memref<10000x128xf32, #tpu.memory_space<vmem_shared>> -> memref<16x128xf32, #tpu.memory_space<vmem_shared>>
        tpu.wait_dma2 semaphore(%run_scoped3A : memref<!tpu.dma_semaphore, #tpu.memory_space<semaphore_mem>>) src(%dma_wait3A_59 : memref<16x128xf32, #tpu.memory_space<vmem_shared>>) dst(%dma_wait3A_56 : memref<16x128xf32, #tpu.memory_space<hbm>>)
        tpu.yield
      }) : () -> ()
    } else {
    }
    return
  }
}

#map = affine_map<(d0, d1) -> (0, 0)>
#map1 = affine_map<(d0, d1) -> (0)>
module attributes {stable_mosaic.version = 14 : i64} {
  func.func @_sc_agg_body(%arg0: i32, %arg1: i32, %arg2: memref<10000x128xf32, #tpu.memory_space<hbm>>, %arg3: memref<320000xi32, #tpu.memory_space<hbm>>, %arg4: memref<320000xi32, #tpu.memory_space<hbm>>, %arg5: memref<320000x16xf32, #tpu.memory_space<hbm>>, %arg6: memref<20000x128xf32, #tpu.memory_space<hbm>>, %arg7: memref<128xi32, #tpu.memory_space<vmem>>, %arg8: memref<128xi32, #tpu.memory_space<vmem>>, %arg9: memref<128x16xf32, #tpu.memory_space<vmem>>, %arg10: memref<128x128xf32, #tpu.memory_space<vmem>>, %arg11: memref<10000x128xf32, #tpu.memory_space<vmem_shared>>, %arg12: memref<!tpu.dma_semaphore, #tpu.memory_space<semaphore_mem>>) attributes {dimension_semantics = [#tpu.dimension_semantics<core_parallel>, #tpu.dimension_semantics<subcore_parallel>], iteration_bounds = array<i64: 2, 16>, scalar_prefetch = 0 : i64, scratch_operands = 6 : i64, tpu.core_type = #tpu.core_type<sc_vector_subcore>, window_params = [{transform_indices = #map}, {transform_indices = #map1}, {transform_indices = #map1}, {transform_indices = #map}, {transform_indices = #map}]} {
    %mul3A = arith.constant 2 : i32
    %mul3A_0 = arith.muli %arg1, %mul3A : i32
    %add3A = arith.addi %mul3A_0, %arg0 : i32
    %broadcast_in_dim3A = arith.constant 0.000000e+00 : f32
    %broadcast_in_dim3A_1 = vector.broadcast %broadcast_in_dim3A : f32 to vector<16xf32>
    %scan3A = arith.constant 0 : i32
    %scan3A_2 = arith.constant 0 : i32
    %scan3A_3 = arith.constant 128 : i32
    %scan3A_4 = arith.addi %scan3A_2, %scan3A_3 : i32
    %scan3A_5 = arith.constant 1 : i32
    scf.for %scan3A_48 = %scan3A_2 to %scan3A_4 step %scan3A_5  : i32 {
      %swap3A = arith.index_cast %scan3A_48 : i32 to index
      %swap3A_49 = arith.constant 0 : index
      %swap3A_50 = tpu.vector_load %arg10[%swap3A, %swap3A_49] {strides = array<i32>} : memref<128x128xf32, #tpu.memory_space<vmem>>, vector<1x16xf32>,
      %swap3A_51 = vector.shape_cast %swap3A_50 : vector<1x16xf32> to vector<16xf32>
      %swap3A_52 = vector.shape_cast %broadcast_in_dim3A_1 : vector<16xf32> to vector<1x16xf32>
      tpu.vector_store %arg10[%swap3A, %swap3A_49], %swap3A_52 {strides = array<i32>} : memref<128x128xf32, #tpu.memory_space<vmem>>, vector<1x16xf32>,
      %swap3A_53 = arith.index_cast %scan3A_48 : i32 to index
      %swap3A_54 = arith.constant 16 : index
      %swap3A_55 = tpu.vector_load %arg10[%swap3A_53, %swap3A_54] {strides = array<i32>} : memref<128x128xf32, #tpu.memory_space<vmem>>, vector<1x16xf32>,
      %swap3A_56 = vector.shape_cast %swap3A_55 : vector<1x16xf32> to vector<16xf32>
      %swap3A_57 = vector.shape_cast %broadcast_in_dim3A_1 : vector<16xf32> to vector<1x16xf32>
      tpu.vector_store %arg10[%swap3A_53, %swap3A_54], %swap3A_57 {strides = array<i32>} : memref<128x128xf32, #tpu.memory_space<vmem>>, vector<1x16xf32>,
      %swap3A_58 = arith.index_cast %scan3A_48 : i32 to index
      %swap3A_59 = arith.constant 32 : index
      %swap3A_60 = tpu.vector_load %arg10[%swap3A_58, %swap3A_59] {strides = array<i32>} : memref<128x128xf32, #tpu.memory_space<vmem>>, vector<1x16xf32>,
      %swap3A_61 = vector.shape_cast %swap3A_60 : vector<1x16xf32> to vector<16xf32>
      %swap3A_62 = vector.shape_cast %broadcast_in_dim3A_1 : vector<16xf32> to vector<1x16xf32>
      tpu.vector_store %arg10[%swap3A_58, %swap3A_59], %swap3A_62 {strides = array<i32>} : memref<128x128xf32, #tpu.memory_space<vmem>>, vector<1x16xf32>,
      %swap3A_63 = arith.index_cast %scan3A_48 : i32 to index
      %swap3A_64 = arith.constant 48 : index
      %swap3A_65 = tpu.vector_load %arg10[%swap3A_63, %swap3A_64] {strides = array<i32>} : memref<128x128xf32, #tpu.memory_space<vmem>>, vector<1x16xf32>,
      %swap3A_66 = vector.shape_cast %swap3A_65 : vector<1x16xf32> to vector<16xf32>
      %swap3A_67 = vector.shape_cast %broadcast_in_dim3A_1 : vector<16xf32> to vector<1x16xf32>
      tpu.vector_store %arg10[%swap3A_63, %swap3A_64], %swap3A_67 {strides = array<i32>} : memref<128x128xf32, #tpu.memory_space<vmem>>, vector<1x16xf32>,
      %swap3A_68 = arith.index_cast %scan3A_48 : i32 to index
      %swap3A_69 = arith.constant 64 : index
      %swap3A_70 = tpu.vector_load %arg10[%swap3A_68, %swap3A_69] {strides = array<i32>} : memref<128x128xf32, #tpu.memory_space<vmem>>, vector<1x16xf32>,
      %swap3A_71 = vector.shape_cast %swap3A_70 : vector<1x16xf32> to vector<16xf32>
      %swap3A_72 = vector.shape_cast %broadcast_in_dim3A_1 : vector<16xf32> to vector<1x16xf32>
      tpu.vector_store %arg10[%swap3A_68, %swap3A_69], %swap3A_72 {strides = array<i32>} : memref<128x128xf32, #tpu.memory_space<vmem>>, vector<1x16xf32>,
      %swap3A_73 = arith.index_cast %scan3A_48 : i32 to index
      %swap3A_74 = arith.constant 80 : index
      %swap3A_75 = tpu.vector_load %arg10[%swap3A_73, %swap3A_74] {strides = array<i32>} : memref<128x128xf32, #tpu.memory_space<vmem>>, vector<1x16xf32>,
      %swap3A_76 = vector.shape_cast %swap3A_75 : vector<1x16xf32> to vector<16xf32>
      %swap3A_77 = vector.shape_cast %broadcast_in_dim3A_1 : vector<16xf32> to vector<1x16xf32>
      tpu.vector_store %arg10[%swap3A_73, %swap3A_74], %swap3A_77 {strides = array<i32>} : memref<128x128xf32, #tpu.memory_space<vmem>>, vector<1x16xf32>,
      %swap3A_78 = arith.index_cast %scan3A_48 : i32 to index
      %swap3A_79 = arith.constant 96 : index
      %swap3A_80 = tpu.vector_load %arg10[%swap3A_78, %swap3A_79] {strides = array<i32>} : memref<128x128xf32, #tpu.memory_space<vmem>>, vector<1x16xf32>,
      %swap3A_81 = vector.shape_cast %swap3A_80 : vector<1x16xf32> to vector<16xf32>
      %swap3A_82 = vector.shape_cast %broadcast_in_dim3A_1 : vector<16xf32> to vector<1x16xf32>
      tpu.vector_store %arg10[%swap3A_78, %swap3A_79], %swap3A_82 {strides = array<i32>} : memref<128x128xf32, #tpu.memory_space<vmem>>, vector<1x16xf32>,
      %swap3A_83 = arith.index_cast %scan3A_48 : i32 to index
      %swap3A_84 = arith.constant 112 : index
      %swap3A_85 = tpu.vector_load %arg10[%swap3A_83, %swap3A_84] {strides = array<i32>} : memref<128x128xf32, #tpu.memory_space<vmem>>, vector<1x16xf32>,
      %swap3A_86 = vector.shape_cast %swap3A_85 : vector<1x16xf32> to vector<16xf32>
      %swap3A_87 = vector.shape_cast %broadcast_in_dim3A_1 : vector<16xf32> to vector<1x16xf32>
      tpu.vector_store %arg10[%swap3A_83, %swap3A_84], %swap3A_87 {strides = array<i32>} : memref<128x128xf32, #tpu.memory_space<vmem>>, vector<1x16xf32>,
    }
    %scan3A_6 = arith.constant 128 : i32
    %mul3A_7 = arith.constant 624 : i32
    %mul3A_8 = arith.muli %arg1, %mul3A_7 : i32
    %add3A_9 = arith.constant 0 : i32
    %add3A_10 = arith.addi %mul3A_8, %add3A_9 : i32
    "tpu.region"() ({
      %run_scoped3A = tpu.sem_alloc : memref<!tpu.dma_semaphore, #tpu.memory_space<semaphore_mem>>
      %dma_start3A = arith.constant 0 : i32
      %dma_start3A_48 = arith.constant 0 : i32
      %dma_start3A_49 = tpu.memref_slice %arg10[%dma_start3A, %dma_start3A_48] : memref<128x128xf32, #tpu.memory_space<vmem>> -> memref<128x128xf32, #tpu.memory_space<vmem>>
      %dma_start3A_50 = arith.constant 0 : i32
      %dma_start3A_51 = tpu.memref_slice %arg11[%add3A_10, %dma_start3A_50] : memref<10000x128xf32, #tpu.memory_space<vmem_shared>> -> memref<128x128xf32, #tpu.memory_space<vmem_shared>>
      %dma_start3A_52 = arith.constant 0 : i32
      %dma_start3A_53 = tpu.memref_slice %arg11[%add3A_10, %dma_start3A_52] : memref<10000x128xf32, #tpu.memory_space<vmem_shared>> -> memref<128x128xf32, #tpu.memory_space<vmem_shared>>
      %dma_start3A_54 = arith.constant 0 : i32
      %dma_start3A_55 = arith.constant 0 : i32
      %dma_start3A_56 = tpu.memref_slice %arg10[%dma_start3A_54, %dma_start3A_55] : memref<128x128xf32, #tpu.memory_space<vmem>> -> memref<128x128xf32, #tpu.memory_space<vmem>>
      tpu.enqueue_dma source(%dma_start3A_56 : memref<128x128xf32, #tpu.memory_space<vmem>>) target(%dma_start3A_53 : memref<128x128xf32, #tpu.memory_space<vmem_shared>>) target_semaphore(%run_scoped3A : memref<!tpu.dma_semaphore, #tpu.memory_space<semaphore_mem>>)
      %dma_wait3A = arith.constant 0 : i32
      %dma_wait3A_57 = arith.constant 0 : i32
      %dma_wait3A_58 = tpu.memref_slice %arg10[%dma_wait3A, %dma_wait3A_57] : memref<128x128xf32, #tpu.memory_space<vmem>> -> memref<128x128xf32, #tpu.memory_space<vmem>>
      %dma_wait3A_59 = arith.constant 0 : i32
      %dma_wait3A_60 = tpu.memref_slice %arg11[%add3A_10, %dma_wait3A_59] : memref<10000x128xf32, #tpu.memory_space<vmem_shared>> -> memref<128x128xf32, #tpu.memory_space<vmem_shared>>
      %dma_wait3A_61 = arith.constant 0 : i32
      %dma_wait3A_62 = tpu.memref_slice %arg11[%add3A_10, %dma_wait3A_61] : memref<10000x128xf32, #tpu.memory_space<vmem_shared>> -> memref<128x128xf32, #tpu.memory_space<vmem_shared>>
      %dma_wait3A_63 = arith.constant 0 : i32
      %dma_wait3A_64 = arith.constant 0 : i32
      %dma_wait3A_65 = tpu.memref_slice %arg10[%dma_wait3A_63, %dma_wait3A_64] : memref<128x128xf32, #tpu.memory_space<vmem>> -> memref<128x128xf32, #tpu.memory_space<vmem>>
      tpu.wait_dma2 semaphore(%run_scoped3A : memref<!tpu.dma_semaphore, #tpu.memory_space<semaphore_mem>>) src(%dma_wait3A_65 : memref<128x128xf32, #tpu.memory_space<vmem>>) dst(%dma_wait3A_62 : memref<128x128xf32, #tpu.memory_space<vmem_shared>>)
      tpu.yield
    }) : () -> ()
    %mul3A_11 = arith.constant 624 : i32
    %mul3A_12 = arith.muli %arg1, %mul3A_11 : i32
    %add3A_13 = arith.constant 128 : i32
    %add3A_14 = arith.addi %mul3A_12, %add3A_13 : i32
    "tpu.region"() ({
      %run_scoped3A = tpu.sem_alloc : memref<!tpu.dma_semaphore, #tpu.memory_space<semaphore_mem>>
      %dma_start3A = arith.constant 0 : i32
      %dma_start3A_48 = arith.constant 0 : i32
      %dma_start3A_49 = tpu.memref_slice %arg10[%dma_start3A, %dma_start3A_48] : memref<128x128xf32, #tpu.memory_space<vmem>> -> memref<128x128xf32, #tpu.memory_space<vmem>>
      %dma_start3A_50 = arith.constant 0 : i32
      %dma_start3A_51 = tpu.memref_slice %arg11[%add3A_14, %dma_start3A_50] : memref<10000x128xf32, #tpu.memory_space<vmem_shared>> -> memref<128x128xf32, #tpu.memory_space<vmem_shared>>
      %dma_start3A_52 = arith.constant 0 : i32
      %dma_start3A_53 = tpu.memref_slice %arg11[%add3A_14, %dma_start3A_52] : memref<10000x128xf32, #tpu.memory_space<vmem_shared>> -> memref<128x128xf32, #tpu.memory_space<vmem_shared>>
      %dma_start3A_54 = arith.constant 0 : i32
      %dma_start3A_55 = arith.constant 0 : i32
      %dma_start3A_56 = tpu.memref_slice %arg10[%dma_start3A_54, %dma_start3A_55] : memref<128x128xf32, #tpu.memory_space<vmem>> -> memref<128x128xf32, #tpu.memory_space<vmem>>
      tpu.enqueue_dma source(%dma_start3A_56 : memref<128x128xf32, #tpu.memory_space<vmem>>) target(%dma_start3A_53 : memref<128x128xf32, #tpu.memory_space<vmem_shared>>) target_semaphore(%run_scoped3A : memref<!tpu.dma_semaphore, #tpu.memory_space<semaphore_mem>>)
      %dma_wait3A = arith.constant 0 : i32
      %dma_wait3A_57 = arith.constant 0 : i32
      %dma_wait3A_58 = tpu.memref_slice %arg10[%dma_wait3A, %dma_wait3A_57] : memref<128x128xf32, #tpu.memory_space<vmem>> -> memref<128x128xf32, #tpu.memory_space<vmem>>
      %dma_wait3A_59 = arith.constant 0 : i32
      %dma_wait3A_60 = tpu.memref_slice %arg11[%add3A_14, %dma_wait3A_59] : memref<10000x128xf32, #tpu.memory_space<vmem_shared>> -> memref<128x128xf32, #tpu.memory_space<vmem_shared>>
      %dma_wait3A_61 = arith.constant 0 : i32
      %dma_wait3A_62 = tpu.memref_slice %arg11[%add3A_14, %dma_wait3A_61] : memref<10000x128xf32, #tpu.memory_space<vmem_shared>> -> memref<128x128xf32, #tpu.memory_space<vmem_shared>>
      %dma_wait3A_63 = arith.constant 0 : i32
      %dma_wait3A_64 = arith.constant 0 : i32
      %dma_wait3A_65 = tpu.memref_slice %arg10[%dma_wait3A_63, %dma_wait3A_64] : memref<128x128xf32, #tpu.memory_space<vmem>> -> memref<128x128xf32, #tpu.memory_space<vmem>>
      tpu.wait_dma2 semaphore(%run_scoped3A : memref<!tpu.dma_semaphore, #tpu.memory_space<semaphore_mem>>) src(%dma_wait3A_65 : memref<128x128xf32, #tpu.memory_space<vmem>>) dst(%dma_wait3A_62 : memref<128x128xf32, #tpu.memory_space<vmem_shared>>)
      tpu.yield
    }) : () -> ()
    %mul3A_15 = arith.constant 624 : i32
    %mul3A_16 = arith.muli %arg1, %mul3A_15 : i32
    %add3A_17 = arith.constant 256 : i32
    %add3A_18 = arith.addi %mul3A_16, %add3A_17 : i32
    "tpu.region"() ({
      %run_scoped3A = tpu.sem_alloc : memref<!tpu.dma_semaphore, #tpu.memory_space<semaphore_mem>>
      %dma_start3A = arith.constant 0 : i32
      %dma_start3A_48 = arith.constant 0 : i32
      %dma_start3A_49 = tpu.memref_slice %arg10[%dma_start3A, %dma_start3A_48] : memref<128x128xf32, #tpu.memory_space<vmem>> -> memref<128x128xf32, #tpu.memory_space<vmem>>
      %dma_start3A_50 = arith.constant 0 : i32
      %dma_start3A_51 = tpu.memref_slice %arg11[%add3A_18, %dma_start3A_50] : memref<10000x128xf32, #tpu.memory_space<vmem_shared>> -> memref<128x128xf32, #tpu.memory_space<vmem_shared>>
      %dma_start3A_52 = arith.constant 0 : i32
      %dma_start3A_53 = tpu.memref_slice %arg11[%add3A_18, %dma_start3A_52] : memref<10000x128xf32, #tpu.memory_space<vmem_shared>> -> memref<128x128xf32, #tpu.memory_space<vmem_shared>>
      %dma_start3A_54 = arith.constant 0 : i32
      %dma_start3A_55 = arith.constant 0 : i32
      %dma_start3A_56 = tpu.memref_slice %arg10[%dma_start3A_54, %dma_start3A_55] : memref<128x128xf32, #tpu.memory_space<vmem>> -> memref<128x128xf32, #tpu.memory_space<vmem>>
      tpu.enqueue_dma source(%dma_start3A_56 : memref<128x128xf32, #tpu.memory_space<vmem>>) target(%dma_start3A_53 : memref<128x128xf32, #tpu.memory_space<vmem_shared>>) target_semaphore(%run_scoped3A : memref<!tpu.dma_semaphore, #tpu.memory_space<semaphore_mem>>)
      %dma_wait3A = arith.constant 0 : i32
      %dma_wait3A_57 = arith.constant 0 : i32
      %dma_wait3A_58 = tpu.memref_slice %arg10[%dma_wait3A, %dma_wait3A_57] : memref<128x128xf32, #tpu.memory_space<vmem>> -> memref<128x128xf32, #tpu.memory_space<vmem>>
      %dma_wait3A_59 = arith.constant 0 : i32
      %dma_wait3A_60 = tpu.memref_slice %arg11[%add3A_18, %dma_wait3A_59] : memref<10000x128xf32, #tpu.memory_space<vmem_shared>> -> memref<128x128xf32, #tpu.memory_space<vmem_shared>>
      %dma_wait3A_61 = arith.constant 0 : i32
      %dma_wait3A_62 = tpu.memref_slice %arg11[%add3A_18, %dma_wait3A_61] : memref<10000x128xf32, #tpu.memory_space<vmem_shared>> -> memref<128x128xf32, #tpu.memory_space<vmem_shared>>
      %dma_wait3A_63 = arith.constant 0 : i32
      %dma_wait3A_64 = arith.constant 0 : i32
      %dma_wait3A_65 = tpu.memref_slice %arg10[%dma_wait3A_63, %dma_wait3A_64] : memref<128x128xf32, #tpu.memory_space<vmem>> -> memref<128x128xf32, #tpu.memory_space<vmem>>
      tpu.wait_dma2 semaphore(%run_scoped3A : memref<!tpu.dma_semaphore, #tpu.memory_space<semaphore_mem>>) src(%dma_wait3A_65 : memref<128x128xf32, #tpu.memory_space<vmem>>) dst(%dma_wait3A_62 : memref<128x128xf32, #tpu.memory_space<vmem_shared>>)
      tpu.yield
    }) : () -> ()
    %mul3A_19 = arith.constant 624 : i32
    %mul3A_20 = arith.muli %arg1, %mul3A_19 : i32
    %add3A_21 = arith.constant 384 : i32
    %add3A_22 = arith.addi %mul3A_20, %add3A_21 : i32
    "tpu.region"() ({
      %run_scoped3A = tpu.sem_alloc : memref<!tpu.dma_semaphore, #tpu.memory_space<semaphore_mem>>
      %dma_start3A = arith.constant 0 : i32
      %dma_start3A_48 = arith.constant 0 : i32
      %dma_start3A_49 = tpu.memref_slice %arg10[%dma_start3A, %dma_start3A_48] : memref<128x128xf32, #tpu.memory_space<vmem>> -> memref<128x128xf32, #tpu.memory_space<vmem>>
      %dma_start3A_50 = arith.constant 0 : i32
      %dma_start3A_51 = tpu.memref_slice %arg11[%add3A_22, %dma_start3A_50] : memref<10000x128xf32, #tpu.memory_space<vmem_shared>> -> memref<128x128xf32, #tpu.memory_space<vmem_shared>>
      %dma_start3A_52 = arith.constant 0 : i32
      %dma_start3A_53 = tpu.memref_slice %arg11[%add3A_22, %dma_start3A_52] : memref<10000x128xf32, #tpu.memory_space<vmem_shared>> -> memref<128x128xf32, #tpu.memory_space<vmem_shared>>
      %dma_start3A_54 = arith.constant 0 : i32
      %dma_start3A_55 = arith.constant 0 : i32
      %dma_start3A_56 = tpu.memref_slice %arg10[%dma_start3A_54, %dma_start3A_55] : memref<128x128xf32, #tpu.memory_space<vmem>> -> memref<128x128xf32, #tpu.memory_space<vmem>>
      tpu.enqueue_dma source(%dma_start3A_56 : memref<128x128xf32, #tpu.memory_space<vmem>>) target(%dma_start3A_53 : memref<128x128xf32, #tpu.memory_space<vmem_shared>>) target_semaphore(%run_scoped3A : memref<!tpu.dma_semaphore, #tpu.memory_space<semaphore_mem>>)
      %dma_wait3A = arith.constant 0 : i32
      %dma_wait3A_57 = arith.constant 0 : i32
      %dma_wait3A_58 = tpu.memref_slice %arg10[%dma_wait3A, %dma_wait3A_57] : memref<128x128xf32, #tpu.memory_space<vmem>> -> memref<128x128xf32, #tpu.memory_space<vmem>>
      %dma_wait3A_59 = arith.constant 0 : i32
      %dma_wait3A_60 = tpu.memref_slice %arg11[%add3A_22, %dma_wait3A_59] : memref<10000x128xf32, #tpu.memory_space<vmem_shared>> -> memref<128x128xf32, #tpu.memory_space<vmem_shared>>
      %dma_wait3A_61 = arith.constant 0 : i32
      %dma_wait3A_62 = tpu.memref_slice %arg11[%add3A_22, %dma_wait3A_61] : memref<10000x128xf32, #tpu.memory_space<vmem_shared>> -> memref<128x128xf32, #tpu.memory_space<vmem_shared>>
      %dma_wait3A_63 = arith.constant 0 : i32
      %dma_wait3A_64 = arith.constant 0 : i32
      %dma_wait3A_65 = tpu.memref_slice %arg10[%dma_wait3A_63, %dma_wait3A_64] : memref<128x128xf32, #tpu.memory_space<vmem>> -> memref<128x128xf32, #tpu.memory_space<vmem>>
      tpu.wait_dma2 semaphore(%run_scoped3A : memref<!tpu.dma_semaphore, #tpu.memory_space<semaphore_mem>>) src(%dma_wait3A_65 : memref<128x128xf32, #tpu.memory_space<vmem>>) dst(%dma_wait3A_62 : memref<128x128xf32, #tpu.memory_space<vmem_shared>>)
      tpu.yield
    }) : () -> ()
    %mul3A_23 = arith.constant 624 : i32
    %mul3A_24 = arith.muli %arg1, %mul3A_23 : i32
    %add3A_25 = arith.constant 512 : i32
    %add3A_26 = arith.addi %mul3A_24, %add3A_25 : i32
    "tpu.region"() ({
      %run_scoped3A = tpu.sem_alloc : memref<!tpu.dma_semaphore, #tpu.memory_space<semaphore_mem>>
      %dma_start3A = arith.constant 0 : i32
      %dma_start3A_48 = arith.constant 0 : i32
      %dma_start3A_49 = tpu.memref_slice %arg10[%dma_start3A, %dma_start3A_48] : memref<128x128xf32, #tpu.memory_space<vmem>> -> memref<112x128xf32, #tpu.memory_space<vmem>>
      %dma_start3A_50 = arith.constant 0 : i32
      %dma_start3A_51 = tpu.memref_slice %arg11[%add3A_26, %dma_start3A_50] : memref<10000x128xf32, #tpu.memory_space<vmem_shared>> -> memref<112x128xf32, #tpu.memory_space<vmem_shared>>
      %dma_start3A_52 = arith.constant 0 : i32
      %dma_start3A_53 = tpu.memref_slice %arg11[%add3A_26, %dma_start3A_52] : memref<10000x128xf32, #tpu.memory_space<vmem_shared>> -> memref<112x128xf32, #tpu.memory_space<vmem_shared>>
      %dma_start3A_54 = arith.constant 0 : i32
      %dma_start3A_55 = arith.constant 0 : i32
      %dma_start3A_56 = tpu.memref_slice %arg10[%dma_start3A_54, %dma_start3A_55] : memref<128x128xf32, #tpu.memory_space<vmem>> -> memref<112x128xf32, #tpu.memory_space<vmem>>
      tpu.enqueue_dma source(%dma_start3A_56 : memref<112x128xf32, #tpu.memory_space<vmem>>) target(%dma_start3A_53 : memref<112x128xf32, #tpu.memory_space<vmem_shared>>) target_semaphore(%run_scoped3A : memref<!tpu.dma_semaphore, #tpu.memory_space<semaphore_mem>>)
      %dma_wait3A = arith.constant 0 : i32
      %dma_wait3A_57 = arith.constant 0 : i32
      %dma_wait3A_58 = tpu.memref_slice %arg10[%dma_wait3A, %dma_wait3A_57] : memref<128x128xf32, #tpu.memory_space<vmem>> -> memref<112x128xf32, #tpu.memory_space<vmem>>
      %dma_wait3A_59 = arith.constant 0 : i32
      %dma_wait3A_60 = tpu.memref_slice %arg11[%add3A_26, %dma_wait3A_59] : memref<10000x128xf32, #tpu.memory_space<vmem_shared>> -> memref<112x128xf32, #tpu.memory_space<vmem_shared>>
      %dma_wait3A_61 = arith.constant 0 : i32
      %dma_wait3A_62 = tpu.memref_slice %arg11[%add3A_26, %dma_wait3A_61] : memref<10000x128xf32, #tpu.memory_space<vmem_shared>> -> memref<112x128xf32, #tpu.memory_space<vmem_shared>>
      %dma_wait3A_63 = arith.constant 0 : i32
      %dma_wait3A_64 = arith.constant 0 : i32
      %dma_wait3A_65 = tpu.memref_slice %arg10[%dma_wait3A_63, %dma_wait3A_64] : memref<128x128xf32, #tpu.memory_space<vmem>> -> memref<112x128xf32, #tpu.memory_space<vmem>>
      tpu.wait_dma2 semaphore(%run_scoped3A : memref<!tpu.dma_semaphore, #tpu.memory_space<semaphore_mem>>) src(%dma_wait3A_65 : memref<112x128xf32, #tpu.memory_space<vmem>>) dst(%dma_wait3A_62 : memref<112x128xf32, #tpu.memory_space<vmem_shared>>)
      tpu.yield
    }) : () -> ()
    %eq3A = arith.constant 0 : i32
    %eq3A_27 = arith.cmpi eq, %arg1, %eq3A : i32
    %convert_element_type3A = arith.extui %eq3A_27 : i1 to i32
    %cond3A = arith.constant 0 : i32
    %cond3A_28 = arith.cmpi ne, %convert_element_type3A, %cond3A : i32
    scf.if %cond3A_28 {
      "tpu.region"() ({
        %run_scoped3A = tpu.sem_alloc : memref<!tpu.dma_semaphore, #tpu.memory_space<semaphore_mem>>
        %dma_start3A = arith.constant 0 : i32
        %dma_start3A_48 = arith.constant 0 : i32
        %dma_start3A_49 = tpu.memref_slice %arg10[%dma_start3A, %dma_start3A_48] : memref<128x128xf32, #tpu.memory_space<vmem>> -> memref<16x128xf32, #tpu.memory_space<vmem>>
        %dma_start3A_50 = arith.constant 9984 : i32
        %dma_start3A_51 = arith.constant 0 : i32
        %dma_start3A_52 = tpu.memref_slice %arg11[%dma_start3A_50, %dma_start3A_51] : memref<10000x128xf32, #tpu.memory_space<vmem_shared>> -> memref<16x128xf32, #tpu.memory_space<vmem_shared>>
        %dma_start3A_53 = arith.constant 9984 : i32
        %dma_start3A_54 = arith.constant 0 : i32
        %dma_start3A_55 = tpu.memref_slice %arg11[%dma_start3A_53, %dma_start3A_54] : memref<10000x128xf32, #tpu.memory_space<vmem_shared>> -> memref<16x128xf32, #tpu.memory_space<vmem_shared>>
        %dma_start3A_56 = arith.constant 0 : i32
        %dma_start3A_57 = arith.constant 0 : i32
        %dma_start3A_58 = tpu.memref_slice %arg10[%dma_start3A_56, %dma_start3A_57] : memref<128x128xf32, #tpu.memory_space<vmem>> -> memref<16x128xf32, #tpu.memory_space<vmem>>
        tpu.enqueue_dma source(%dma_start3A_58 : memref<16x128xf32, #tpu.memory_space<vmem>>) target(%dma_start3A_55 : memref<16x128xf32, #tpu.memory_space<vmem_shared>>) target_semaphore(%run_scoped3A : memref<!tpu.dma_semaphore, #tpu.memory_space<semaphore_mem>>)
        %dma_wait3A = arith.constant 0 : i32
        %dma_wait3A_59 = arith.constant 0 : i32
        %dma_wait3A_60 = tpu.memref_slice %arg10[%dma_wait3A, %dma_wait3A_59] : memref<128x128xf32, #tpu.memory_space<vmem>> -> memref<16x128xf32, #tpu.memory_space<vmem>>
        %dma_wait3A_61 = arith.constant 9984 : i32
        %dma_wait3A_62 = arith.constant 0 : i32
        %dma_wait3A_63 = tpu.memref_slice %arg11[%dma_wait3A_61, %dma_wait3A_62] : memref<10000x128xf32, #tpu.memory_space<vmem_shared>> -> memref<16x128xf32, #tpu.memory_space<vmem_shared>>
        %dma_wait3A_64 = arith.constant 9984 : i32
        %dma_wait3A_65 = arith.constant 0 : i32
        %dma_wait3A_66 = tpu.memref_slice %arg11[%dma_wait3A_64, %dma_wait3A_65] : memref<10000x128xf32, #tpu.memory_space<vmem_shared>> -> memref<16x128xf32, #tpu.memory_space<vmem_shared>>
        %dma_wait3A_67 = arith.constant 0 : i32
        %dma_wait3A_68 = arith.constant 0 : i32
        %dma_wait3A_69 = tpu.memref_slice %arg10[%dma_wait3A_67, %dma_wait3A_68] : memref<128x128xf32, #tpu.memory_space<vmem>> -> memref<16x128xf32, #tpu.memory_space<vmem>>
        tpu.wait_dma2 semaphore(%run_scoped3A : memref<!tpu.dma_semaphore, #tpu.memory_space<semaphore_mem>>) src(%dma_wait3A_69 : memref<16x128xf32, #tpu.memory_space<vmem>>) dst(%dma_wait3A_66 : memref<16x128xf32, #tpu.memory_space<vmem_shared>>)
        tpu.yield
      }) : () -> ()
    } else {
    }
    %barrier3A = arith.constant 0 : index
    tpu.barrier barrier_id(%barrier3A)
    %scan3A_29 = arith.constant 0 : i32
    %scan3A_30 = arith.constant 0 : i32
    %scan3A_31 = arith.constant 79 : i32
    %scan3A_32 = arith.addi %scan3A_30, %scan3A_31 : i32
    %scan3A_33 = arith.constant 1 : i32
    scf.for %scan3A_48 = %scan3A_30 to %scan3A_32 step %scan3A_33  : i32 {
      %mul3A_49 = arith.constant 32 : i32
      %mul3A_50 = arith.muli %scan3A_48, %mul3A_49 : i32
      %add3A_51 = arith.addi %mul3A_50, %add3A : i32
      %lt3A = arith.constant 2500 : i32
      %lt3A_52 = arith.cmpi slt, %add3A_51, %lt3A : i32
      %convert_element_type3A_53 = arith.extui %lt3A_52 : i1 to i32
      %cond3A_54 = arith.constant 0 : i32
      %cond3A_55 = arith.cmpi ne, %convert_element_type3A_53, %cond3A_54 : i32
      scf.if %cond3A_55 {
        %mul3A_56 = arith.constant 128 : i32
        %mul3A_57 = arith.muli %add3A_51, %mul3A_56 : i32
        %multiple_of3A = tpu.assume_multiple %mul3A_57, 128 : i32
        "tpu.region"() ({
          %run_scoped3A = tpu.sem_alloc : memref<!tpu.dma_semaphore, #tpu.memory_space<semaphore_mem>>
          %dma_start3A_68 = tpu.memref_slice %arg3[%multiple_of3A] : memref<320000xi32, #tpu.memory_space<hbm>> -> memref<128xi32, #tpu.memory_space<hbm>>
          %dma_start3A_69 = tpu.memref_slice %arg3[%multiple_of3A] : memref<320000xi32, #tpu.memory_space<hbm>> -> memref<128xi32, #tpu.memory_space<hbm>>
          tpu.enqueue_dma source(%dma_start3A_69 : memref<128xi32, #tpu.memory_space<hbm>>) target(%arg7 : memref<128xi32, #tpu.memory_space<vmem>>) target_semaphore(%run_scoped3A : memref<!tpu.dma_semaphore, #tpu.memory_space<semaphore_mem>>)
          %dma_wait3A_70 = tpu.memref_slice %arg3[%multiple_of3A] : memref<320000xi32, #tpu.memory_space<hbm>> -> memref<128xi32, #tpu.memory_space<hbm>>
          %dma_wait3A_71 = tpu.memref_slice %arg3[%multiple_of3A] : memref<320000xi32, #tpu.memory_space<hbm>> -> memref<128xi32, #tpu.memory_space<hbm>>
          tpu.wait_dma2 semaphore(%run_scoped3A : memref<!tpu.dma_semaphore, #tpu.memory_space<semaphore_mem>>) src(%dma_wait3A_71 : memref<128xi32, #tpu.memory_space<hbm>>) dst(%arg7 : memref<128xi32, #tpu.memory_space<vmem>>)
          tpu.yield
        }) : () -> ()
        "tpu.region"() ({
          %run_scoped3A = tpu.sem_alloc : memref<!tpu.dma_semaphore, #tpu.memory_space<semaphore_mem>>
          %dma_start3A_68 = tpu.memref_slice %arg4[%multiple_of3A] : memref<320000xi32, #tpu.memory_space<hbm>> -> memref<128xi32, #tpu.memory_space<hbm>>
          %dma_start3A_69 = tpu.memref_slice %arg4[%multiple_of3A] : memref<320000xi32, #tpu.memory_space<hbm>> -> memref<128xi32, #tpu.memory_space<hbm>>
          tpu.enqueue_dma source(%dma_start3A_69 : memref<128xi32, #tpu.memory_space<hbm>>) target(%arg8 : memref<128xi32, #tpu.memory_space<vmem>>) target_semaphore(%run_scoped3A : memref<!tpu.dma_semaphore, #tpu.memory_space<semaphore_mem>>)
          %dma_wait3A_70 = tpu.memref_slice %arg4[%multiple_of3A] : memref<320000xi32, #tpu.memory_space<hbm>> -> memref<128xi32, #tpu.memory_space<hbm>>
          %dma_wait3A_71 = tpu.memref_slice %arg4[%multiple_of3A] : memref<320000xi32, #tpu.memory_space<hbm>> -> memref<128xi32, #tpu.memory_space<hbm>>
          tpu.wait_dma2 semaphore(%run_scoped3A : memref<!tpu.dma_semaphore, #tpu.memory_space<semaphore_mem>>) src(%dma_wait3A_71 : memref<128xi32, #tpu.memory_space<hbm>>) dst(%arg8 : memref<128xi32, #tpu.memory_space<vmem>>)
          tpu.yield
        }) : () -> ()
        "tpu.region"() ({
          %run_scoped3A = tpu.sem_alloc : memref<!tpu.dma_semaphore, #tpu.memory_space<semaphore_mem>>
          %dma_start3A_68 = arith.constant 0 : i32
          %dma_start3A_69 = tpu.memref_slice %arg5[%multiple_of3A, %dma_start3A_68] : memref<320000x16xf32, #tpu.memory_space<hbm>> -> memref<128x16xf32, #tpu.memory_space<hbm>>
          %dma_start3A_70 = arith.constant 0 : i32
          %dma_start3A_71 = tpu.memref_slice %arg5[%multiple_of3A, %dma_start3A_70] : memref<320000x16xf32, #tpu.memory_space<hbm>> -> memref<128x16xf32, #tpu.memory_space<hbm>>
          tpu.enqueue_dma source(%dma_start3A_71 : memref<128x16xf32, #tpu.memory_space<hbm>>) target(%arg9 : memref<128x16xf32, #tpu.memory_space<vmem>>) target_semaphore(%run_scoped3A : memref<!tpu.dma_semaphore, #tpu.memory_space<semaphore_mem>>)
          %dma_wait3A_72 = arith.constant 0 : i32
          %dma_wait3A_73 = tpu.memref_slice %arg5[%multiple_of3A, %dma_wait3A_72] : memref<320000x16xf32, #tpu.memory_space<hbm>> -> memref<128x16xf32, #tpu.memory_space<hbm>>
          %dma_wait3A_74 = arith.constant 0 : i32
          %dma_wait3A_75 = tpu.memref_slice %arg5[%multiple_of3A, %dma_wait3A_74] : memref<320000x16xf32, #tpu.memory_space<hbm>> -> memref<128x16xf32, #tpu.memory_space<hbm>>
          tpu.wait_dma2 semaphore(%run_scoped3A : memref<!tpu.dma_semaphore, #tpu.memory_space<semaphore_mem>>) src(%dma_wait3A_75 : memref<128x16xf32, #tpu.memory_space<hbm>>) dst(%arg9 : memref<128x16xf32, #tpu.memory_space<vmem>>)
          tpu.yield
        }) : () -> ()
        %dma_start3A = arith.constant 0 : i32
        %dma_start3A_58 = arith.constant 0 : i32
        %dma_start3A_59 = tpu.memref_slice %arg2[%dma_start3A, %dma_start3A_58] : memref<10000x128xf32, #tpu.memory_space<hbm>> -> memref<10000x128xf32, #tpu.memory_space<hbm>>
        tpu.enqueue_indirect_dma source(%dma_start3A_59 : memref<10000x128xf32, #tpu.memory_space<hbm>>) target(%arg10 : memref<128x128xf32, #tpu.memory_space<vmem>>) offsets(%arg7 : memref<128xi32, #tpu.memory_space<vmem>>) semaphore(%arg12 : memref<!tpu.dma_semaphore, #tpu.memory_space<semaphore_mem>>)
        %dma_wait3A = arith.constant 0 : i32
        %dma_wait3A_60 = arith.constant 0 : i32
        %dma_wait3A_61 = tpu.memref_slice %arg2[%dma_wait3A, %dma_wait3A_60] : memref<10000x128xf32, #tpu.memory_space<hbm>> -> memref<10000x128xf32, #tpu.memory_space<hbm>>
        tpu.wait_indirect_dma semaphore(%arg12 : memref<!tpu.dma_semaphore, #tpu.memory_space<semaphore_mem>>) src(%dma_wait3A_61 : memref<10000x128xf32, #tpu.memory_space<hbm>>) dst(%arg10 : memref<128x128xf32, #tpu.memory_space<vmem>>)
        %scan3A_62 = arith.constant 0 : i32
        %scan3A_63 = arith.constant 0 : i32
        %scan3A_64 = arith.constant 128 : i32
        %scan3A_65 = arith.addi %scan3A_63, %scan3A_64 : i32
        %scan3A_66 = arith.constant 1 : i32
        scf.for %scan3A_68 = %scan3A_63 to %scan3A_65 step %scan3A_66  : i32 {
          %get3A = arith.index_cast %scan3A_68 : i32 to index
          %get3A_69 = arith.constant 0 : index
          %get3A_70 = tpu.vector_load %arg9[%get3A, %get3A_69] {strides = array<i32>} : memref<128x16xf32, #tpu.memory_space<vmem>>, vector<1x16xf32>,
          %get3A_71 = vector.shape_cast %get3A_70 : vector<1x16xf32> to vector<16xf32>
          %get3A_72 = arith.index_cast %scan3A_68 : i32 to index
          %get3A_73 = arith.constant 0 : index
          %get3A_74 = tpu.vector_load %arg10[%get3A_72, %get3A_73] {strides = array<i32>} : memref<128x128xf32, #tpu.memory_space<vmem>>, vector<1x16xf32>,
          %get3A_75 = vector.shape_cast %get3A_74 : vector<1x16xf32> to vector<16xf32>
          %mul3A_76 = arith.mulf %get3A_75, %get3A_71 : vector<16xf32>
          %swap3A = arith.index_cast %scan3A_68 : i32 to index
          %swap3A_77 = arith.constant 0 : index
          %swap3A_78 = tpu.vector_load %arg10[%swap3A, %swap3A_77] {strides = array<i32>} : memref<128x128xf32, #tpu.memory_space<vmem>>, vector<1x16xf32>,
          %swap3A_79 = vector.shape_cast %swap3A_78 : vector<1x16xf32> to vector<16xf32>
          %swap3A_80 = vector.shape_cast %mul3A_76 : vector<16xf32> to vector<1x16xf32>
          tpu.vector_store %arg10[%swap3A, %swap3A_77], %swap3A_80 {strides = array<i32>} : memref<128x128xf32, #tpu.memory_space<vmem>>, vector<1x16xf32>,
          %get3A_81 = arith.index_cast %scan3A_68 : i32 to index
          %get3A_82 = arith.constant 16 : index
          %get3A_83 = tpu.vector_load %arg10[%get3A_81, %get3A_82] {strides = array<i32>} : memref<128x128xf32, #tpu.memory_space<vmem>>, vector<1x16xf32>,
          %get3A_84 = vector.shape_cast %get3A_83 : vector<1x16xf32> to vector<16xf32>
          %mul3A_85 = arith.mulf %get3A_84, %get3A_71 : vector<16xf32>
          %swap3A_86 = arith.index_cast %scan3A_68 : i32 to index
          %swap3A_87 = arith.constant 16 : index
          %swap3A_88 = tpu.vector_load %arg10[%swap3A_86, %swap3A_87] {strides = array<i32>} : memref<128x128xf32, #tpu.memory_space<vmem>>, vector<1x16xf32>,
          %swap3A_89 = vector.shape_cast %swap3A_88 : vector<1x16xf32> to vector<16xf32>
          %swap3A_90 = vector.shape_cast %mul3A_85 : vector<16xf32> to vector<1x16xf32>
          tpu.vector_store %arg10[%swap3A_86, %swap3A_87], %swap3A_90 {strides = array<i32>} : memref<128x128xf32, #tpu.memory_space<vmem>>, vector<1x16xf32>,
          %get3A_91 = arith.index_cast %scan3A_68 : i32 to index
          %get3A_92 = arith.constant 32 : index
          %get3A_93 = tpu.vector_load %arg10[%get3A_91, %get3A_92] {strides = array<i32>} : memref<128x128xf32, #tpu.memory_space<vmem>>, vector<1x16xf32>,
          %get3A_94 = vector.shape_cast %get3A_93 : vector<1x16xf32> to vector<16xf32>
          %mul3A_95 = arith.mulf %get3A_94, %get3A_71 : vector<16xf32>
          %swap3A_96 = arith.index_cast %scan3A_68 : i32 to index
          %swap3A_97 = arith.constant 32 : index
          %swap3A_98 = tpu.vector_load %arg10[%swap3A_96, %swap3A_97] {strides = array<i32>} : memref<128x128xf32, #tpu.memory_space<vmem>>, vector<1x16xf32>,
          %swap3A_99 = vector.shape_cast %swap3A_98 : vector<1x16xf32> to vector<16xf32>
          %swap3A_100 = vector.shape_cast %mul3A_95 : vector<16xf32> to vector<1x16xf32>
          tpu.vector_store %arg10[%swap3A_96, %swap3A_97], %swap3A_100 {strides = array<i32>} : memref<128x128xf32, #tpu.memory_space<vmem>>, vector<1x16xf32>,
          %get3A_101 = arith.index_cast %scan3A_68 : i32 to index
          %get3A_102 = arith.constant 48 : index
          %get3A_103 = tpu.vector_load %arg10[%get3A_101, %get3A_102] {strides = array<i32>} : memref<128x128xf32, #tpu.memory_space<vmem>>, vector<1x16xf32>,
          %get3A_104 = vector.shape_cast %get3A_103 : vector<1x16xf32> to vector<16xf32>
          %mul3A_105 = arith.mulf %get3A_104, %get3A_71 : vector<16xf32>
          %swap3A_106 = arith.index_cast %scan3A_68 : i32 to index
          %swap3A_107 = arith.constant 48 : index
          %swap3A_108 = tpu.vector_load %arg10[%swap3A_106, %swap3A_107] {strides = array<i32>} : memref<128x128xf32, #tpu.memory_space<vmem>>, vector<1x16xf32>,
          %swap3A_109 = vector.shape_cast %swap3A_108 : vector<1x16xf32> to vector<16xf32>
          %swap3A_110 = vector.shape_cast %mul3A_105 : vector<16xf32> to vector<1x16xf32>
          tpu.vector_store %arg10[%swap3A_106, %swap3A_107], %swap3A_110 {strides = array<i32>} : memref<128x128xf32, #tpu.memory_space<vmem>>, vector<1x16xf32>,
          %get3A_111 = arith.index_cast %scan3A_68 : i32 to index
          %get3A_112 = arith.constant 64 : index
          %get3A_113 = tpu.vector_load %arg10[%get3A_111, %get3A_112] {strides = array<i32>} : memref<128x128xf32, #tpu.memory_space<vmem>>, vector<1x16xf32>,
          %get3A_114 = vector.shape_cast %get3A_113 : vector<1x16xf32> to vector<16xf32>
          %mul3A_115 = arith.mulf %get3A_114, %get3A_71 : vector<16xf32>
          %swap3A_116 = arith.index_cast %scan3A_68 : i32 to index
          %swap3A_117 = arith.constant 64 : index
          %swap3A_118 = tpu.vector_load %arg10[%swap3A_116, %swap3A_117] {strides = array<i32>} : memref<128x128xf32, #tpu.memory_space<vmem>>, vector<1x16xf32>,
          %swap3A_119 = vector.shape_cast %swap3A_118 : vector<1x16xf32> to vector<16xf32>
          %swap3A_120 = vector.shape_cast %mul3A_115 : vector<16xf32> to vector<1x16xf32>
          tpu.vector_store %arg10[%swap3A_116, %swap3A_117], %swap3A_120 {strides = array<i32>} : memref<128x128xf32, #tpu.memory_space<vmem>>, vector<1x16xf32>,
          %get3A_121 = arith.index_cast %scan3A_68 : i32 to index
          %get3A_122 = arith.constant 80 : index
          %get3A_123 = tpu.vector_load %arg10[%get3A_121, %get3A_122] {strides = array<i32>} : memref<128x128xf32, #tpu.memory_space<vmem>>, vector<1x16xf32>,
          %get3A_124 = vector.shape_cast %get3A_123 : vector<1x16xf32> to vector<16xf32>
          %mul3A_125 = arith.mulf %get3A_124, %get3A_71 : vector<16xf32>
          %swap3A_126 = arith.index_cast %scan3A_68 : i32 to index
          %swap3A_127 = arith.constant 80 : index
          %swap3A_128 = tpu.vector_load %arg10[%swap3A_126, %swap3A_127] {strides = array<i32>} : memref<128x128xf32, #tpu.memory_space<vmem>>, vector<1x16xf32>,
          %swap3A_129 = vector.shape_cast %swap3A_128 : vector<1x16xf32> to vector<16xf32>
          %swap3A_130 = vector.shape_cast %mul3A_125 : vector<16xf32> to vector<1x16xf32>
          tpu.vector_store %arg10[%swap3A_126, %swap3A_127], %swap3A_130 {strides = array<i32>} : memref<128x128xf32, #tpu.memory_space<vmem>>, vector<1x16xf32>,
          %get3A_131 = arith.index_cast %scan3A_68 : i32 to index
          %get3A_132 = arith.constant 96 : index
          %get3A_133 = tpu.vector_load %arg10[%get3A_131, %get3A_132] {strides = array<i32>} : memref<128x128xf32, #tpu.memory_space<vmem>>, vector<1x16xf32>,
          %get3A_134 = vector.shape_cast %get3A_133 : vector<1x16xf32> to vector<16xf32>
          %mul3A_135 = arith.mulf %get3A_134, %get3A_71 : vector<16xf32>
          %swap3A_136 = arith.index_cast %scan3A_68 : i32 to index
          %swap3A_137 = arith.constant 96 : index
          %swap3A_138 = tpu.vector_load %arg10[%swap3A_136, %swap3A_137] {strides = array<i32>} : memref<128x128xf32, #tpu.memory_space<vmem>>, vector<1x16xf32>,
          %swap3A_139 = vector.shape_cast %swap3A_138 : vector<1x16xf32> to vector<16xf32>
          %swap3A_140 = vector.shape_cast %mul3A_135 : vector<16xf32> to vector<1x16xf32>
          tpu.vector_store %arg10[%swap3A_136, %swap3A_137], %swap3A_140 {strides = array<i32>} : memref<128x128xf32, #tpu.memory_space<vmem>>, vector<1x16xf32>,
          %get3A_141 = arith.index_cast %scan3A_68 : i32 to index
          %get3A_142 = arith.constant 112 : index
          %get3A_143 = tpu.vector_load %arg10[%get3A_141, %get3A_142] {strides = array<i32>} : memref<128x128xf32, #tpu.memory_space<vmem>>, vector<1x16xf32>,
          %get3A_144 = vector.shape_cast %get3A_143 : vector<1x16xf32> to vector<16xf32>
          %mul3A_145 = arith.mulf %get3A_144, %get3A_71 : vector<16xf32>
          %swap3A_146 = arith.index_cast %scan3A_68 : i32 to index
          %swap3A_147 = arith.constant 112 : index
          %swap3A_148 = tpu.vector_load %arg10[%swap3A_146, %swap3A_147] {strides = array<i32>} : memref<128x128xf32, #tpu.memory_space<vmem>>, vector<1x16xf32>,
          %swap3A_149 = vector.shape_cast %swap3A_148 : vector<1x16xf32> to vector<16xf32>
          %swap3A_150 = vector.shape_cast %mul3A_145 : vector<16xf32> to vector<1x16xf32>
          tpu.vector_store %arg10[%swap3A_146, %swap3A_147], %swap3A_150 {strides = array<i32>} : memref<128x128xf32, #tpu.memory_space<vmem>>, vector<1x16xf32>,
        }
        %scan3A_67 = arith.constant 128 : i32
        "tpu.region"() ({
          %run_scoped3A = tpu.sem_alloc : memref<!tpu.dma_semaphore, #tpu.memory_space<semaphore_mem>>
          %dma_start3A_68 = arith.constant 0 : i32
          %dma_start3A_69 = arith.constant 0 : i32
          %dma_start3A_70 = tpu.memref_slice %arg11[%dma_start3A_68, %dma_start3A_69] : memref<10000x128xf32, #tpu.memory_space<vmem_shared>> -> memref<10000x128xf32, #tpu.memory_space<vmem_shared>>
          tpu.enqueue_indirect_dma source(%arg10 : memref<128x128xf32, #tpu.memory_space<vmem>>) target(%dma_start3A_70 : memref<10000x128xf32, #tpu.memory_space<vmem_shared>>) offsets(%arg8 : memref<128xi32, #tpu.memory_space<vmem>>) semaphore(%run_scoped3A : memref<!tpu.dma_semaphore, #tpu.memory_space<semaphore_mem>>) {add = true}
          %dma_wait3A_71 = arith.constant 0 : i32
          %dma_wait3A_72 = arith.constant 0 : i32
          %dma_wait3A_73 = tpu.memref_slice %arg11[%dma_wait3A_71, %dma_wait3A_72] : memref<10000x128xf32, #tpu.memory_space<vmem_shared>> -> memref<10000x128xf32, #tpu.memory_space<vmem_shared>>
          tpu.wait_indirect_dma semaphore(%run_scoped3A : memref<!tpu.dma_semaphore, #tpu.memory_space<semaphore_mem>>) src(%arg10 : memref<128x128xf32, #tpu.memory_space<vmem>>) dst(%dma_wait3A_73 : memref<10000x128xf32, #tpu.memory_space<vmem_shared>>)
          tpu.yield
        }) : () -> ()
      } else {
      }
    }
    %scan3A_34 = arith.constant 79 : i32
    %barrier3A_35 = arith.constant 0 : index
    tpu.barrier barrier_id(%barrier3A_35)
    %mul3A_36 = arith.constant 624 : i32
    %mul3A_37 = arith.muli %arg1, %mul3A_36 : i32
    %mul3A_38 = arith.constant 10000 : i32
    %mul3A_39 = arith.muli %arg0, %mul3A_38 : i32
    %mul3A_40 = arith.constant 624 : i32
    %mul3A_41 = arith.muli %arg1, %mul3A_40 : i32
    %add3A_42 = arith.addi %mul3A_39, %mul3A_41 : i32
    "tpu.region"() ({
      %run_scoped3A = tpu.sem_alloc : memref<!tpu.dma_semaphore, #tpu.memory_space<semaphore_mem>>
      %dma_start3A = arith.constant 0 : i32
      %dma_start3A_48 = tpu.memref_slice %arg6[%add3A_42, %dma_start3A] : memref<20000x128xf32, #tpu.memory_space<hbm>> -> memref<624x128xf32, #tpu.memory_space<hbm>>
      %dma_start3A_49 = arith.constant 0 : i32
      %dma_start3A_50 = tpu.memref_slice %arg11[%mul3A_37, %dma_start3A_49] : memref<10000x128xf32, #tpu.memory_space<vmem_shared>> -> memref<624x128xf32, #tpu.memory_space<vmem_shared>>
      tpu.enqueue_dma source(%dma_start3A_50 : memref<624x128xf32, #tpu.memory_space<vmem_shared>>) target(%dma_start3A_48 : memref<624x128xf32, #tpu.memory_space<hbm>>) target_semaphore(%run_scoped3A : memref<!tpu.dma_semaphore, #tpu.memory_space<semaphore_mem>>)
      %dma_wait3A = arith.constant 0 : i32
      %dma_wait3A_51 = tpu.memref_slice %arg6[%add3A_42, %dma_wait3A] : memref<20000x128xf32, #tpu.memory_space<hbm>> -> memref<624x128xf32, #tpu.memory_space<hbm>>
      %dma_wait3A_52 = arith.constant 0 : i32
      %dma_wait3A_53 = tpu.memref_slice %arg11[%mul3A_37, %dma_wait3A_52] : memref<10000x128xf32, #tpu.memory_space<vmem_shared>> -> memref<624x128xf32, #tpu.memory_space<vmem_shared>>
      tpu.wait_dma2 semaphore(%run_scoped3A : memref<!tpu.dma_semaphore, #tpu.memory_space<semaphore_mem>>) src(%dma_wait3A_53 : memref<624x128xf32, #tpu.memory_space<vmem_shared>>) dst(%dma_wait3A_51 : memref<624x128xf32, #tpu.memory_space<hbm>>)
      tpu.yield
    }) : () -> ()
    %eq3A_43 = arith.constant 0 : i32
    %eq3A_44 = arith.cmpi eq, %arg1, %eq3A_43 : i32
    %convert_element_type3A_45 = arith.extui %eq3A_44 : i1 to i32
    %cond3A_46 = arith.constant 0 : i32
    %cond3A_47 = arith.cmpi ne, %convert_element_type3A_45, %cond3A_46 : i32
    scf.if %cond3A_47 {
      %mul3A_48 = arith.constant 10000 : i32
      %mul3A_49 = arith.muli %arg0, %mul3A_48 : i32
      %add3A_50 = arith.constant 9984 : i32
      %add3A_51 = arith.addi %mul3A_49, %add3A_50 : i32
      "tpu.region"() ({
        %run_scoped3A = tpu.sem_alloc : memref<!tpu.dma_semaphore, #tpu.memory_space<semaphore_mem>>
        %dma_start3A = arith.constant 0 : i32
        %dma_start3A_52 = tpu.memref_slice %arg6[%add3A_51, %dma_start3A] : memref<20000x128xf32, #tpu.memory_space<hbm>> -> memref<16x128xf32, #tpu.memory_space<hbm>>
        %dma_start3A_53 = arith.constant 9984 : i32
        %dma_start3A_54 = arith.constant 0 : i32
        %dma_start3A_55 = tpu.memref_slice %arg11[%dma_start3A_53, %dma_start3A_54] : memref<10000x128xf32, #tpu.memory_space<vmem_shared>> -> memref<16x128xf32, #tpu.memory_space<vmem_shared>>
        tpu.enqueue_dma source(%dma_start3A_55 : memref<16x128xf32, #tpu.memory_space<vmem_shared>>) target(%dma_start3A_52 : memref<16x128xf32, #tpu.memory_space<hbm>>) target_semaphore(%run_scoped3A : memref<!tpu.dma_semaphore, #tpu.memory_space<semaphore_mem>>)
        %dma_wait3A = arith.constant 0 : i32
        %dma_wait3A_56 = tpu.memref_slice %arg6[%add3A_51, %dma_wait3A] : memref<20000x128xf32, #tpu.memory_space<hbm>> -> memref<16x128xf32, #tpu.memory_space<hbm>>
        %dma_wait3A_57 = arith.constant 9984 : i32
        %dma_wait3A_58 = arith.constant 0 : i32
        %dma_wait3A_59 = tpu.memref_slice %arg11[%dma_wait3A_57, %dma_wait3A_58] : memref<10000x128xf32, #tpu.memory_space<vmem_shared>> -> memref<16x128xf32, #tpu.memory_space<vmem_shared>>
        tpu.wait_dma2 semaphore(%run_scoped3A : memref<!tpu.dma_semaphore, #tpu.memory_space<semaphore_mem>>) src(%dma_wait3A_59 : memref<16x128xf32, #tpu.memory_space<vmem_shared>>) dst(%dma_wait3A_56 : memref<16x128xf32, #tpu.memory_space<hbm>>)
        tpu.yield
      }) : () -> ()
    } else {
    }
    return
  }
}

#map = affine_map<(d0, d1) -> (0, 0)>
#map1 = affine_map<(d0, d1) -> (0)>
module attributes {stable_mosaic.version = 14 : i64} {
  func.func @_sc_agg_body(%arg0: i32, %arg1: i32, %arg2: memref<10000x128xf32, #tpu.memory_space<hbm>>, %arg3: memref<320000xi32, #tpu.memory_space<hbm>>, %arg4: memref<320000xi32, #tpu.memory_space<hbm>>, %arg5: memref<320000x16xf32, #tpu.memory_space<hbm>>, %arg6: memref<20000x128xf32, #tpu.memory_space<hbm>>, %arg7: memref<128xi32, #tpu.memory_space<vmem>>, %arg8: memref<128xi32, #tpu.memory_space<vmem>>, %arg9: memref<128x16xf32, #tpu.memory_space<vmem>>, %arg10: memref<128x128xf32, #tpu.memory_space<vmem>>, %arg11: memref<10000x128xf32, #tpu.memory_space<vmem_shared>>, %arg12: memref<!tpu.dma_semaphore, #tpu.memory_space<semaphore_mem>>) attributes {dimension_semantics = [#tpu.dimension_semantics<core_parallel>, #tpu.dimension_semantics<subcore_parallel>], iteration_bounds = array<i64: 2, 16>, scalar_prefetch = 0 : i64, scratch_operands = 6 : i64, tpu.core_type = #tpu.core_type<sc_vector_subcore>, window_params = [{transform_indices = #map}, {transform_indices = #map1}, {transform_indices = #map1}, {transform_indices = #map}, {transform_indices = #map}]} {
    %mul3A = arith.constant 2 : i32
    %mul3A_0 = arith.muli %arg1, %mul3A : i32
    %add3A = arith.addi %mul3A_0, %arg0 : i32
    %broadcast_in_dim3A = arith.constant 0.000000e+00 : f32
    %broadcast_in_dim3A_1 = vector.broadcast %broadcast_in_dim3A : f32 to vector<16xf32>
    %scan3A = arith.constant 0 : i32
    %scan3A_2 = arith.constant 0 : i32
    %scan3A_3 = arith.constant 128 : i32
    %scan3A_4 = arith.addi %scan3A_2, %scan3A_3 : i32
    %scan3A_5 = arith.constant 1 : i32
    scf.for %scan3A_48 = %scan3A_2 to %scan3A_4 step %scan3A_5  : i32 {
      %swap3A = arith.index_cast %scan3A_48 : i32 to index
      %swap3A_49 = arith.constant 0 : index
      %swap3A_50 = tpu.vector_load %arg10[%swap3A, %swap3A_49] {strides = array<i32>} : memref<128x128xf32, #tpu.memory_space<vmem>>, vector<1x16xf32>,
      %swap3A_51 = vector.shape_cast %swap3A_50 : vector<1x16xf32> to vector<16xf32>
      %swap3A_52 = vector.shape_cast %broadcast_in_dim3A_1 : vector<16xf32> to vector<1x16xf32>
      tpu.vector_store %arg10[%swap3A, %swap3A_49], %swap3A_52 {strides = array<i32>} : memref<128x128xf32, #tpu.memory_space<vmem>>, vector<1x16xf32>,
      %swap3A_53 = arith.index_cast %scan3A_48 : i32 to index
      %swap3A_54 = arith.constant 16 : index
      %swap3A_55 = tpu.vector_load %arg10[%swap3A_53, %swap3A_54] {strides = array<i32>} : memref<128x128xf32, #tpu.memory_space<vmem>>, vector<1x16xf32>,
      %swap3A_56 = vector.shape_cast %swap3A_55 : vector<1x16xf32> to vector<16xf32>
      %swap3A_57 = vector.shape_cast %broadcast_in_dim3A_1 : vector<16xf32> to vector<1x16xf32>
      tpu.vector_store %arg10[%swap3A_53, %swap3A_54], %swap3A_57 {strides = array<i32>} : memref<128x128xf32, #tpu.memory_space<vmem>>, vector<1x16xf32>,
      %swap3A_58 = arith.index_cast %scan3A_48 : i32 to index
      %swap3A_59 = arith.constant 32 : index
      %swap3A_60 = tpu.vector_load %arg10[%swap3A_58, %swap3A_59] {strides = array<i32>} : memref<128x128xf32, #tpu.memory_space<vmem>>, vector<1x16xf32>,
      %swap3A_61 = vector.shape_cast %swap3A_60 : vector<1x16xf32> to vector<16xf32>
      %swap3A_62 = vector.shape_cast %broadcast_in_dim3A_1 : vector<16xf32> to vector<1x16xf32>
      tpu.vector_store %arg10[%swap3A_58, %swap3A_59], %swap3A_62 {strides = array<i32>} : memref<128x128xf32, #tpu.memory_space<vmem>>, vector<1x16xf32>,
      %swap3A_63 = arith.index_cast %scan3A_48 : i32 to index
      %swap3A_64 = arith.constant 48 : index
      %swap3A_65 = tpu.vector_load %arg10[%swap3A_63, %swap3A_64] {strides = array<i32>} : memref<128x128xf32, #tpu.memory_space<vmem>>, vector<1x16xf32>,
      %swap3A_66 = vector.shape_cast %swap3A_65 : vector<1x16xf32> to vector<16xf32>
      %swap3A_67 = vector.shape_cast %broadcast_in_dim3A_1 : vector<16xf32> to vector<1x16xf32>
      tpu.vector_store %arg10[%swap3A_63, %swap3A_64], %swap3A_67 {strides = array<i32>} : memref<128x128xf32, #tpu.memory_space<vmem>>, vector<1x16xf32>,
      %swap3A_68 = arith.index_cast %scan3A_48 : i32 to index
      %swap3A_69 = arith.constant 64 : index
      %swap3A_70 = tpu.vector_load %arg10[%swap3A_68, %swap3A_69] {strides = array<i32>} : memref<128x128xf32, #tpu.memory_space<vmem>>, vector<1x16xf32>,
      %swap3A_71 = vector.shape_cast %swap3A_70 : vector<1x16xf32> to vector<16xf32>
      %swap3A_72 = vector.shape_cast %broadcast_in_dim3A_1 : vector<16xf32> to vector<1x16xf32>
      tpu.vector_store %arg10[%swap3A_68, %swap3A_69], %swap3A_72 {strides = array<i32>} : memref<128x128xf32, #tpu.memory_space<vmem>>, vector<1x16xf32>,
      %swap3A_73 = arith.index_cast %scan3A_48 : i32 to index
      %swap3A_74 = arith.constant 80 : index
      %swap3A_75 = tpu.vector_load %arg10[%swap3A_73, %swap3A_74] {strides = array<i32>} : memref<128x128xf32, #tpu.memory_space<vmem>>, vector<1x16xf32>,
      %swap3A_76 = vector.shape_cast %swap3A_75 : vector<1x16xf32> to vector<16xf32>
      %swap3A_77 = vector.shape_cast %broadcast_in_dim3A_1 : vector<16xf32> to vector<1x16xf32>
      tpu.vector_store %arg10[%swap3A_73, %swap3A_74], %swap3A_77 {strides = array<i32>} : memref<128x128xf32, #tpu.memory_space<vmem>>, vector<1x16xf32>,
      %swap3A_78 = arith.index_cast %scan3A_48 : i32 to index
      %swap3A_79 = arith.constant 96 : index
      %swap3A_80 = tpu.vector_load %arg10[%swap3A_78, %swap3A_79] {strides = array<i32>} : memref<128x128xf32, #tpu.memory_space<vmem>>, vector<1x16xf32>,
      %swap3A_81 = vector.shape_cast %swap3A_80 : vector<1x16xf32> to vector<16xf32>
      %swap3A_82 = vector.shape_cast %broadcast_in_dim3A_1 : vector<16xf32> to vector<1x16xf32>
      tpu.vector_store %arg10[%swap3A_78, %swap3A_79], %swap3A_82 {strides = array<i32>} : memref<128x128xf32, #tpu.memory_space<vmem>>, vector<1x16xf32>,
      %swap3A_83 = arith.index_cast %scan3A_48 : i32 to index
      %swap3A_84 = arith.constant 112 : index
      %swap3A_85 = tpu.vector_load %arg10[%swap3A_83, %swap3A_84] {strides = array<i32>} : memref<128x128xf32, #tpu.memory_space<vmem>>, vector<1x16xf32>,
      %swap3A_86 = vector.shape_cast %swap3A_85 : vector<1x16xf32> to vector<16xf32>
      %swap3A_87 = vector.shape_cast %broadcast_in_dim3A_1 : vector<16xf32> to vector<1x16xf32>
      tpu.vector_store %arg10[%swap3A_83, %swap3A_84], %swap3A_87 {strides = array<i32>} : memref<128x128xf32, #tpu.memory_space<vmem>>, vector<1x16xf32>,
    }
    %scan3A_6 = arith.constant 128 : i32
    %mul3A_7 = arith.constant 624 : i32
    %mul3A_8 = arith.muli %arg1, %mul3A_7 : i32
    %add3A_9 = arith.constant 0 : i32
    %add3A_10 = arith.addi %mul3A_8, %add3A_9 : i32
    "tpu.region"() ({
      %run_scoped3A = tpu.sem_alloc : memref<!tpu.dma_semaphore, #tpu.memory_space<semaphore_mem>>
      %dma_start3A = arith.constant 0 : i32
      %dma_start3A_48 = arith.constant 0 : i32
      %dma_start3A_49 = tpu.memref_slice %arg10[%dma_start3A, %dma_start3A_48] : memref<128x128xf32, #tpu.memory_space<vmem>> -> memref<128x128xf32, #tpu.memory_space<vmem>>
      %dma_start3A_50 = arith.constant 0 : i32
      %dma_start3A_51 = tpu.memref_slice %arg11[%add3A_10, %dma_start3A_50] : memref<10000x128xf32, #tpu.memory_space<vmem_shared>> -> memref<128x128xf32, #tpu.memory_space<vmem_shared>>
      %dma_start3A_52 = arith.constant 0 : i32
      %dma_start3A_53 = tpu.memref_slice %arg11[%add3A_10, %dma_start3A_52] : memref<10000x128xf32, #tpu.memory_space<vmem_shared>> -> memref<128x128xf32, #tpu.memory_space<vmem_shared>>
      %dma_start3A_54 = arith.constant 0 : i32
      %dma_start3A_55 = arith.constant 0 : i32
      %dma_start3A_56 = tpu.memref_slice %arg10[%dma_start3A_54, %dma_start3A_55] : memref<128x128xf32, #tpu.memory_space<vmem>> -> memref<128x128xf32, #tpu.memory_space<vmem>>
      tpu.enqueue_dma source(%dma_start3A_56 : memref<128x128xf32, #tpu.memory_space<vmem>>) target(%dma_start3A_53 : memref<128x128xf32, #tpu.memory_space<vmem_shared>>) target_semaphore(%run_scoped3A : memref<!tpu.dma_semaphore, #tpu.memory_space<semaphore_mem>>)
      %dma_wait3A = arith.constant 0 : i32
      %dma_wait3A_57 = arith.constant 0 : i32
      %dma_wait3A_58 = tpu.memref_slice %arg10[%dma_wait3A, %dma_wait3A_57] : memref<128x128xf32, #tpu.memory_space<vmem>> -> memref<128x128xf32, #tpu.memory_space<vmem>>
      %dma_wait3A_59 = arith.constant 0 : i32
      %dma_wait3A_60 = tpu.memref_slice %arg11[%add3A_10, %dma_wait3A_59] : memref<10000x128xf32, #tpu.memory_space<vmem_shared>> -> memref<128x128xf32, #tpu.memory_space<vmem_shared>>
      %dma_wait3A_61 = arith.constant 0 : i32
      %dma_wait3A_62 = tpu.memref_slice %arg11[%add3A_10, %dma_wait3A_61] : memref<10000x128xf32, #tpu.memory_space<vmem_shared>> -> memref<128x128xf32, #tpu.memory_space<vmem_shared>>
      %dma_wait3A_63 = arith.constant 0 : i32
      %dma_wait3A_64 = arith.constant 0 : i32
      %dma_wait3A_65 = tpu.memref_slice %arg10[%dma_wait3A_63, %dma_wait3A_64] : memref<128x128xf32, #tpu.memory_space<vmem>> -> memref<128x128xf32, #tpu.memory_space<vmem>>
      tpu.wait_dma2 semaphore(%run_scoped3A : memref<!tpu.dma_semaphore, #tpu.memory_space<semaphore_mem>>) src(%dma_wait3A_65 : memref<128x128xf32, #tpu.memory_space<vmem>>) dst(%dma_wait3A_62 : memref<128x128xf32, #tpu.memory_space<vmem_shared>>)
      tpu.yield
    }) : () -> ()
    %mul3A_11 = arith.constant 624 : i32
    %mul3A_12 = arith.muli %arg1, %mul3A_11 : i32
    %add3A_13 = arith.constant 128 : i32
    %add3A_14 = arith.addi %mul3A_12, %add3A_13 : i32
    "tpu.region"() ({
      %run_scoped3A = tpu.sem_alloc : memref<!tpu.dma_semaphore, #tpu.memory_space<semaphore_mem>>
      %dma_start3A = arith.constant 0 : i32
      %dma_start3A_48 = arith.constant 0 : i32
      %dma_start3A_49 = tpu.memref_slice %arg10[%dma_start3A, %dma_start3A_48] : memref<128x128xf32, #tpu.memory_space<vmem>> -> memref<128x128xf32, #tpu.memory_space<vmem>>
      %dma_start3A_50 = arith.constant 0 : i32
      %dma_start3A_51 = tpu.memref_slice %arg11[%add3A_14, %dma_start3A_50] : memref<10000x128xf32, #tpu.memory_space<vmem_shared>> -> memref<128x128xf32, #tpu.memory_space<vmem_shared>>
      %dma_start3A_52 = arith.constant 0 : i32
      %dma_start3A_53 = tpu.memref_slice %arg11[%add3A_14, %dma_start3A_52] : memref<10000x128xf32, #tpu.memory_space<vmem_shared>> -> memref<128x128xf32, #tpu.memory_space<vmem_shared>>
      %dma_start3A_54 = arith.constant 0 : i32
      %dma_start3A_55 = arith.constant 0 : i32
      %dma_start3A_56 = tpu.memref_slice %arg10[%dma_start3A_54, %dma_start3A_55] : memref<128x128xf32, #tpu.memory_space<vmem>> -> memref<128x128xf32, #tpu.memory_space<vmem>>
      tpu.enqueue_dma source(%dma_start3A_56 : memref<128x128xf32, #tpu.memory_space<vmem>>) target(%dma_start3A_53 : memref<128x128xf32, #tpu.memory_space<vmem_shared>>) target_semaphore(%run_scoped3A : memref<!tpu.dma_semaphore, #tpu.memory_space<semaphore_mem>>)
      %dma_wait3A = arith.constant 0 : i32
      %dma_wait3A_57 = arith.constant 0 : i32
      %dma_wait3A_58 = tpu.memref_slice %arg10[%dma_wait3A, %dma_wait3A_57] : memref<128x128xf32, #tpu.memory_space<vmem>> -> memref<128x128xf32, #tpu.memory_space<vmem>>
      %dma_wait3A_59 = arith.constant 0 : i32
      %dma_wait3A_60 = tpu.memref_slice %arg11[%add3A_14, %dma_wait3A_59] : memref<10000x128xf32, #tpu.memory_space<vmem_shared>> -> memref<128x128xf32, #tpu.memory_space<vmem_shared>>
      %dma_wait3A_61 = arith.constant 0 : i32
      %dma_wait3A_62 = tpu.memref_slice %arg11[%add3A_14, %dma_wait3A_61] : memref<10000x128xf32, #tpu.memory_space<vmem_shared>> -> memref<128x128xf32, #tpu.memory_space<vmem_shared>>
      %dma_wait3A_63 = arith.constant 0 : i32
      %dma_wait3A_64 = arith.constant 0 : i32
      %dma_wait3A_65 = tpu.memref_slice %arg10[%dma_wait3A_63, %dma_wait3A_64] : memref<128x128xf32, #tpu.memory_space<vmem>> -> memref<128x128xf32, #tpu.memory_space<vmem>>
      tpu.wait_dma2 semaphore(%run_scoped3A : memref<!tpu.dma_semaphore, #tpu.memory_space<semaphore_mem>>) src(%dma_wait3A_65 : memref<128x128xf32, #tpu.memory_space<vmem>>) dst(%dma_wait3A_62 : memref<128x128xf32, #tpu.memory_space<vmem_shared>>)
      tpu.yield
    }) : () -> ()
    %mul3A_15 = arith.constant 624 : i32
    %mul3A_16 = arith.muli %arg1, %mul3A_15 : i32
    %add3A_17 = arith.constant 256 : i32
    %add3A_18 = arith.addi %mul3A_16, %add3A_17 : i32
    "tpu.region"() ({
      %run_scoped3A = tpu.sem_alloc : memref<!tpu.dma_semaphore, #tpu.memory_space<semaphore_mem>>
      %dma_start3A = arith.constant 0 : i32
      %dma_start3A_48 = arith.constant 0 : i32
      %dma_start3A_49 = tpu.memref_slice %arg10[%dma_start3A, %dma_start3A_48] : memref<128x128xf32, #tpu.memory_space<vmem>> -> memref<128x128xf32, #tpu.memory_space<vmem>>
      %dma_start3A_50 = arith.constant 0 : i32
      %dma_start3A_51 = tpu.memref_slice %arg11[%add3A_18, %dma_start3A_50] : memref<10000x128xf32, #tpu.memory_space<vmem_shared>> -> memref<128x128xf32, #tpu.memory_space<vmem_shared>>
      %dma_start3A_52 = arith.constant 0 : i32
      %dma_start3A_53 = tpu.memref_slice %arg11[%add3A_18, %dma_start3A_52] : memref<10000x128xf32, #tpu.memory_space<vmem_shared>> -> memref<128x128xf32, #tpu.memory_space<vmem_shared>>
      %dma_start3A_54 = arith.constant 0 : i32
      %dma_start3A_55 = arith.constant 0 : i32
      %dma_start3A_56 = tpu.memref_slice %arg10[%dma_start3A_54, %dma_start3A_55] : memref<128x128xf32, #tpu.memory_space<vmem>> -> memref<128x128xf32, #tpu.memory_space<vmem>>
      tpu.enqueue_dma source(%dma_start3A_56 : memref<128x128xf32, #tpu.memory_space<vmem>>) target(%dma_start3A_53 : memref<128x128xf32, #tpu.memory_space<vmem_shared>>) target_semaphore(%run_scoped3A : memref<!tpu.dma_semaphore, #tpu.memory_space<semaphore_mem>>)
      %dma_wait3A = arith.constant 0 : i32
      %dma_wait3A_57 = arith.constant 0 : i32
      %dma_wait3A_58 = tpu.memref_slice %arg10[%dma_wait3A, %dma_wait3A_57] : memref<128x128xf32, #tpu.memory_space<vmem>> -> memref<128x128xf32, #tpu.memory_space<vmem>>
      %dma_wait3A_59 = arith.constant 0 : i32
      %dma_wait3A_60 = tpu.memref_slice %arg11[%add3A_18, %dma_wait3A_59] : memref<10000x128xf32, #tpu.memory_space<vmem_shared>> -> memref<128x128xf32, #tpu.memory_space<vmem_shared>>
      %dma_wait3A_61 = arith.constant 0 : i32
      %dma_wait3A_62 = tpu.memref_slice %arg11[%add3A_18, %dma_wait3A_61] : memref<10000x128xf32, #tpu.memory_space<vmem_shared>> -> memref<128x128xf32, #tpu.memory_space<vmem_shared>>
      %dma_wait3A_63 = arith.constant 0 : i32
      %dma_wait3A_64 = arith.constant 0 : i32
      %dma_wait3A_65 = tpu.memref_slice %arg10[%dma_wait3A_63, %dma_wait3A_64] : memref<128x128xf32, #tpu.memory_space<vmem>> -> memref<128x128xf32, #tpu.memory_space<vmem>>
      tpu.wait_dma2 semaphore(%run_scoped3A : memref<!tpu.dma_semaphore, #tpu.memory_space<semaphore_mem>>) src(%dma_wait3A_65 : memref<128x128xf32, #tpu.memory_space<vmem>>) dst(%dma_wait3A_62 : memref<128x128xf32, #tpu.memory_space<vmem_shared>>)
      tpu.yield
    }) : () -> ()
    %mul3A_19 = arith.constant 624 : i32
    %mul3A_20 = arith.muli %arg1, %mul3A_19 : i32
    %add3A_21 = arith.constant 384 : i32
    %add3A_22 = arith.addi %mul3A_20, %add3A_21 : i32
    "tpu.region"() ({
      %run_scoped3A = tpu.sem_alloc : memref<!tpu.dma_semaphore, #tpu.memory_space<semaphore_mem>>
      %dma_start3A = arith.constant 0 : i32
      %dma_start3A_48 = arith.constant 0 : i32
      %dma_start3A_49 = tpu.memref_slice %arg10[%dma_start3A, %dma_start3A_48] : memref<128x128xf32, #tpu.memory_space<vmem>> -> memref<128x128xf32, #tpu.memory_space<vmem>>
      %dma_start3A_50 = arith.constant 0 : i32
      %dma_start3A_51 = tpu.memref_slice %arg11[%add3A_22, %dma_start3A_50] : memref<10000x128xf32, #tpu.memory_space<vmem_shared>> -> memref<128x128xf32, #tpu.memory_space<vmem_shared>>
      %dma_start3A_52 = arith.constant 0 : i32
      %dma_start3A_53 = tpu.memref_slice %arg11[%add3A_22, %dma_start3A_52] : memref<10000x128xf32, #tpu.memory_space<vmem_shared>> -> memref<128x128xf32, #tpu.memory_space<vmem_shared>>
      %dma_start3A_54 = arith.constant 0 : i32
      %dma_start3A_55 = arith.constant 0 : i32
      %dma_start3A_56 = tpu.memref_slice %arg10[%dma_start3A_54, %dma_start3A_55] : memref<128x128xf32, #tpu.memory_space<vmem>> -> memref<128x128xf32, #tpu.memory_space<vmem>>
      tpu.enqueue_dma source(%dma_start3A_56 : memref<128x128xf32, #tpu.memory_space<vmem>>) target(%dma_start3A_53 : memref<128x128xf32, #tpu.memory_space<vmem_shared>>) target_semaphore(%run_scoped3A : memref<!tpu.dma_semaphore, #tpu.memory_space<semaphore_mem>>)
      %dma_wait3A = arith.constant 0 : i32
      %dma_wait3A_57 = arith.constant 0 : i32
      %dma_wait3A_58 = tpu.memref_slice %arg10[%dma_wait3A, %dma_wait3A_57] : memref<128x128xf32, #tpu.memory_space<vmem>> -> memref<128x128xf32, #tpu.memory_space<vmem>>
      %dma_wait3A_59 = arith.constant 0 : i32
      %dma_wait3A_60 = tpu.memref_slice %arg11[%add3A_22, %dma_wait3A_59] : memref<10000x128xf32, #tpu.memory_space<vmem_shared>> -> memref<128x128xf32, #tpu.memory_space<vmem_shared>>
      %dma_wait3A_61 = arith.constant 0 : i32
      %dma_wait3A_62 = tpu.memref_slice %arg11[%add3A_22, %dma_wait3A_61] : memref<10000x128xf32, #tpu.memory_space<vmem_shared>> -> memref<128x128xf32, #tpu.memory_space<vmem_shared>>
      %dma_wait3A_63 = arith.constant 0 : i32
      %dma_wait3A_64 = arith.constant 0 : i32
      %dma_wait3A_65 = tpu.memref_slice %arg10[%dma_wait3A_63, %dma_wait3A_64] : memref<128x128xf32, #tpu.memory_space<vmem>> -> memref<128x128xf32, #tpu.memory_space<vmem>>
      tpu.wait_dma2 semaphore(%run_scoped3A : memref<!tpu.dma_semaphore, #tpu.memory_space<semaphore_mem>>) src(%dma_wait3A_65 : memref<128x128xf32, #tpu.memory_space<vmem>>) dst(%dma_wait3A_62 : memref<128x128xf32, #tpu.memory_space<vmem_shared>>)
      tpu.yield
    }) : () -> ()
    %mul3A_23 = arith.constant 624 : i32
    %mul3A_24 = arith.muli %arg1, %mul3A_23 : i32
    %add3A_25 = arith.constant 512 : i32
    %add3A_26 = arith.addi %mul3A_24, %add3A_25 : i32
    "tpu.region"() ({
      %run_scoped3A = tpu.sem_alloc : memref<!tpu.dma_semaphore, #tpu.memory_space<semaphore_mem>>
      %dma_start3A = arith.constant 0 : i32
      %dma_start3A_48 = arith.constant 0 : i32
      %dma_start3A_49 = tpu.memref_slice %arg10[%dma_start3A, %dma_start3A_48] : memref<128x128xf32, #tpu.memory_space<vmem>> -> memref<112x128xf32, #tpu.memory_space<vmem>>
      %dma_start3A_50 = arith.constant 0 : i32
      %dma_start3A_51 = tpu.memref_slice %arg11[%add3A_26, %dma_start3A_50] : memref<10000x128xf32, #tpu.memory_space<vmem_shared>> -> memref<112x128xf32, #tpu.memory_space<vmem_shared>>
      %dma_start3A_52 = arith.constant 0 : i32
      %dma_start3A_53 = tpu.memref_slice %arg11[%add3A_26, %dma_start3A_52] : memref<10000x128xf32, #tpu.memory_space<vmem_shared>> -> memref<112x128xf32, #tpu.memory_space<vmem_shared>>
      %dma_start3A_54 = arith.constant 0 : i32
      %dma_start3A_55 = arith.constant 0 : i32
      %dma_start3A_56 = tpu.memref_slice %arg10[%dma_start3A_54, %dma_start3A_55] : memref<128x128xf32, #tpu.memory_space<vmem>> -> memref<112x128xf32, #tpu.memory_space<vmem>>
      tpu.enqueue_dma source(%dma_start3A_56 : memref<112x128xf32, #tpu.memory_space<vmem>>) target(%dma_start3A_53 : memref<112x128xf32, #tpu.memory_space<vmem_shared>>) target_semaphore(%run_scoped3A : memref<!tpu.dma_semaphore, #tpu.memory_space<semaphore_mem>>)
      %dma_wait3A = arith.constant 0 : i32
      %dma_wait3A_57 = arith.constant 0 : i32
      %dma_wait3A_58 = tpu.memref_slice %arg10[%dma_wait3A, %dma_wait3A_57] : memref<128x128xf32, #tpu.memory_space<vmem>> -> memref<112x128xf32, #tpu.memory_space<vmem>>
      %dma_wait3A_59 = arith.constant 0 : i32
      %dma_wait3A_60 = tpu.memref_slice %arg11[%add3A_26, %dma_wait3A_59] : memref<10000x128xf32, #tpu.memory_space<vmem_shared>> -> memref<112x128xf32, #tpu.memory_space<vmem_shared>>
      %dma_wait3A_61 = arith.constant 0 : i32
      %dma_wait3A_62 = tpu.memref_slice %arg11[%add3A_26, %dma_wait3A_61] : memref<10000x128xf32, #tpu.memory_space<vmem_shared>> -> memref<112x128xf32, #tpu.memory_space<vmem_shared>>
      %dma_wait3A_63 = arith.constant 0 : i32
      %dma_wait3A_64 = arith.constant 0 : i32
      %dma_wait3A_65 = tpu.memref_slice %arg10[%dma_wait3A_63, %dma_wait3A_64] : memref<128x128xf32, #tpu.memory_space<vmem>> -> memref<112x128xf32, #tpu.memory_space<vmem>>
      tpu.wait_dma2 semaphore(%run_scoped3A : memref<!tpu.dma_semaphore, #tpu.memory_space<semaphore_mem>>) src(%dma_wait3A_65 : memref<112x128xf32, #tpu.memory_space<vmem>>) dst(%dma_wait3A_62 : memref<112x128xf32, #tpu.memory_space<vmem_shared>>)
      tpu.yield
    }) : () -> ()
    %eq3A = arith.constant 0 : i32
    %eq3A_27 = arith.cmpi eq, %arg1, %eq3A : i32
    %convert_element_type3A = arith.extui %eq3A_27 : i1 to i32
    %cond3A = arith.constant 0 : i32
    %cond3A_28 = arith.cmpi ne, %convert_element_type3A, %cond3A : i32
    scf.if %cond3A_28 {
      "tpu.region"() ({
        %run_scoped3A = tpu.sem_alloc : memref<!tpu.dma_semaphore, #tpu.memory_space<semaphore_mem>>
        %dma_start3A = arith.constant 0 : i32
        %dma_start3A_48 = arith.constant 0 : i32
        %dma_start3A_49 = tpu.memref_slice %arg10[%dma_start3A, %dma_start3A_48] : memref<128x128xf32, #tpu.memory_space<vmem>> -> memref<16x128xf32, #tpu.memory_space<vmem>>
        %dma_start3A_50 = arith.constant 9984 : i32
        %dma_start3A_51 = arith.constant 0 : i32
        %dma_start3A_52 = tpu.memref_slice %arg11[%dma_start3A_50, %dma_start3A_51] : memref<10000x128xf32, #tpu.memory_space<vmem_shared>> -> memref<16x128xf32, #tpu.memory_space<vmem_shared>>
        %dma_start3A_53 = arith.constant 9984 : i32
        %dma_start3A_54 = arith.constant 0 : i32
        %dma_start3A_55 = tpu.memref_slice %arg11[%dma_start3A_53, %dma_start3A_54] : memref<10000x128xf32, #tpu.memory_space<vmem_shared>> -> memref<16x128xf32, #tpu.memory_space<vmem_shared>>
        %dma_start3A_56 = arith.constant 0 : i32
        %dma_start3A_57 = arith.constant 0 : i32
        %dma_start3A_58 = tpu.memref_slice %arg10[%dma_start3A_56, %dma_start3A_57] : memref<128x128xf32, #tpu.memory_space<vmem>> -> memref<16x128xf32, #tpu.memory_space<vmem>>
        tpu.enqueue_dma source(%dma_start3A_58 : memref<16x128xf32, #tpu.memory_space<vmem>>) target(%dma_start3A_55 : memref<16x128xf32, #tpu.memory_space<vmem_shared>>) target_semaphore(%run_scoped3A : memref<!tpu.dma_semaphore, #tpu.memory_space<semaphore_mem>>)
        %dma_wait3A = arith.constant 0 : i32
        %dma_wait3A_59 = arith.constant 0 : i32
        %dma_wait3A_60 = tpu.memref_slice %arg10[%dma_wait3A, %dma_wait3A_59] : memref<128x128xf32, #tpu.memory_space<vmem>> -> memref<16x128xf32, #tpu.memory_space<vmem>>
        %dma_wait3A_61 = arith.constant 9984 : i32
        %dma_wait3A_62 = arith.constant 0 : i32
        %dma_wait3A_63 = tpu.memref_slice %arg11[%dma_wait3A_61, %dma_wait3A_62] : memref<10000x128xf32, #tpu.memory_space<vmem_shared>> -> memref<16x128xf32, #tpu.memory_space<vmem_shared>>
        %dma_wait3A_64 = arith.constant 9984 : i32
        %dma_wait3A_65 = arith.constant 0 : i32
        %dma_wait3A_66 = tpu.memref_slice %arg11[%dma_wait3A_64, %dma_wait3A_65] : memref<10000x128xf32, #tpu.memory_space<vmem_shared>> -> memref<16x128xf32, #tpu.memory_space<vmem_shared>>
        %dma_wait3A_67 = arith.constant 0 : i32
        %dma_wait3A_68 = arith.constant 0 : i32
        %dma_wait3A_69 = tpu.memref_slice %arg10[%dma_wait3A_67, %dma_wait3A_68] : memref<128x128xf32, #tpu.memory_space<vmem>> -> memref<16x128xf32, #tpu.memory_space<vmem>>
        tpu.wait_dma2 semaphore(%run_scoped3A : memref<!tpu.dma_semaphore, #tpu.memory_space<semaphore_mem>>) src(%dma_wait3A_69 : memref<16x128xf32, #tpu.memory_space<vmem>>) dst(%dma_wait3A_66 : memref<16x128xf32, #tpu.memory_space<vmem_shared>>)
        tpu.yield
      }) : () -> ()
    } else {
    }
    %barrier3A = arith.constant 0 : index
    tpu.barrier barrier_id(%barrier3A)
    %scan3A_29 = arith.constant 0 : i32
    %scan3A_30 = arith.constant 0 : i32
    %scan3A_31 = arith.constant 79 : i32
    %scan3A_32 = arith.addi %scan3A_30, %scan3A_31 : i32
    %scan3A_33 = arith.constant 1 : i32
    scf.for %scan3A_48 = %scan3A_30 to %scan3A_32 step %scan3A_33  : i32 {
      %mul3A_49 = arith.constant 32 : i32
      %mul3A_50 = arith.muli %scan3A_48, %mul3A_49 : i32
      %add3A_51 = arith.addi %mul3A_50, %add3A : i32
      %lt3A = arith.constant 2500 : i32
      %lt3A_52 = arith.cmpi slt, %add3A_51, %lt3A : i32
      %convert_element_type3A_53 = arith.extui %lt3A_52 : i1 to i32
      %cond3A_54 = arith.constant 0 : i32
      %cond3A_55 = arith.cmpi ne, %convert_element_type3A_53, %cond3A_54 : i32
      scf.if %cond3A_55 {
        %mul3A_56 = arith.constant 128 : i32
        %mul3A_57 = arith.muli %add3A_51, %mul3A_56 : i32
        %multiple_of3A = tpu.assume_multiple %mul3A_57, 128 : i32
        "tpu.region"() ({
          %run_scoped3A = tpu.sem_alloc : memref<!tpu.dma_semaphore, #tpu.memory_space<semaphore_mem>>
          %dma_start3A_68 = tpu.memref_slice %arg3[%multiple_of3A] : memref<320000xi32, #tpu.memory_space<hbm>> -> memref<128xi32, #tpu.memory_space<hbm>>
          %dma_start3A_69 = tpu.memref_slice %arg3[%multiple_of3A] : memref<320000xi32, #tpu.memory_space<hbm>> -> memref<128xi32, #tpu.memory_space<hbm>>
          tpu.enqueue_dma source(%dma_start3A_69 : memref<128xi32, #tpu.memory_space<hbm>>) target(%arg7 : memref<128xi32, #tpu.memory_space<vmem>>) target_semaphore(%run_scoped3A : memref<!tpu.dma_semaphore, #tpu.memory_space<semaphore_mem>>)
          %dma_wait3A_70 = tpu.memref_slice %arg3[%multiple_of3A] : memref<320000xi32, #tpu.memory_space<hbm>> -> memref<128xi32, #tpu.memory_space<hbm>>
          %dma_wait3A_71 = tpu.memref_slice %arg3[%multiple_of3A] : memref<320000xi32, #tpu.memory_space<hbm>> -> memref<128xi32, #tpu.memory_space<hbm>>
          tpu.wait_dma2 semaphore(%run_scoped3A : memref<!tpu.dma_semaphore, #tpu.memory_space<semaphore_mem>>) src(%dma_wait3A_71 : memref<128xi32, #tpu.memory_space<hbm>>) dst(%arg7 : memref<128xi32, #tpu.memory_space<vmem>>)
          tpu.yield
        }) : () -> ()
        "tpu.region"() ({
          %run_scoped3A = tpu.sem_alloc : memref<!tpu.dma_semaphore, #tpu.memory_space<semaphore_mem>>
          %dma_start3A_68 = tpu.memref_slice %arg4[%multiple_of3A] : memref<320000xi32, #tpu.memory_space<hbm>> -> memref<128xi32, #tpu.memory_space<hbm>>
          %dma_start3A_69 = tpu.memref_slice %arg4[%multiple_of3A] : memref<320000xi32, #tpu.memory_space<hbm>> -> memref<128xi32, #tpu.memory_space<hbm>>
          tpu.enqueue_dma source(%dma_start3A_69 : memref<128xi32, #tpu.memory_space<hbm>>) target(%arg8 : memref<128xi32, #tpu.memory_space<vmem>>) target_semaphore(%run_scoped3A : memref<!tpu.dma_semaphore, #tpu.memory_space<semaphore_mem>>)
          %dma_wait3A_70 = tpu.memref_slice %arg4[%multiple_of3A] : memref<320000xi32, #tpu.memory_space<hbm>> -> memref<128xi32, #tpu.memory_space<hbm>>
          %dma_wait3A_71 = tpu.memref_slice %arg4[%multiple_of3A] : memref<320000xi32, #tpu.memory_space<hbm>> -> memref<128xi32, #tpu.memory_space<hbm>>
          tpu.wait_dma2 semaphore(%run_scoped3A : memref<!tpu.dma_semaphore, #tpu.memory_space<semaphore_mem>>) src(%dma_wait3A_71 : memref<128xi32, #tpu.memory_space<hbm>>) dst(%arg8 : memref<128xi32, #tpu.memory_space<vmem>>)
          tpu.yield
        }) : () -> ()
        "tpu.region"() ({
          %run_scoped3A = tpu.sem_alloc : memref<!tpu.dma_semaphore, #tpu.memory_space<semaphore_mem>>
          %dma_start3A_68 = arith.constant 0 : i32
          %dma_start3A_69 = tpu.memref_slice %arg5[%multiple_of3A, %dma_start3A_68] : memref<320000x16xf32, #tpu.memory_space<hbm>> -> memref<128x16xf32, #tpu.memory_space<hbm>>
          %dma_start3A_70 = arith.constant 0 : i32
          %dma_start3A_71 = tpu.memref_slice %arg5[%multiple_of3A, %dma_start3A_70] : memref<320000x16xf32, #tpu.memory_space<hbm>> -> memref<128x16xf32, #tpu.memory_space<hbm>>
          tpu.enqueue_dma source(%dma_start3A_71 : memref<128x16xf32, #tpu.memory_space<hbm>>) target(%arg9 : memref<128x16xf32, #tpu.memory_space<vmem>>) target_semaphore(%run_scoped3A : memref<!tpu.dma_semaphore, #tpu.memory_space<semaphore_mem>>)
          %dma_wait3A_72 = arith.constant 0 : i32
          %dma_wait3A_73 = tpu.memref_slice %arg5[%multiple_of3A, %dma_wait3A_72] : memref<320000x16xf32, #tpu.memory_space<hbm>> -> memref<128x16xf32, #tpu.memory_space<hbm>>
          %dma_wait3A_74 = arith.constant 0 : i32
          %dma_wait3A_75 = tpu.memref_slice %arg5[%multiple_of3A, %dma_wait3A_74] : memref<320000x16xf32, #tpu.memory_space<hbm>> -> memref<128x16xf32, #tpu.memory_space<hbm>>
          tpu.wait_dma2 semaphore(%run_scoped3A : memref<!tpu.dma_semaphore, #tpu.memory_space<semaphore_mem>>) src(%dma_wait3A_75 : memref<128x16xf32, #tpu.memory_space<hbm>>) dst(%arg9 : memref<128x16xf32, #tpu.memory_space<vmem>>)
          tpu.yield
        }) : () -> ()
        %dma_start3A = arith.constant 0 : i32
        %dma_start3A_58 = arith.constant 0 : i32
        %dma_start3A_59 = tpu.memref_slice %arg2[%dma_start3A, %dma_start3A_58] : memref<10000x128xf32, #tpu.memory_space<hbm>> -> memref<10000x128xf32, #tpu.memory_space<hbm>>
        tpu.enqueue_indirect_dma source(%dma_start3A_59 : memref<10000x128xf32, #tpu.memory_space<hbm>>) target(%arg10 : memref<128x128xf32, #tpu.memory_space<vmem>>) offsets(%arg7 : memref<128xi32, #tpu.memory_space<vmem>>) semaphore(%arg12 : memref<!tpu.dma_semaphore, #tpu.memory_space<semaphore_mem>>)
        %dma_wait3A = arith.constant 0 : i32
        %dma_wait3A_60 = arith.constant 0 : i32
        %dma_wait3A_61 = tpu.memref_slice %arg2[%dma_wait3A, %dma_wait3A_60] : memref<10000x128xf32, #tpu.memory_space<hbm>> -> memref<10000x128xf32, #tpu.memory_space<hbm>>
        tpu.wait_indirect_dma semaphore(%arg12 : memref<!tpu.dma_semaphore, #tpu.memory_space<semaphore_mem>>) src(%dma_wait3A_61 : memref<10000x128xf32, #tpu.memory_space<hbm>>) dst(%arg10 : memref<128x128xf32, #tpu.memory_space<vmem>>)
        %scan3A_62 = arith.constant 0 : i32
        %scan3A_63 = arith.constant 0 : i32
        %scan3A_64 = arith.constant 128 : i32
        %scan3A_65 = arith.addi %scan3A_63, %scan3A_64 : i32
        %scan3A_66 = arith.constant 1 : i32
        scf.for %scan3A_68 = %scan3A_63 to %scan3A_65 step %scan3A_66  : i32 {
          %get3A = arith.index_cast %scan3A_68 : i32 to index
          %get3A_69 = arith.constant 0 : index
          %get3A_70 = tpu.vector_load %arg9[%get3A, %get3A_69] {strides = array<i32>} : memref<128x16xf32, #tpu.memory_space<vmem>>, vector<1x16xf32>,
          %get3A_71 = vector.shape_cast %get3A_70 : vector<1x16xf32> to vector<16xf32>
          %get3A_72 = arith.index_cast %scan3A_68 : i32 to index
          %get3A_73 = arith.constant 0 : index
          %get3A_74 = tpu.vector_load %arg10[%get3A_72, %get3A_73] {strides = array<i32>} : memref<128x128xf32, #tpu.memory_space<vmem>>, vector<1x16xf32>,
          %get3A_75 = vector.shape_cast %get3A_74 : vector<1x16xf32> to vector<16xf32>
          %mul3A_76 = arith.mulf %get3A_75, %get3A_71 : vector<16xf32>
          %swap3A = arith.index_cast %scan3A_68 : i32 to index
          %swap3A_77 = arith.constant 0 : index
          %swap3A_78 = tpu.vector_load %arg10[%swap3A, %swap3A_77] {strides = array<i32>} : memref<128x128xf32, #tpu.memory_space<vmem>>, vector<1x16xf32>,
          %swap3A_79 = vector.shape_cast %swap3A_78 : vector<1x16xf32> to vector<16xf32>
          %swap3A_80 = vector.shape_cast %mul3A_76 : vector<16xf32> to vector<1x16xf32>
          tpu.vector_store %arg10[%swap3A, %swap3A_77], %swap3A_80 {strides = array<i32>} : memref<128x128xf32, #tpu.memory_space<vmem>>, vector<1x16xf32>,
          %get3A_81 = arith.index_cast %scan3A_68 : i32 to index
          %get3A_82 = arith.constant 16 : index
          %get3A_83 = tpu.vector_load %arg10[%get3A_81, %get3A_82] {strides = array<i32>} : memref<128x128xf32, #tpu.memory_space<vmem>>, vector<1x16xf32>,
          %get3A_84 = vector.shape_cast %get3A_83 : vector<1x16xf32> to vector<16xf32>
          %mul3A_85 = arith.mulf %get3A_84, %get3A_71 : vector<16xf32>
          %swap3A_86 = arith.index_cast %scan3A_68 : i32 to index
          %swap3A_87 = arith.constant 16 : index
          %swap3A_88 = tpu.vector_load %arg10[%swap3A_86, %swap3A_87] {strides = array<i32>} : memref<128x128xf32, #tpu.memory_space<vmem>>, vector<1x16xf32>,
          %swap3A_89 = vector.shape_cast %swap3A_88 : vector<1x16xf32> to vector<16xf32>
          %swap3A_90 = vector.shape_cast %mul3A_85 : vector<16xf32> to vector<1x16xf32>
          tpu.vector_store %arg10[%swap3A_86, %swap3A_87], %swap3A_90 {strides = array<i32>} : memref<128x128xf32, #tpu.memory_space<vmem>>, vector<1x16xf32>,
          %get3A_91 = arith.index_cast %scan3A_68 : i32 to index
          %get3A_92 = arith.constant 32 : index
          %get3A_93 = tpu.vector_load %arg10[%get3A_91, %get3A_92] {strides = array<i32>} : memref<128x128xf32, #tpu.memory_space<vmem>>, vector<1x16xf32>,
          %get3A_94 = vector.shape_cast %get3A_93 : vector<1x16xf32> to vector<16xf32>
          %mul3A_95 = arith.mulf %get3A_94, %get3A_71 : vector<16xf32>
          %swap3A_96 = arith.index_cast %scan3A_68 : i32 to index
          %swap3A_97 = arith.constant 32 : index
          %swap3A_98 = tpu.vector_load %arg10[%swap3A_96, %swap3A_97] {strides = array<i32>} : memref<128x128xf32, #tpu.memory_space<vmem>>, vector<1x16xf32>,
          %swap3A_99 = vector.shape_cast %swap3A_98 : vector<1x16xf32> to vector<16xf32>
          %swap3A_100 = vector.shape_cast %mul3A_95 : vector<16xf32> to vector<1x16xf32>
          tpu.vector_store %arg10[%swap3A_96, %swap3A_97], %swap3A_100 {strides = array<i32>} : memref<128x128xf32, #tpu.memory_space<vmem>>, vector<1x16xf32>,
          %get3A_101 = arith.index_cast %scan3A_68 : i32 to index
          %get3A_102 = arith.constant 48 : index
          %get3A_103 = tpu.vector_load %arg10[%get3A_101, %get3A_102] {strides = array<i32>} : memref<128x128xf32, #tpu.memory_space<vmem>>, vector<1x16xf32>,
          %get3A_104 = vector.shape_cast %get3A_103 : vector<1x16xf32> to vector<16xf32>
          %mul3A_105 = arith.mulf %get3A_104, %get3A_71 : vector<16xf32>
          %swap3A_106 = arith.index_cast %scan3A_68 : i32 to index
          %swap3A_107 = arith.constant 48 : index
          %swap3A_108 = tpu.vector_load %arg10[%swap3A_106, %swap3A_107] {strides = array<i32>} : memref<128x128xf32, #tpu.memory_space<vmem>>, vector<1x16xf32>,
          %swap3A_109 = vector.shape_cast %swap3A_108 : vector<1x16xf32> to vector<16xf32>
          %swap3A_110 = vector.shape_cast %mul3A_105 : vector<16xf32> to vector<1x16xf32>
          tpu.vector_store %arg10[%swap3A_106, %swap3A_107], %swap3A_110 {strides = array<i32>} : memref<128x128xf32, #tpu.memory_space<vmem>>, vector<1x16xf32>,
          %get3A_111 = arith.index_cast %scan3A_68 : i32 to index
          %get3A_112 = arith.constant 64 : index
          %get3A_113 = tpu.vector_load %arg10[%get3A_111, %get3A_112] {strides = array<i32>} : memref<128x128xf32, #tpu.memory_space<vmem>>, vector<1x16xf32>,
          %get3A_114 = vector.shape_cast %get3A_113 : vector<1x16xf32> to vector<16xf32>
          %mul3A_115 = arith.mulf %get3A_114, %get3A_71 : vector<16xf32>
          %swap3A_116 = arith.index_cast %scan3A_68 : i32 to index
          %swap3A_117 = arith.constant 64 : index
          %swap3A_118 = tpu.vector_load %arg10[%swap3A_116, %swap3A_117] {strides = array<i32>} : memref<128x128xf32, #tpu.memory_space<vmem>>, vector<1x16xf32>,
          %swap3A_119 = vector.shape_cast %swap3A_118 : vector<1x16xf32> to vector<16xf32>
          %swap3A_120 = vector.shape_cast %mul3A_115 : vector<16xf32> to vector<1x16xf32>
          tpu.vector_store %arg10[%swap3A_116, %swap3A_117], %swap3A_120 {strides = array<i32>} : memref<128x128xf32, #tpu.memory_space<vmem>>, vector<1x16xf32>,
          %get3A_121 = arith.index_cast %scan3A_68 : i32 to index
          %get3A_122 = arith.constant 80 : index
          %get3A_123 = tpu.vector_load %arg10[%get3A_121, %get3A_122] {strides = array<i32>} : memref<128x128xf32, #tpu.memory_space<vmem>>, vector<1x16xf32>,
          %get3A_124 = vector.shape_cast %get3A_123 : vector<1x16xf32> to vector<16xf32>
          %mul3A_125 = arith.mulf %get3A_124, %get3A_71 : vector<16xf32>
          %swap3A_126 = arith.index_cast %scan3A_68 : i32 to index
          %swap3A_127 = arith.constant 80 : index
          %swap3A_128 = tpu.vector_load %arg10[%swap3A_126, %swap3A_127] {strides = array<i32>} : memref<128x128xf32, #tpu.memory_space<vmem>>, vector<1x16xf32>,
          %swap3A_129 = vector.shape_cast %swap3A_128 : vector<1x16xf32> to vector<16xf32>
          %swap3A_130 = vector.shape_cast %mul3A_125 : vector<16xf32> to vector<1x16xf32>
          tpu.vector_store %arg10[%swap3A_126, %swap3A_127], %swap3A_130 {strides = array<i32>} : memref<128x128xf32, #tpu.memory_space<vmem>>, vector<1x16xf32>,
          %get3A_131 = arith.index_cast %scan3A_68 : i32 to index
          %get3A_132 = arith.constant 96 : index
          %get3A_133 = tpu.vector_load %arg10[%get3A_131, %get3A_132] {strides = array<i32>} : memref<128x128xf32, #tpu.memory_space<vmem>>, vector<1x16xf32>,
          %get3A_134 = vector.shape_cast %get3A_133 : vector<1x16xf32> to vector<16xf32>
          %mul3A_135 = arith.mulf %get3A_134, %get3A_71 : vector<16xf32>
          %swap3A_136 = arith.index_cast %scan3A_68 : i32 to index
          %swap3A_137 = arith.constant 96 : index
          %swap3A_138 = tpu.vector_load %arg10[%swap3A_136, %swap3A_137] {strides = array<i32>} : memref<128x128xf32, #tpu.memory_space<vmem>>, vector<1x16xf32>,
          %swap3A_139 = vector.shape_cast %swap3A_138 : vector<1x16xf32> to vector<16xf32>
          %swap3A_140 = vector.shape_cast %mul3A_135 : vector<16xf32> to vector<1x16xf32>
          tpu.vector_store %arg10[%swap3A_136, %swap3A_137], %swap3A_140 {strides = array<i32>} : memref<128x128xf32, #tpu.memory_space<vmem>>, vector<1x16xf32>,
          %get3A_141 = arith.index_cast %scan3A_68 : i32 to index
          %get3A_142 = arith.constant 112 : index
          %get3A_143 = tpu.vector_load %arg10[%get3A_141, %get3A_142] {strides = array<i32>} : memref<128x128xf32, #tpu.memory_space<vmem>>, vector<1x16xf32>,
          %get3A_144 = vector.shape_cast %get3A_143 : vector<1x16xf32> to vector<16xf32>
          %mul3A_145 = arith.mulf %get3A_144, %get3A_71 : vector<16xf32>
          %swap3A_146 = arith.index_cast %scan3A_68 : i32 to index
          %swap3A_147 = arith.constant 112 : index
          %swap3A_148 = tpu.vector_load %arg10[%swap3A_146, %swap3A_147] {strides = array<i32>} : memref<128x128xf32, #tpu.memory_space<vmem>>, vector<1x16xf32>,
          %swap3A_149 = vector.shape_cast %swap3A_148 : vector<1x16xf32> to vector<16xf32>
          %swap3A_150 = vector.shape_cast %mul3A_145 : vector<16xf32> to vector<1x16xf32>
          tpu.vector_store %arg10[%swap3A_146, %swap3A_147], %swap3A_150 {strides = array<i32>} : memref<128x128xf32, #tpu.memory_space<vmem>>, vector<1x16xf32>,
        }
        %scan3A_67 = arith.constant 128 : i32
        "tpu.region"() ({
          %run_scoped3A = tpu.sem_alloc : memref<!tpu.dma_semaphore, #tpu.memory_space<semaphore_mem>>
          %dma_start3A_68 = arith.constant 0 : i32
          %dma_start3A_69 = arith.constant 0 : i32
          %dma_start3A_70 = tpu.memref_slice %arg11[%dma_start3A_68, %dma_start3A_69] : memref<10000x128xf32, #tpu.memory_space<vmem_shared>> -> memref<10000x128xf32, #tpu.memory_space<vmem_shared>>
          tpu.enqueue_indirect_dma source(%arg10 : memref<128x128xf32, #tpu.memory_space<vmem>>) target(%dma_start3A_70 : memref<10000x128xf32, #tpu.memory_space<vmem_shared>>) offsets(%arg8 : memref<128xi32, #tpu.memory_space<vmem>>) semaphore(%run_scoped3A : memref<!tpu.dma_semaphore, #tpu.memory_space<semaphore_mem>>) {add = true}
          %dma_wait3A_71 = arith.constant 0 : i32
          %dma_wait3A_72 = arith.constant 0 : i32
          %dma_wait3A_73 = tpu.memref_slice %arg11[%dma_wait3A_71, %dma_wait3A_72] : memref<10000x128xf32, #tpu.memory_space<vmem_shared>> -> memref<10000x128xf32, #tpu.memory_space<vmem_shared>>
          tpu.wait_indirect_dma semaphore(%run_scoped3A : memref<!tpu.dma_semaphore, #tpu.memory_space<semaphore_mem>>) src(%arg10 : memref<128x128xf32, #tpu.memory_space<vmem>>) dst(%dma_wait3A_73 : memref<10000x128xf32, #tpu.memory_space<vmem_shared>>)
          tpu.yield
        }) : () -> ()
      } else {
      }
    }
    %scan3A_34 = arith.constant 79 : i32
    %barrier3A_35 = arith.constant 0 : index
    tpu.barrier barrier_id(%barrier3A_35)
    %mul3A_36 = arith.constant 624 : i32
    %mul3A_37 = arith.muli %arg1, %mul3A_36 : i32
    %mul3A_38 = arith.constant 10000 : i32
    %mul3A_39 = arith.muli %arg0, %mul3A_38 : i32
    %mul3A_40 = arith.constant 624 : i32
    %mul3A_41 = arith.muli %arg1, %mul3A_40 : i32
    %add3A_42 = arith.addi %mul3A_39, %mul3A_41 : i32
    "tpu.region"() ({
      %run_scoped3A = tpu.sem_alloc : memref<!tpu.dma_semaphore, #tpu.memory_space<semaphore_mem>>
      %dma_start3A = arith.constant 0 : i32
      %dma_start3A_48 = tpu.memref_slice %arg6[%add3A_42, %dma_start3A] : memref<20000x128xf32, #tpu.memory_space<hbm>> -> memref<624x128xf32, #tpu.memory_space<hbm>>
      %dma_start3A_49 = arith.constant 0 : i32
      %dma_start3A_50 = tpu.memref_slice %arg11[%mul3A_37, %dma_start3A_49] : memref<10000x128xf32, #tpu.memory_space<vmem_shared>> -> memref<624x128xf32, #tpu.memory_space<vmem_shared>>
      tpu.enqueue_dma source(%dma_start3A_50 : memref<624x128xf32, #tpu.memory_space<vmem_shared>>) target(%dma_start3A_48 : memref<624x128xf32, #tpu.memory_space<hbm>>) target_semaphore(%run_scoped3A : memref<!tpu.dma_semaphore, #tpu.memory_space<semaphore_mem>>)
      %dma_wait3A = arith.constant 0 : i32
      %dma_wait3A_51 = tpu.memref_slice %arg6[%add3A_42, %dma_wait3A] : memref<20000x128xf32, #tpu.memory_space<hbm>> -> memref<624x128xf32, #tpu.memory_space<hbm>>
      %dma_wait3A_52 = arith.constant 0 : i32
      %dma_wait3A_53 = tpu.memref_slice %arg11[%mul3A_37, %dma_wait3A_52] : memref<10000x128xf32, #tpu.memory_space<vmem_shared>> -> memref<624x128xf32, #tpu.memory_space<vmem_shared>>
      tpu.wait_dma2 semaphore(%run_scoped3A : memref<!tpu.dma_semaphore, #tpu.memory_space<semaphore_mem>>) src(%dma_wait3A_53 : memref<624x128xf32, #tpu.memory_space<vmem_shared>>) dst(%dma_wait3A_51 : memref<624x128xf32, #tpu.memory_space<hbm>>)
      tpu.yield
    }) : () -> ()
    %eq3A_43 = arith.constant 0 : i32
    %eq3A_44 = arith.cmpi eq, %arg1, %eq3A_43 : i32
    %convert_element_type3A_45 = arith.extui %eq3A_44 : i1 to i32
    %cond3A_46 = arith.constant 0 : i32
    %cond3A_47 = arith.cmpi ne, %convert_element_type3A_45, %cond3A_46 : i32
    scf.if %cond3A_47 {
      %mul3A_48 = arith.constant 10000 : i32
      %mul3A_49 = arith.muli %arg0, %mul3A_48 : i32
      %add3A_50 = arith.constant 9984 : i32
      %add3A_51 = arith.addi %mul3A_49, %add3A_50 : i32
      "tpu.region"() ({
        %run_scoped3A = tpu.sem_alloc : memref<!tpu.dma_semaphore, #tpu.memory_space<semaphore_mem>>
        %dma_start3A = arith.constant 0 : i32
        %dma_start3A_52 = tpu.memref_slice %arg6[%add3A_51, %dma_start3A] : memref<20000x128xf32, #tpu.memory_space<hbm>> -> memref<16x128xf32, #tpu.memory_space<hbm>>
        %dma_start3A_53 = arith.constant 9984 : i32
        %dma_start3A_54 = arith.constant 0 : i32
        %dma_start3A_55 = tpu.memref_slice %arg11[%dma_start3A_53, %dma_start3A_54] : memref<10000x128xf32, #tpu.memory_space<vmem_shared>> -> memref<16x128xf32, #tpu.memory_space<vmem_shared>>
        tpu.enqueue_dma source(%dma_start3A_55 : memref<16x128xf32, #tpu.memory_space<vmem_shared>>) target(%dma_start3A_52 : memref<16x128xf32, #tpu.memory_space<hbm>>) target_semaphore(%run_scoped3A : memref<!tpu.dma_semaphore, #tpu.memory_space<semaphore_mem>>)
        %dma_wait3A = arith.constant 0 : i32
        %dma_wait3A_56 = tpu.memref_slice %arg6[%add3A_51, %dma_wait3A] : memref<20000x128xf32, #tpu.memory_space<hbm>> -> memref<16x128xf32, #tpu.memory_space<hbm>>
        %dma_wait3A_57 = arith.constant 9984 : i32
        %dma_wait3A_58 = arith.constant 0 : i32
        %dma_wait3A_59 = tpu.memref_slice %arg11[%dma_wait3A_57, %dma_wait3A_58] : memref<10000x128xf32, #tpu.memory_space<vmem_shared>> -> memref<16x128xf32, #tpu.memory_space<vmem_shared>>
        tpu.wait_dma2 semaphore(%run_scoped3A : memref<!tpu.dma_semaphore, #tpu.memory_space<semaphore_mem>>) src(%dma_wait3A_59 : memref<16x128xf32, #tpu.memory_space<vmem_shared>>) dst(%dma_wait3A_56 : memref<16x128xf32, #tpu.memory_space<hbm>>)
        tpu.yield
      }) : () -> ()
    } else {
    }
    return
  }
}

#map = affine_map<(d0, d1) -> (0, 0)>
#map1 = affine_map<(d0, d1) -> (0)>
module attributes {stable_mosaic.version = 14 : i64} {
  func.func @_sc_agg_body(%arg0: i32, %arg1: i32, %arg2: memref<10000x128xf32, #tpu.memory_space<hbm>>, %arg3: memref<320000xi32, #tpu.memory_space<hbm>>, %arg4: memref<320000xi32, #tpu.memory_space<hbm>>, %arg5: memref<320000x16xf32, #tpu.memory_space<hbm>>, %arg6: memref<20000x128xf32, #tpu.memory_space<hbm>>, %arg7: memref<128xi32, #tpu.memory_space<vmem>>, %arg8: memref<128xi32, #tpu.memory_space<vmem>>, %arg9: memref<128x16xf32, #tpu.memory_space<vmem>>, %arg10: memref<128x128xf32, #tpu.memory_space<vmem>>, %arg11: memref<10000x128xf32, #tpu.memory_space<vmem_shared>>, %arg12: memref<!tpu.dma_semaphore, #tpu.memory_space<semaphore_mem>>) attributes {dimension_semantics = [#tpu.dimension_semantics<core_parallel>, #tpu.dimension_semantics<subcore_parallel>], iteration_bounds = array<i64: 2, 16>, scalar_prefetch = 0 : i64, scratch_operands = 6 : i64, tpu.core_type = #tpu.core_type<sc_vector_subcore>, window_params = [{transform_indices = #map}, {transform_indices = #map1}, {transform_indices = #map1}, {transform_indices = #map}, {transform_indices = #map}]} {
    %mul3A = arith.constant 2 : i32
    %mul3A_0 = arith.muli %arg1, %mul3A : i32
    %add3A = arith.addi %mul3A_0, %arg0 : i32
    %broadcast_in_dim3A = arith.constant 0.000000e+00 : f32
    %broadcast_in_dim3A_1 = vector.broadcast %broadcast_in_dim3A : f32 to vector<16xf32>
    %scan3A = arith.constant 0 : i32
    %scan3A_2 = arith.constant 0 : i32
    %scan3A_3 = arith.constant 128 : i32
    %scan3A_4 = arith.addi %scan3A_2, %scan3A_3 : i32
    %scan3A_5 = arith.constant 1 : i32
    scf.for %scan3A_48 = %scan3A_2 to %scan3A_4 step %scan3A_5  : i32 {
      %swap3A = arith.index_cast %scan3A_48 : i32 to index
      %swap3A_49 = arith.constant 0 : index
      %swap3A_50 = tpu.vector_load %arg10[%swap3A, %swap3A_49] {strides = array<i32>} : memref<128x128xf32, #tpu.memory_space<vmem>>, vector<1x16xf32>,
      %swap3A_51 = vector.shape_cast %swap3A_50 : vector<1x16xf32> to vector<16xf32>
      %swap3A_52 = vector.shape_cast %broadcast_in_dim3A_1 : vector<16xf32> to vector<1x16xf32>
      tpu.vector_store %arg10[%swap3A, %swap3A_49], %swap3A_52 {strides = array<i32>} : memref<128x128xf32, #tpu.memory_space<vmem>>, vector<1x16xf32>,
      %swap3A_53 = arith.index_cast %scan3A_48 : i32 to index
      %swap3A_54 = arith.constant 16 : index
      %swap3A_55 = tpu.vector_load %arg10[%swap3A_53, %swap3A_54] {strides = array<i32>} : memref<128x128xf32, #tpu.memory_space<vmem>>, vector<1x16xf32>,
      %swap3A_56 = vector.shape_cast %swap3A_55 : vector<1x16xf32> to vector<16xf32>
      %swap3A_57 = vector.shape_cast %broadcast_in_dim3A_1 : vector<16xf32> to vector<1x16xf32>
      tpu.vector_store %arg10[%swap3A_53, %swap3A_54], %swap3A_57 {strides = array<i32>} : memref<128x128xf32, #tpu.memory_space<vmem>>, vector<1x16xf32>,
      %swap3A_58 = arith.index_cast %scan3A_48 : i32 to index
      %swap3A_59 = arith.constant 32 : index
      %swap3A_60 = tpu.vector_load %arg10[%swap3A_58, %swap3A_59] {strides = array<i32>} : memref<128x128xf32, #tpu.memory_space<vmem>>, vector<1x16xf32>,
      %swap3A_61 = vector.shape_cast %swap3A_60 : vector<1x16xf32> to vector<16xf32>
      %swap3A_62 = vector.shape_cast %broadcast_in_dim3A_1 : vector<16xf32> to vector<1x16xf32>
      tpu.vector_store %arg10[%swap3A_58, %swap3A_59], %swap3A_62 {strides = array<i32>} : memref<128x128xf32, #tpu.memory_space<vmem>>, vector<1x16xf32>,
      %swap3A_63 = arith.index_cast %scan3A_48 : i32 to index
      %swap3A_64 = arith.constant 48 : index
      %swap3A_65 = tpu.vector_load %arg10[%swap3A_63, %swap3A_64] {strides = array<i32>} : memref<128x128xf32, #tpu.memory_space<vmem>>, vector<1x16xf32>,
      %swap3A_66 = vector.shape_cast %swap3A_65 : vector<1x16xf32> to vector<16xf32>
      %swap3A_67 = vector.shape_cast %broadcast_in_dim3A_1 : vector<16xf32> to vector<1x16xf32>
      tpu.vector_store %arg10[%swap3A_63, %swap3A_64], %swap3A_67 {strides = array<i32>} : memref<128x128xf32, #tpu.memory_space<vmem>>, vector<1x16xf32>,
      %swap3A_68 = arith.index_cast %scan3A_48 : i32 to index
      %swap3A_69 = arith.constant 64 : index
      %swap3A_70 = tpu.vector_load %arg10[%swap3A_68, %swap3A_69] {strides = array<i32>} : memref<128x128xf32, #tpu.memory_space<vmem>>, vector<1x16xf32>,
      %swap3A_71 = vector.shape_cast %swap3A_70 : vector<1x16xf32> to vector<16xf32>
      %swap3A_72 = vector.shape_cast %broadcast_in_dim3A_1 : vector<16xf32> to vector<1x16xf32>
      tpu.vector_store %arg10[%swap3A_68, %swap3A_69], %swap3A_72 {strides = array<i32>} : memref<128x128xf32, #tpu.memory_space<vmem>>, vector<1x16xf32>,
      %swap3A_73 = arith.index_cast %scan3A_48 : i32 to index
      %swap3A_74 = arith.constant 80 : index
      %swap3A_75 = tpu.vector_load %arg10[%swap3A_73, %swap3A_74] {strides = array<i32>} : memref<128x128xf32, #tpu.memory_space<vmem>>, vector<1x16xf32>,
      %swap3A_76 = vector.shape_cast %swap3A_75 : vector<1x16xf32> to vector<16xf32>
      %swap3A_77 = vector.shape_cast %broadcast_in_dim3A_1 : vector<16xf32> to vector<1x16xf32>
      tpu.vector_store %arg10[%swap3A_73, %swap3A_74], %swap3A_77 {strides = array<i32>} : memref<128x128xf32, #tpu.memory_space<vmem>>, vector<1x16xf32>,
      %swap3A_78 = arith.index_cast %scan3A_48 : i32 to index
      %swap3A_79 = arith.constant 96 : index
      %swap3A_80 = tpu.vector_load %arg10[%swap3A_78, %swap3A_79] {strides = array<i32>} : memref<128x128xf32, #tpu.memory_space<vmem>>, vector<1x16xf32>,
      %swap3A_81 = vector.shape_cast %swap3A_80 : vector<1x16xf32> to vector<16xf32>
      %swap3A_82 = vector.shape_cast %broadcast_in_dim3A_1 : vector<16xf32> to vector<1x16xf32>
      tpu.vector_store %arg10[%swap3A_78, %swap3A_79], %swap3A_82 {strides = array<i32>} : memref<128x128xf32, #tpu.memory_space<vmem>>, vector<1x16xf32>,
      %swap3A_83 = arith.index_cast %scan3A_48 : i32 to index
      %swap3A_84 = arith.constant 112 : index
      %swap3A_85 = tpu.vector_load %arg10[%swap3A_83, %swap3A_84] {strides = array<i32>} : memref<128x128xf32, #tpu.memory_space<vmem>>, vector<1x16xf32>,
      %swap3A_86 = vector.shape_cast %swap3A_85 : vector<1x16xf32> to vector<16xf32>
      %swap3A_87 = vector.shape_cast %broadcast_in_dim3A_1 : vector<16xf32> to vector<1x16xf32>
      tpu.vector_store %arg10[%swap3A_83, %swap3A_84], %swap3A_87 {strides = array<i32>} : memref<128x128xf32, #tpu.memory_space<vmem>>, vector<1x16xf32>,
    }
    %scan3A_6 = arith.constant 128 : i32
    %mul3A_7 = arith.constant 624 : i32
    %mul3A_8 = arith.muli %arg1, %mul3A_7 : i32
    %add3A_9 = arith.constant 0 : i32
    %add3A_10 = arith.addi %mul3A_8, %add3A_9 : i32
    "tpu.region"() ({
      %run_scoped3A = tpu.sem_alloc : memref<!tpu.dma_semaphore, #tpu.memory_space<semaphore_mem>>
      %dma_start3A = arith.constant 0 : i32
      %dma_start3A_48 = arith.constant 0 : i32
      %dma_start3A_49 = tpu.memref_slice %arg10[%dma_start3A, %dma_start3A_48] : memref<128x128xf32, #tpu.memory_space<vmem>> -> memref<128x128xf32, #tpu.memory_space<vmem>>
      %dma_start3A_50 = arith.constant 0 : i32
      %dma_start3A_51 = tpu.memref_slice %arg11[%add3A_10, %dma_start3A_50] : memref<10000x128xf32, #tpu.memory_space<vmem_shared>> -> memref<128x128xf32, #tpu.memory_space<vmem_shared>>
      %dma_start3A_52 = arith.constant 0 : i32
      %dma_start3A_53 = tpu.memref_slice %arg11[%add3A_10, %dma_start3A_52] : memref<10000x128xf32, #tpu.memory_space<vmem_shared>> -> memref<128x128xf32, #tpu.memory_space<vmem_shared>>
      %dma_start3A_54 = arith.constant 0 : i32
      %dma_start3A_55 = arith.constant 0 : i32
      %dma_start3A_56 = tpu.memref_slice %arg10[%dma_start3A_54, %dma_start3A_55] : memref<128x128xf32, #tpu.memory_space<vmem>> -> memref<128x128xf32, #tpu.memory_space<vmem>>
      tpu.enqueue_dma source(%dma_start3A_56 : memref<128x128xf32, #tpu.memory_space<vmem>>) target(%dma_start3A_53 : memref<128x128xf32, #tpu.memory_space<vmem_shared>>) target_semaphore(%run_scoped3A : memref<!tpu.dma_semaphore, #tpu.memory_space<semaphore_mem>>)
      %dma_wait3A = arith.constant 0 : i32
      %dma_wait3A_57 = arith.constant 0 : i32
      %dma_wait3A_58 = tpu.memref_slice %arg10[%dma_wait3A, %dma_wait3A_57] : memref<128x128xf32, #tpu.memory_space<vmem>> -> memref<128x128xf32, #tpu.memory_space<vmem>>
      %dma_wait3A_59 = arith.constant 0 : i32
      %dma_wait3A_60 = tpu.memref_slice %arg11[%add3A_10, %dma_wait3A_59] : memref<10000x128xf32, #tpu.memory_space<vmem_shared>> -> memref<128x128xf32, #tpu.memory_space<vmem_shared>>
      %dma_wait3A_61 = arith.constant 0 : i32
      %dma_wait3A_62 = tpu.memref_slice %arg11[%add3A_10, %dma_wait3A_61] : memref<10000x128xf32, #tpu.memory_space<vmem_shared>> -> memref<128x128xf32, #tpu.memory_space<vmem_shared>>
      %dma_wait3A_63 = arith.constant 0 : i32
      %dma_wait3A_64 = arith.constant 0 : i32
      %dma_wait3A_65 = tpu.memref_slice %arg10[%dma_wait3A_63, %dma_wait3A_64] : memref<128x128xf32, #tpu.memory_space<vmem>> -> memref<128x128xf32, #tpu.memory_space<vmem>>
      tpu.wait_dma2 semaphore(%run_scoped3A : memref<!tpu.dma_semaphore, #tpu.memory_space<semaphore_mem>>) src(%dma_wait3A_65 : memref<128x128xf32, #tpu.memory_space<vmem>>) dst(%dma_wait3A_62 : memref<128x128xf32, #tpu.memory_space<vmem_shared>>)
      tpu.yield
    }) : () -> ()
    %mul3A_11 = arith.constant 624 : i32
    %mul3A_12 = arith.muli %arg1, %mul3A_11 : i32
    %add3A_13 = arith.constant 128 : i32
    %add3A_14 = arith.addi %mul3A_12, %add3A_13 : i32
    "tpu.region"() ({
      %run_scoped3A = tpu.sem_alloc : memref<!tpu.dma_semaphore, #tpu.memory_space<semaphore_mem>>
      %dma_start3A = arith.constant 0 : i32
      %dma_start3A_48 = arith.constant 0 : i32
      %dma_start3A_49 = tpu.memref_slice %arg10[%dma_start3A, %dma_start3A_48] : memref<128x128xf32, #tpu.memory_space<vmem>> -> memref<128x128xf32, #tpu.memory_space<vmem>>
      %dma_start3A_50 = arith.constant 0 : i32
      %dma_start3A_51 = tpu.memref_slice %arg11[%add3A_14, %dma_start3A_50] : memref<10000x128xf32, #tpu.memory_space<vmem_shared>> -> memref<128x128xf32, #tpu.memory_space<vmem_shared>>
      %dma_start3A_52 = arith.constant 0 : i32
      %dma_start3A_53 = tpu.memref_slice %arg11[%add3A_14, %dma_start3A_52] : memref<10000x128xf32, #tpu.memory_space<vmem_shared>> -> memref<128x128xf32, #tpu.memory_space<vmem_shared>>
      %dma_start3A_54 = arith.constant 0 : i32
      %dma_start3A_55 = arith.constant 0 : i32
      %dma_start3A_56 = tpu.memref_slice %arg10[%dma_start3A_54, %dma_start3A_55] : memref<128x128xf32, #tpu.memory_space<vmem>> -> memref<128x128xf32, #tpu.memory_space<vmem>>
      tpu.enqueue_dma source(%dma_start3A_56 : memref<128x128xf32, #tpu.memory_space<vmem>>) target(%dma_start3A_53 : memref<128x128xf32, #tpu.memory_space<vmem_shared>>) target_semaphore(%run_scoped3A : memref<!tpu.dma_semaphore, #tpu.memory_space<semaphore_mem>>)
      %dma_wait3A = arith.constant 0 : i32
      %dma_wait3A_57 = arith.constant 0 : i32
      %dma_wait3A_58 = tpu.memref_slice %arg10[%dma_wait3A, %dma_wait3A_57] : memref<128x128xf32, #tpu.memory_space<vmem>> -> memref<128x128xf32, #tpu.memory_space<vmem>>
      %dma_wait3A_59 = arith.constant 0 : i32
      %dma_wait3A_60 = tpu.memref_slice %arg11[%add3A_14, %dma_wait3A_59] : memref<10000x128xf32, #tpu.memory_space<vmem_shared>> -> memref<128x128xf32, #tpu.memory_space<vmem_shared>>
      %dma_wait3A_61 = arith.constant 0 : i32
      %dma_wait3A_62 = tpu.memref_slice %arg11[%add3A_14, %dma_wait3A_61] : memref<10000x128xf32, #tpu.memory_space<vmem_shared>> -> memref<128x128xf32, #tpu.memory_space<vmem_shared>>
      %dma_wait3A_63 = arith.constant 0 : i32
      %dma_wait3A_64 = arith.constant 0 : i32
      %dma_wait3A_65 = tpu.memref_slice %arg10[%dma_wait3A_63, %dma_wait3A_64] : memref<128x128xf32, #tpu.memory_space<vmem>> -> memref<128x128xf32, #tpu.memory_space<vmem>>
      tpu.wait_dma2 semaphore(%run_scoped3A : memref<!tpu.dma_semaphore, #tpu.memory_space<semaphore_mem>>) src(%dma_wait3A_65 : memref<128x128xf32, #tpu.memory_space<vmem>>) dst(%dma_wait3A_62 : memref<128x128xf32, #tpu.memory_space<vmem_shared>>)
      tpu.yield
    }) : () -> ()
    %mul3A_15 = arith.constant 624 : i32
    %mul3A_16 = arith.muli %arg1, %mul3A_15 : i32
    %add3A_17 = arith.constant 256 : i32
    %add3A_18 = arith.addi %mul3A_16, %add3A_17 : i32
    "tpu.region"() ({
      %run_scoped3A = tpu.sem_alloc : memref<!tpu.dma_semaphore, #tpu.memory_space<semaphore_mem>>
      %dma_start3A = arith.constant 0 : i32
      %dma_start3A_48 = arith.constant 0 : i32
      %dma_start3A_49 = tpu.memref_slice %arg10[%dma_start3A, %dma_start3A_48] : memref<128x128xf32, #tpu.memory_space<vmem>> -> memref<128x128xf32, #tpu.memory_space<vmem>>
      %dma_start3A_50 = arith.constant 0 : i32
      %dma_start3A_51 = tpu.memref_slice %arg11[%add3A_18, %dma_start3A_50] : memref<10000x128xf32, #tpu.memory_space<vmem_shared>> -> memref<128x128xf32, #tpu.memory_space<vmem_shared>>
      %dma_start3A_52 = arith.constant 0 : i32
      %dma_start3A_53 = tpu.memref_slice %arg11[%add3A_18, %dma_start3A_52] : memref<10000x128xf32, #tpu.memory_space<vmem_shared>> -> memref<128x128xf32, #tpu.memory_space<vmem_shared>>
      %dma_start3A_54 = arith.constant 0 : i32
      %dma_start3A_55 = arith.constant 0 : i32
      %dma_start3A_56 = tpu.memref_slice %arg10[%dma_start3A_54, %dma_start3A_55] : memref<128x128xf32, #tpu.memory_space<vmem>> -> memref<128x128xf32, #tpu.memory_space<vmem>>
      tpu.enqueue_dma source(%dma_start3A_56 : memref<128x128xf32, #tpu.memory_space<vmem>>) target(%dma_start3A_53 : memref<128x128xf32, #tpu.memory_space<vmem_shared>>) target_semaphore(%run_scoped3A : memref<!tpu.dma_semaphore, #tpu.memory_space<semaphore_mem>>)
      %dma_wait3A = arith.constant 0 : i32
      %dma_wait3A_57 = arith.constant 0 : i32
      %dma_wait3A_58 = tpu.memref_slice %arg10[%dma_wait3A, %dma_wait3A_57] : memref<128x128xf32, #tpu.memory_space<vmem>> -> memref<128x128xf32, #tpu.memory_space<vmem>>
      %dma_wait3A_59 = arith.constant 0 : i32
      %dma_wait3A_60 = tpu.memref_slice %arg11[%add3A_18, %dma_wait3A_59] : memref<10000x128xf32, #tpu.memory_space<vmem_shared>> -> memref<128x128xf32, #tpu.memory_space<vmem_shared>>
      %dma_wait3A_61 = arith.constant 0 : i32
      %dma_wait3A_62 = tpu.memref_slice %arg11[%add3A_18, %dma_wait3A_61] : memref<10000x128xf32, #tpu.memory_space<vmem_shared>> -> memref<128x128xf32, #tpu.memory_space<vmem_shared>>
      %dma_wait3A_63 = arith.constant 0 : i32
      %dma_wait3A_64 = arith.constant 0 : i32
      %dma_wait3A_65 = tpu.memref_slice %arg10[%dma_wait3A_63, %dma_wait3A_64] : memref<128x128xf32, #tpu.memory_space<vmem>> -> memref<128x128xf32, #tpu.memory_space<vmem>>
      tpu.wait_dma2 semaphore(%run_scoped3A : memref<!tpu.dma_semaphore, #tpu.memory_space<semaphore_mem>>) src(%dma_wait3A_65 : memref<128x128xf32, #tpu.memory_space<vmem>>) dst(%dma_wait3A_62 : memref<128x128xf32, #tpu.memory_space<vmem_shared>>)
      tpu.yield
    }) : () -> ()
    %mul3A_19 = arith.constant 624 : i32
    %mul3A_20 = arith.muli %arg1, %mul3A_19 : i32
    %add3A_21 = arith.constant 384 : i32
    %add3A_22 = arith.addi %mul3A_20, %add3A_21 : i32
    "tpu.region"() ({
      %run_scoped3A = tpu.sem_alloc : memref<!tpu.dma_semaphore, #tpu.memory_space<semaphore_mem>>
      %dma_start3A = arith.constant 0 : i32
      %dma_start3A_48 = arith.constant 0 : i32
      %dma_start3A_49 = tpu.memref_slice %arg10[%dma_start3A, %dma_start3A_48] : memref<128x128xf32, #tpu.memory_space<vmem>> -> memref<128x128xf32, #tpu.memory_space<vmem>>
      %dma_start3A_50 = arith.constant 0 : i32
      %dma_start3A_51 = tpu.memref_slice %arg11[%add3A_22, %dma_start3A_50] : memref<10000x128xf32, #tpu.memory_space<vmem_shared>> -> memref<128x128xf32, #tpu.memory_space<vmem_shared>>
      %dma_start3A_52 = arith.constant 0 : i32
      %dma_start3A_53 = tpu.memref_slice %arg11[%add3A_22, %dma_start3A_52] : memref<10000x128xf32, #tpu.memory_space<vmem_shared>> -> memref<128x128xf32, #tpu.memory_space<vmem_shared>>
      %dma_start3A_54 = arith.constant 0 : i32
      %dma_start3A_55 = arith.constant 0 : i32
      %dma_start3A_56 = tpu.memref_slice %arg10[%dma_start3A_54, %dma_start3A_55] : memref<128x128xf32, #tpu.memory_space<vmem>> -> memref<128x128xf32, #tpu.memory_space<vmem>>
      tpu.enqueue_dma source(%dma_start3A_56 : memref<128x128xf32, #tpu.memory_space<vmem>>) target(%dma_start3A_53 : memref<128x128xf32, #tpu.memory_space<vmem_shared>>) target_semaphore(%run_scoped3A : memref<!tpu.dma_semaphore, #tpu.memory_space<semaphore_mem>>)
      %dma_wait3A = arith.constant 0 : i32
      %dma_wait3A_57 = arith.constant 0 : i32
      %dma_wait3A_58 = tpu.memref_slice %arg10[%dma_wait3A, %dma_wait3A_57] : memref<128x128xf32, #tpu.memory_space<vmem>> -> memref<128x128xf32, #tpu.memory_space<vmem>>
      %dma_wait3A_59 = arith.constant 0 : i32
      %dma_wait3A_60 = tpu.memref_slice %arg11[%add3A_22, %dma_wait3A_59] : memref<10000x128xf32, #tpu.memory_space<vmem_shared>> -> memref<128x128xf32, #tpu.memory_space<vmem_shared>>
      %dma_wait3A_61 = arith.constant 0 : i32
      %dma_wait3A_62 = tpu.memref_slice %arg11[%add3A_22, %dma_wait3A_61] : memref<10000x128xf32, #tpu.memory_space<vmem_shared>> -> memref<128x128xf32, #tpu.memory_space<vmem_shared>>
      %dma_wait3A_63 = arith.constant 0 : i32
      %dma_wait3A_64 = arith.constant 0 : i32
      %dma_wait3A_65 = tpu.memref_slice %arg10[%dma_wait3A_63, %dma_wait3A_64] : memref<128x128xf32, #tpu.memory_space<vmem>> -> memref<128x128xf32, #tpu.memory_space<vmem>>
      tpu.wait_dma2 semaphore(%run_scoped3A : memref<!tpu.dma_semaphore, #tpu.memory_space<semaphore_mem>>) src(%dma_wait3A_65 : memref<128x128xf32, #tpu.memory_space<vmem>>) dst(%dma_wait3A_62 : memref<128x128xf32, #tpu.memory_space<vmem_shared>>)
      tpu.yield
    }) : () -> ()
    %mul3A_23 = arith.constant 624 : i32
    %mul3A_24 = arith.muli %arg1, %mul3A_23 : i32
    %add3A_25 = arith.constant 512 : i32
    %add3A_26 = arith.addi %mul3A_24, %add3A_25 : i32
    "tpu.region"() ({
      %run_scoped3A = tpu.sem_alloc : memref<!tpu.dma_semaphore, #tpu.memory_space<semaphore_mem>>
      %dma_start3A = arith.constant 0 : i32
      %dma_start3A_48 = arith.constant 0 : i32
      %dma_start3A_49 = tpu.memref_slice %arg10[%dma_start3A, %dma_start3A_48] : memref<128x128xf32, #tpu.memory_space<vmem>> -> memref<112x128xf32, #tpu.memory_space<vmem>>
      %dma_start3A_50 = arith.constant 0 : i32
      %dma_start3A_51 = tpu.memref_slice %arg11[%add3A_26, %dma_start3A_50] : memref<10000x128xf32, #tpu.memory_space<vmem_shared>> -> memref<112x128xf32, #tpu.memory_space<vmem_shared>>
      %dma_start3A_52 = arith.constant 0 : i32
      %dma_start3A_53 = tpu.memref_slice %arg11[%add3A_26, %dma_start3A_52] : memref<10000x128xf32, #tpu.memory_space<vmem_shared>> -> memref<112x128xf32, #tpu.memory_space<vmem_shared>>
      %dma_start3A_54 = arith.constant 0 : i32
      %dma_start3A_55 = arith.constant 0 : i32
      %dma_start3A_56 = tpu.memref_slice %arg10[%dma_start3A_54, %dma_start3A_55] : memref<128x128xf32, #tpu.memory_space<vmem>> -> memref<112x128xf32, #tpu.memory_space<vmem>>
      tpu.enqueue_dma source(%dma_start3A_56 : memref<112x128xf32, #tpu.memory_space<vmem>>) target(%dma_start3A_53 : memref<112x128xf32, #tpu.memory_space<vmem_shared>>) target_semaphore(%run_scoped3A : memref<!tpu.dma_semaphore, #tpu.memory_space<semaphore_mem>>)
      %dma_wait3A = arith.constant 0 : i32
      %dma_wait3A_57 = arith.constant 0 : i32
      %dma_wait3A_58 = tpu.memref_slice %arg10[%dma_wait3A, %dma_wait3A_57] : memref<128x128xf32, #tpu.memory_space<vmem>> -> memref<112x128xf32, #tpu.memory_space<vmem>>
      %dma_wait3A_59 = arith.constant 0 : i32
      %dma_wait3A_60 = tpu.memref_slice %arg11[%add3A_26, %dma_wait3A_59] : memref<10000x128xf32, #tpu.memory_space<vmem_shared>> -> memref<112x128xf32, #tpu.memory_space<vmem_shared>>
      %dma_wait3A_61 = arith.constant 0 : i32
      %dma_wait3A_62 = tpu.memref_slice %arg11[%add3A_26, %dma_wait3A_61] : memref<10000x128xf32, #tpu.memory_space<vmem_shared>> -> memref<112x128xf32, #tpu.memory_space<vmem_shared>>
      %dma_wait3A_63 = arith.constant 0 : i32
      %dma_wait3A_64 = arith.constant 0 : i32
      %dma_wait3A_65 = tpu.memref_slice %arg10[%dma_wait3A_63, %dma_wait3A_64] : memref<128x128xf32, #tpu.memory_space<vmem>> -> memref<112x128xf32, #tpu.memory_space<vmem>>
      tpu.wait_dma2 semaphore(%run_scoped3A : memref<!tpu.dma_semaphore, #tpu.memory_space<semaphore_mem>>) src(%dma_wait3A_65 : memref<112x128xf32, #tpu.memory_space<vmem>>) dst(%dma_wait3A_62 : memref<112x128xf32, #tpu.memory_space<vmem_shared>>)
      tpu.yield
    }) : () -> ()
    %eq3A = arith.constant 0 : i32
    %eq3A_27 = arith.cmpi eq, %arg1, %eq3A : i32
    %convert_element_type3A = arith.extui %eq3A_27 : i1 to i32
    %cond3A = arith.constant 0 : i32
    %cond3A_28 = arith.cmpi ne, %convert_element_type3A, %cond3A : i32
    scf.if %cond3A_28 {
      "tpu.region"() ({
        %run_scoped3A = tpu.sem_alloc : memref<!tpu.dma_semaphore, #tpu.memory_space<semaphore_mem>>
        %dma_start3A = arith.constant 0 : i32
        %dma_start3A_48 = arith.constant 0 : i32
        %dma_start3A_49 = tpu.memref_slice %arg10[%dma_start3A, %dma_start3A_48] : memref<128x128xf32, #tpu.memory_space<vmem>> -> memref<16x128xf32, #tpu.memory_space<vmem>>
        %dma_start3A_50 = arith.constant 9984 : i32
        %dma_start3A_51 = arith.constant 0 : i32
        %dma_start3A_52 = tpu.memref_slice %arg11[%dma_start3A_50, %dma_start3A_51] : memref<10000x128xf32, #tpu.memory_space<vmem_shared>> -> memref<16x128xf32, #tpu.memory_space<vmem_shared>>
        %dma_start3A_53 = arith.constant 9984 : i32
        %dma_start3A_54 = arith.constant 0 : i32
        %dma_start3A_55 = tpu.memref_slice %arg11[%dma_start3A_53, %dma_start3A_54] : memref<10000x128xf32, #tpu.memory_space<vmem_shared>> -> memref<16x128xf32, #tpu.memory_space<vmem_shared>>
        %dma_start3A_56 = arith.constant 0 : i32
        %dma_start3A_57 = arith.constant 0 : i32
        %dma_start3A_58 = tpu.memref_slice %arg10[%dma_start3A_56, %dma_start3A_57] : memref<128x128xf32, #tpu.memory_space<vmem>> -> memref<16x128xf32, #tpu.memory_space<vmem>>
        tpu.enqueue_dma source(%dma_start3A_58 : memref<16x128xf32, #tpu.memory_space<vmem>>) target(%dma_start3A_55 : memref<16x128xf32, #tpu.memory_space<vmem_shared>>) target_semaphore(%run_scoped3A : memref<!tpu.dma_semaphore, #tpu.memory_space<semaphore_mem>>)
        %dma_wait3A = arith.constant 0 : i32
        %dma_wait3A_59 = arith.constant 0 : i32
        %dma_wait3A_60 = tpu.memref_slice %arg10[%dma_wait3A, %dma_wait3A_59] : memref<128x128xf32, #tpu.memory_space<vmem>> -> memref<16x128xf32, #tpu.memory_space<vmem>>
        %dma_wait3A_61 = arith.constant 9984 : i32
        %dma_wait3A_62 = arith.constant 0 : i32
        %dma_wait3A_63 = tpu.memref_slice %arg11[%dma_wait3A_61, %dma_wait3A_62] : memref<10000x128xf32, #tpu.memory_space<vmem_shared>> -> memref<16x128xf32, #tpu.memory_space<vmem_shared>>
        %dma_wait3A_64 = arith.constant 9984 : i32
        %dma_wait3A_65 = arith.constant 0 : i32
        %dma_wait3A_66 = tpu.memref_slice %arg11[%dma_wait3A_64, %dma_wait3A_65] : memref<10000x128xf32, #tpu.memory_space<vmem_shared>> -> memref<16x128xf32, #tpu.memory_space<vmem_shared>>
        %dma_wait3A_67 = arith.constant 0 : i32
        %dma_wait3A_68 = arith.constant 0 : i32
        %dma_wait3A_69 = tpu.memref_slice %arg10[%dma_wait3A_67, %dma_wait3A_68] : memref<128x128xf32, #tpu.memory_space<vmem>> -> memref<16x128xf32, #tpu.memory_space<vmem>>
        tpu.wait_dma2 semaphore(%run_scoped3A : memref<!tpu.dma_semaphore, #tpu.memory_space<semaphore_mem>>) src(%dma_wait3A_69 : memref<16x128xf32, #tpu.memory_space<vmem>>) dst(%dma_wait3A_66 : memref<16x128xf32, #tpu.memory_space<vmem_shared>>)
        tpu.yield
      }) : () -> ()
    } else {
    }
    %barrier3A = arith.constant 0 : index
    tpu.barrier barrier_id(%barrier3A)
    %scan3A_29 = arith.constant 0 : i32
    %scan3A_30 = arith.constant 0 : i32
    %scan3A_31 = arith.constant 79 : i32
    %scan3A_32 = arith.addi %scan3A_30, %scan3A_31 : i32
    %scan3A_33 = arith.constant 1 : i32
    scf.for %scan3A_48 = %scan3A_30 to %scan3A_32 step %scan3A_33  : i32 {
      %mul3A_49 = arith.constant 32 : i32
      %mul3A_50 = arith.muli %scan3A_48, %mul3A_49 : i32
      %add3A_51 = arith.addi %mul3A_50, %add3A : i32
      %lt3A = arith.constant 2500 : i32
      %lt3A_52 = arith.cmpi slt, %add3A_51, %lt3A : i32
      %convert_element_type3A_53 = arith.extui %lt3A_52 : i1 to i32
      %cond3A_54 = arith.constant 0 : i32
      %cond3A_55 = arith.cmpi ne, %convert_element_type3A_53, %cond3A_54 : i32
      scf.if %cond3A_55 {
        %mul3A_56 = arith.constant 128 : i32
        %mul3A_57 = arith.muli %add3A_51, %mul3A_56 : i32
        %multiple_of3A = tpu.assume_multiple %mul3A_57, 128 : i32
        "tpu.region"() ({
          %run_scoped3A = tpu.sem_alloc : memref<!tpu.dma_semaphore, #tpu.memory_space<semaphore_mem>>
          %dma_start3A_68 = tpu.memref_slice %arg3[%multiple_of3A] : memref<320000xi32, #tpu.memory_space<hbm>> -> memref<128xi32, #tpu.memory_space<hbm>>
          %dma_start3A_69 = tpu.memref_slice %arg3[%multiple_of3A] : memref<320000xi32, #tpu.memory_space<hbm>> -> memref<128xi32, #tpu.memory_space<hbm>>
          tpu.enqueue_dma source(%dma_start3A_69 : memref<128xi32, #tpu.memory_space<hbm>>) target(%arg7 : memref<128xi32, #tpu.memory_space<vmem>>) target_semaphore(%run_scoped3A : memref<!tpu.dma_semaphore, #tpu.memory_space<semaphore_mem>>)
          %dma_wait3A_70 = tpu.memref_slice %arg3[%multiple_of3A] : memref<320000xi32, #tpu.memory_space<hbm>> -> memref<128xi32, #tpu.memory_space<hbm>>
          %dma_wait3A_71 = tpu.memref_slice %arg3[%multiple_of3A] : memref<320000xi32, #tpu.memory_space<hbm>> -> memref<128xi32, #tpu.memory_space<hbm>>
          tpu.wait_dma2 semaphore(%run_scoped3A : memref<!tpu.dma_semaphore, #tpu.memory_space<semaphore_mem>>) src(%dma_wait3A_71 : memref<128xi32, #tpu.memory_space<hbm>>) dst(%arg7 : memref<128xi32, #tpu.memory_space<vmem>>)
          tpu.yield
        }) : () -> ()
        "tpu.region"() ({
          %run_scoped3A = tpu.sem_alloc : memref<!tpu.dma_semaphore, #tpu.memory_space<semaphore_mem>>
          %dma_start3A_68 = tpu.memref_slice %arg4[%multiple_of3A] : memref<320000xi32, #tpu.memory_space<hbm>> -> memref<128xi32, #tpu.memory_space<hbm>>
          %dma_start3A_69 = tpu.memref_slice %arg4[%multiple_of3A] : memref<320000xi32, #tpu.memory_space<hbm>> -> memref<128xi32, #tpu.memory_space<hbm>>
          tpu.enqueue_dma source(%dma_start3A_69 : memref<128xi32, #tpu.memory_space<hbm>>) target(%arg8 : memref<128xi32, #tpu.memory_space<vmem>>) target_semaphore(%run_scoped3A : memref<!tpu.dma_semaphore, #tpu.memory_space<semaphore_mem>>)
          %dma_wait3A_70 = tpu.memref_slice %arg4[%multiple_of3A] : memref<320000xi32, #tpu.memory_space<hbm>> -> memref<128xi32, #tpu.memory_space<hbm>>
          %dma_wait3A_71 = tpu.memref_slice %arg4[%multiple_of3A] : memref<320000xi32, #tpu.memory_space<hbm>> -> memref<128xi32, #tpu.memory_space<hbm>>
          tpu.wait_dma2 semaphore(%run_scoped3A : memref<!tpu.dma_semaphore, #tpu.memory_space<semaphore_mem>>) src(%dma_wait3A_71 : memref<128xi32, #tpu.memory_space<hbm>>) dst(%arg8 : memref<128xi32, #tpu.memory_space<vmem>>)
          tpu.yield
        }) : () -> ()
        "tpu.region"() ({
          %run_scoped3A = tpu.sem_alloc : memref<!tpu.dma_semaphore, #tpu.memory_space<semaphore_mem>>
          %dma_start3A_68 = arith.constant 0 : i32
          %dma_start3A_69 = tpu.memref_slice %arg5[%multiple_of3A, %dma_start3A_68] : memref<320000x16xf32, #tpu.memory_space<hbm>> -> memref<128x16xf32, #tpu.memory_space<hbm>>
          %dma_start3A_70 = arith.constant 0 : i32
          %dma_start3A_71 = tpu.memref_slice %arg5[%multiple_of3A, %dma_start3A_70] : memref<320000x16xf32, #tpu.memory_space<hbm>> -> memref<128x16xf32, #tpu.memory_space<hbm>>
          tpu.enqueue_dma source(%dma_start3A_71 : memref<128x16xf32, #tpu.memory_space<hbm>>) target(%arg9 : memref<128x16xf32, #tpu.memory_space<vmem>>) target_semaphore(%run_scoped3A : memref<!tpu.dma_semaphore, #tpu.memory_space<semaphore_mem>>)
          %dma_wait3A_72 = arith.constant 0 : i32
          %dma_wait3A_73 = tpu.memref_slice %arg5[%multiple_of3A, %dma_wait3A_72] : memref<320000x16xf32, #tpu.memory_space<hbm>> -> memref<128x16xf32, #tpu.memory_space<hbm>>
          %dma_wait3A_74 = arith.constant 0 : i32
          %dma_wait3A_75 = tpu.memref_slice %arg5[%multiple_of3A, %dma_wait3A_74] : memref<320000x16xf32, #tpu.memory_space<hbm>> -> memref<128x16xf32, #tpu.memory_space<hbm>>
          tpu.wait_dma2 semaphore(%run_scoped3A : memref<!tpu.dma_semaphore, #tpu.memory_space<semaphore_mem>>) src(%dma_wait3A_75 : memref<128x16xf32, #tpu.memory_space<hbm>>) dst(%arg9 : memref<128x16xf32, #tpu.memory_space<vmem>>)
          tpu.yield
        }) : () -> ()
        %dma_start3A = arith.constant 0 : i32
        %dma_start3A_58 = arith.constant 0 : i32
        %dma_start3A_59 = tpu.memref_slice %arg2[%dma_start3A, %dma_start3A_58] : memref<10000x128xf32, #tpu.memory_space<hbm>> -> memref<10000x128xf32, #tpu.memory_space<hbm>>
        tpu.enqueue_indirect_dma source(%dma_start3A_59 : memref<10000x128xf32, #tpu.memory_space<hbm>>) target(%arg10 : memref<128x128xf32, #tpu.memory_space<vmem>>) offsets(%arg7 : memref<128xi32, #tpu.memory_space<vmem>>) semaphore(%arg12 : memref<!tpu.dma_semaphore, #tpu.memory_space<semaphore_mem>>)
        %dma_wait3A = arith.constant 0 : i32
        %dma_wait3A_60 = arith.constant 0 : i32
        %dma_wait3A_61 = tpu.memref_slice %arg2[%dma_wait3A, %dma_wait3A_60] : memref<10000x128xf32, #tpu.memory_space<hbm>> -> memref<10000x128xf32, #tpu.memory_space<hbm>>
        tpu.wait_indirect_dma semaphore(%arg12 : memref<!tpu.dma_semaphore, #tpu.memory_space<semaphore_mem>>) src(%dma_wait3A_61 : memref<10000x128xf32, #tpu.memory_space<hbm>>) dst(%arg10 : memref<128x128xf32, #tpu.memory_space<vmem>>)
        %scan3A_62 = arith.constant 0 : i32
        %scan3A_63 = arith.constant 0 : i32
        %scan3A_64 = arith.constant 128 : i32
        %scan3A_65 = arith.addi %scan3A_63, %scan3A_64 : i32
        %scan3A_66 = arith.constant 1 : i32
        scf.for %scan3A_68 = %scan3A_63 to %scan3A_65 step %scan3A_66  : i32 {
          %get3A = arith.index_cast %scan3A_68 : i32 to index
          %get3A_69 = arith.constant 0 : index
          %get3A_70 = tpu.vector_load %arg9[%get3A, %get3A_69] {strides = array<i32>} : memref<128x16xf32, #tpu.memory_space<vmem>>, vector<1x16xf32>,
          %get3A_71 = vector.shape_cast %get3A_70 : vector<1x16xf32> to vector<16xf32>
          %get3A_72 = arith.index_cast %scan3A_68 : i32 to index
          %get3A_73 = arith.constant 0 : index
          %get3A_74 = tpu.vector_load %arg10[%get3A_72, %get3A_73] {strides = array<i32>} : memref<128x128xf32, #tpu.memory_space<vmem>>, vector<1x16xf32>,
          %get3A_75 = vector.shape_cast %get3A_74 : vector<1x16xf32> to vector<16xf32>
          %mul3A_76 = arith.mulf %get3A_75, %get3A_71 : vector<16xf32>
          %swap3A = arith.index_cast %scan3A_68 : i32 to index
          %swap3A_77 = arith.constant 0 : index
          %swap3A_78 = tpu.vector_load %arg10[%swap3A, %swap3A_77] {strides = array<i32>} : memref<128x128xf32, #tpu.memory_space<vmem>>, vector<1x16xf32>,
          %swap3A_79 = vector.shape_cast %swap3A_78 : vector<1x16xf32> to vector<16xf32>
          %swap3A_80 = vector.shape_cast %mul3A_76 : vector<16xf32> to vector<1x16xf32>
          tpu.vector_store %arg10[%swap3A, %swap3A_77], %swap3A_80 {strides = array<i32>} : memref<128x128xf32, #tpu.memory_space<vmem>>, vector<1x16xf32>,
          %get3A_81 = arith.index_cast %scan3A_68 : i32 to index
          %get3A_82 = arith.constant 16 : index
          %get3A_83 = tpu.vector_load %arg10[%get3A_81, %get3A_82] {strides = array<i32>} : memref<128x128xf32, #tpu.memory_space<vmem>>, vector<1x16xf32>,
          %get3A_84 = vector.shape_cast %get3A_83 : vector<1x16xf32> to vector<16xf32>
          %mul3A_85 = arith.mulf %get3A_84, %get3A_71 : vector<16xf32>
          %swap3A_86 = arith.index_cast %scan3A_68 : i32 to index
          %swap3A_87 = arith.constant 16 : index
          %swap3A_88 = tpu.vector_load %arg10[%swap3A_86, %swap3A_87] {strides = array<i32>} : memref<128x128xf32, #tpu.memory_space<vmem>>, vector<1x16xf32>,
          %swap3A_89 = vector.shape_cast %swap3A_88 : vector<1x16xf32> to vector<16xf32>
          %swap3A_90 = vector.shape_cast %mul3A_85 : vector<16xf32> to vector<1x16xf32>
          tpu.vector_store %arg10[%swap3A_86, %swap3A_87], %swap3A_90 {strides = array<i32>} : memref<128x128xf32, #tpu.memory_space<vmem>>, vector<1x16xf32>,
          %get3A_91 = arith.index_cast %scan3A_68 : i32 to index
          %get3A_92 = arith.constant 32 : index
          %get3A_93 = tpu.vector_load %arg10[%get3A_91, %get3A_92] {strides = array<i32>} : memref<128x128xf32, #tpu.memory_space<vmem>>, vector<1x16xf32>,
          %get3A_94 = vector.shape_cast %get3A_93 : vector<1x16xf32> to vector<16xf32>
          %mul3A_95 = arith.mulf %get3A_94, %get3A_71 : vector<16xf32>
          %swap3A_96 = arith.index_cast %scan3A_68 : i32 to index
          %swap3A_97 = arith.constant 32 : index
          %swap3A_98 = tpu.vector_load %arg10[%swap3A_96, %swap3A_97] {strides = array<i32>} : memref<128x128xf32, #tpu.memory_space<vmem>>, vector<1x16xf32>,
          %swap3A_99 = vector.shape_cast %swap3A_98 : vector<1x16xf32> to vector<16xf32>
          %swap3A_100 = vector.shape_cast %mul3A_95 : vector<16xf32> to vector<1x16xf32>
          tpu.vector_store %arg10[%swap3A_96, %swap3A_97], %swap3A_100 {strides = array<i32>} : memref<128x128xf32, #tpu.memory_space<vmem>>, vector<1x16xf32>,
          %get3A_101 = arith.index_cast %scan3A_68 : i32 to index
          %get3A_102 = arith.constant 48 : index
          %get3A_103 = tpu.vector_load %arg10[%get3A_101, %get3A_102] {strides = array<i32>} : memref<128x128xf32, #tpu.memory_space<vmem>>, vector<1x16xf32>,
          %get3A_104 = vector.shape_cast %get3A_103 : vector<1x16xf32> to vector<16xf32>
          %mul3A_105 = arith.mulf %get3A_104, %get3A_71 : vector<16xf32>
          %swap3A_106 = arith.index_cast %scan3A_68 : i32 to index
          %swap3A_107 = arith.constant 48 : index
          %swap3A_108 = tpu.vector_load %arg10[%swap3A_106, %swap3A_107] {strides = array<i32>} : memref<128x128xf32, #tpu.memory_space<vmem>>, vector<1x16xf32>,
          %swap3A_109 = vector.shape_cast %swap3A_108 : vector<1x16xf32> to vector<16xf32>
          %swap3A_110 = vector.shape_cast %mul3A_105 : vector<16xf32> to vector<1x16xf32>
          tpu.vector_store %arg10[%swap3A_106, %swap3A_107], %swap3A_110 {strides = array<i32>} : memref<128x128xf32, #tpu.memory_space<vmem>>, vector<1x16xf32>,
          %get3A_111 = arith.index_cast %scan3A_68 : i32 to index
          %get3A_112 = arith.constant 64 : index
          %get3A_113 = tpu.vector_load %arg10[%get3A_111, %get3A_112] {strides = array<i32>} : memref<128x128xf32, #tpu.memory_space<vmem>>, vector<1x16xf32>,
          %get3A_114 = vector.shape_cast %get3A_113 : vector<1x16xf32> to vector<16xf32>
          %mul3A_115 = arith.mulf %get3A_114, %get3A_71 : vector<16xf32>
          %swap3A_116 = arith.index_cast %scan3A_68 : i32 to index
          %swap3A_117 = arith.constant 64 : index
          %swap3A_118 = tpu.vector_load %arg10[%swap3A_116, %swap3A_117] {strides = array<i32>} : memref<128x128xf32, #tpu.memory_space<vmem>>, vector<1x16xf32>,
          %swap3A_119 = vector.shape_cast %swap3A_118 : vector<1x16xf32> to vector<16xf32>
          %swap3A_120 = vector.shape_cast %mul3A_115 : vector<16xf32> to vector<1x16xf32>
          tpu.vector_store %arg10[%swap3A_116, %swap3A_117], %swap3A_120 {strides = array<i32>} : memref<128x128xf32, #tpu.memory_space<vmem>>, vector<1x16xf32>,
          %get3A_121 = arith.index_cast %scan3A_68 : i32 to index
          %get3A_122 = arith.constant 80 : index
          %get3A_123 = tpu.vector_load %arg10[%get3A_121, %get3A_122] {strides = array<i32>} : memref<128x128xf32, #tpu.memory_space<vmem>>, vector<1x16xf32>,
          %get3A_124 = vector.shape_cast %get3A_123 : vector<1x16xf32> to vector<16xf32>
          %mul3A_125 = arith.mulf %get3A_124, %get3A_71 : vector<16xf32>
          %swap3A_126 = arith.index_cast %scan3A_68 : i32 to index
          %swap3A_127 = arith.constant 80 : index
          %swap3A_128 = tpu.vector_load %arg10[%swap3A_126, %swap3A_127] {strides = array<i32>} : memref<128x128xf32, #tpu.memory_space<vmem>>, vector<1x16xf32>,
          %swap3A_129 = vector.shape_cast %swap3A_128 : vector<1x16xf32> to vector<16xf32>
          %swap3A_130 = vector.shape_cast %mul3A_125 : vector<16xf32> to vector<1x16xf32>
          tpu.vector_store %arg10[%swap3A_126, %swap3A_127], %swap3A_130 {strides = array<i32>} : memref<128x128xf32, #tpu.memory_space<vmem>>, vector<1x16xf32>,
          %get3A_131 = arith.index_cast %scan3A_68 : i32 to index
          %get3A_132 = arith.constant 96 : index
          %get3A_133 = tpu.vector_load %arg10[%get3A_131, %get3A_132] {strides = array<i32>} : memref<128x128xf32, #tpu.memory_space<vmem>>, vector<1x16xf32>,
          %get3A_134 = vector.shape_cast %get3A_133 : vector<1x16xf32> to vector<16xf32>
          %mul3A_135 = arith.mulf %get3A_134, %get3A_71 : vector<16xf32>
          %swap3A_136 = arith.index_cast %scan3A_68 : i32 to index
          %swap3A_137 = arith.constant 96 : index
          %swap3A_138 = tpu.vector_load %arg10[%swap3A_136, %swap3A_137] {strides = array<i32>} : memref<128x128xf32, #tpu.memory_space<vmem>>, vector<1x16xf32>,
          %swap3A_139 = vector.shape_cast %swap3A_138 : vector<1x16xf32> to vector<16xf32>
          %swap3A_140 = vector.shape_cast %mul3A_135 : vector<16xf32> to vector<1x16xf32>
          tpu.vector_store %arg10[%swap3A_136, %swap3A_137], %swap3A_140 {strides = array<i32>} : memref<128x128xf32, #tpu.memory_space<vmem>>, vector<1x16xf32>,
          %get3A_141 = arith.index_cast %scan3A_68 : i32 to index
          %get3A_142 = arith.constant 112 : index
          %get3A_143 = tpu.vector_load %arg10[%get3A_141, %get3A_142] {strides = array<i32>} : memref<128x128xf32, #tpu.memory_space<vmem>>, vector<1x16xf32>,
          %get3A_144 = vector.shape_cast %get3A_143 : vector<1x16xf32> to vector<16xf32>
          %mul3A_145 = arith.mulf %get3A_144, %get3A_71 : vector<16xf32>
          %swap3A_146 = arith.index_cast %scan3A_68 : i32 to index
          %swap3A_147 = arith.constant 112 : index
          %swap3A_148 = tpu.vector_load %arg10[%swap3A_146, %swap3A_147] {strides = array<i32>} : memref<128x128xf32, #tpu.memory_space<vmem>>, vector<1x16xf32>,
          %swap3A_149 = vector.shape_cast %swap3A_148 : vector<1x16xf32> to vector<16xf32>
          %swap3A_150 = vector.shape_cast %mul3A_145 : vector<16xf32> to vector<1x16xf32>
          tpu.vector_store %arg10[%swap3A_146, %swap3A_147], %swap3A_150 {strides = array<i32>} : memref<128x128xf32, #tpu.memory_space<vmem>>, vector<1x16xf32>,
        }
        %scan3A_67 = arith.constant 128 : i32
        "tpu.region"() ({
          %run_scoped3A = tpu.sem_alloc : memref<!tpu.dma_semaphore, #tpu.memory_space<semaphore_mem>>
          %dma_start3A_68 = arith.constant 0 : i32
          %dma_start3A_69 = arith.constant 0 : i32
          %dma_start3A_70 = tpu.memref_slice %arg11[%dma_start3A_68, %dma_start3A_69] : memref<10000x128xf32, #tpu.memory_space<vmem_shared>> -> memref<10000x128xf32, #tpu.memory_space<vmem_shared>>
          tpu.enqueue_indirect_dma source(%arg10 : memref<128x128xf32, #tpu.memory_space<vmem>>) target(%dma_start3A_70 : memref<10000x128xf32, #tpu.memory_space<vmem_shared>>) offsets(%arg8 : memref<128xi32, #tpu.memory_space<vmem>>) semaphore(%run_scoped3A : memref<!tpu.dma_semaphore, #tpu.memory_space<semaphore_mem>>) {add = true}
          %dma_wait3A_71 = arith.constant 0 : i32
          %dma_wait3A_72 = arith.constant 0 : i32
          %dma_wait3A_73 = tpu.memref_slice %arg11[%dma_wait3A_71, %dma_wait3A_72] : memref<10000x128xf32, #tpu.memory_space<vmem_shared>> -> memref<10000x128xf32, #tpu.memory_space<vmem_shared>>
          tpu.wait_indirect_dma semaphore(%run_scoped3A : memref<!tpu.dma_semaphore, #tpu.memory_space<semaphore_mem>>) src(%arg10 : memref<128x128xf32, #tpu.memory_space<vmem>>) dst(%dma_wait3A_73 : memref<10000x128xf32, #tpu.memory_space<vmem_shared>>)
          tpu.yield
        }) : () -> ()
      } else {
      }
    }
    %scan3A_34 = arith.constant 79 : i32
    %barrier3A_35 = arith.constant 0 : index
    tpu.barrier barrier_id(%barrier3A_35)
    %mul3A_36 = arith.constant 624 : i32
    %mul3A_37 = arith.muli %arg1, %mul3A_36 : i32
    %mul3A_38 = arith.constant 10000 : i32
    %mul3A_39 = arith.muli %arg0, %mul3A_38 : i32
    %mul3A_40 = arith.constant 624 : i32
    %mul3A_41 = arith.muli %arg1, %mul3A_40 : i32
    %add3A_42 = arith.addi %mul3A_39, %mul3A_41 : i32
    "tpu.region"() ({
      %run_scoped3A = tpu.sem_alloc : memref<!tpu.dma_semaphore, #tpu.memory_space<semaphore_mem>>
      %dma_start3A = arith.constant 0 : i32
      %dma_start3A_48 = tpu.memref_slice %arg6[%add3A_42, %dma_start3A] : memref<20000x128xf32, #tpu.memory_space<hbm>> -> memref<624x128xf32, #tpu.memory_space<hbm>>
      %dma_start3A_49 = arith.constant 0 : i32
      %dma_start3A_50 = tpu.memref_slice %arg11[%mul3A_37, %dma_start3A_49] : memref<10000x128xf32, #tpu.memory_space<vmem_shared>> -> memref<624x128xf32, #tpu.memory_space<vmem_shared>>
      tpu.enqueue_dma source(%dma_start3A_50 : memref<624x128xf32, #tpu.memory_space<vmem_shared>>) target(%dma_start3A_48 : memref<624x128xf32, #tpu.memory_space<hbm>>) target_semaphore(%run_scoped3A : memref<!tpu.dma_semaphore, #tpu.memory_space<semaphore_mem>>)
      %dma_wait3A = arith.constant 0 : i32
      %dma_wait3A_51 = tpu.memref_slice %arg6[%add3A_42, %dma_wait3A] : memref<20000x128xf32, #tpu.memory_space<hbm>> -> memref<624x128xf32, #tpu.memory_space<hbm>>
      %dma_wait3A_52 = arith.constant 0 : i32
      %dma_wait3A_53 = tpu.memref_slice %arg11[%mul3A_37, %dma_wait3A_52] : memref<10000x128xf32, #tpu.memory_space<vmem_shared>> -> memref<624x128xf32, #tpu.memory_space<vmem_shared>>
      tpu.wait_dma2 semaphore(%run_scoped3A : memref<!tpu.dma_semaphore, #tpu.memory_space<semaphore_mem>>) src(%dma_wait3A_53 : memref<624x128xf32, #tpu.memory_space<vmem_shared>>) dst(%dma_wait3A_51 : memref<624x128xf32, #tpu.memory_space<hbm>>)
      tpu.yield
    }) : () -> ()
    %eq3A_43 = arith.constant 0 : i32
    %eq3A_44 = arith.cmpi eq, %arg1, %eq3A_43 : i32
    %convert_element_type3A_45 = arith.extui %eq3A_44 : i1 to i32
    %cond3A_46 = arith.constant 0 : i32
    %cond3A_47 = arith.cmpi ne, %convert_element_type3A_45, %cond3A_46 : i32
    scf.if %cond3A_47 {
      %mul3A_48 = arith.constant 10000 : i32
      %mul3A_49 = arith.muli %arg0, %mul3A_48 : i32
      %add3A_50 = arith.constant 9984 : i32
      %add3A_51 = arith.addi %mul3A_49, %add3A_50 : i32
      "tpu.region"() ({
        %run_scoped3A = tpu.sem_alloc : memref<!tpu.dma_semaphore, #tpu.memory_space<semaphore_mem>>
        %dma_start3A = arith.constant 0 : i32
        %dma_start3A_52 = tpu.memref_slice %arg6[%add3A_51, %dma_start3A] : memref<20000x128xf32, #tpu.memory_space<hbm>> -> memref<16x128xf32, #tpu.memory_space<hbm>>
        %dma_start3A_53 = arith.constant 9984 : i32
        %dma_start3A_54 = arith.constant 0 : i32
        %dma_start3A_55 = tpu.memref_slice %arg11[%dma_start3A_53, %dma_start3A_54] : memref<10000x128xf32, #tpu.memory_space<vmem_shared>> -> memref<16x128xf32, #tpu.memory_space<vmem_shared>>
        tpu.enqueue_dma source(%dma_start3A_55 : memref<16x128xf32, #tpu.memory_space<vmem_shared>>) target(%dma_start3A_52 : memref<16x128xf32, #tpu.memory_space<hbm>>) target_semaphore(%run_scoped3A : memref<!tpu.dma_semaphore, #tpu.memory_space<semaphore_mem>>)
        %dma_wait3A = arith.constant 0 : i32
        %dma_wait3A_56 = tpu.memref_slice %arg6[%add3A_51, %dma_wait3A] : memref<20000x128xf32, #tpu.memory_space<hbm>> -> memref<16x128xf32, #tpu.memory_space<hbm>>
        %dma_wait3A_57 = arith.constant 9984 : i32
        %dma_wait3A_58 = arith.constant 0 : i32
        %dma_wait3A_59 = tpu.memref_slice %arg11[%dma_wait3A_57, %dma_wait3A_58] : memref<10000x128xf32, #tpu.memory_space<vmem_shared>> -> memref<16x128xf32, #tpu.memory_space<vmem_shared>>
        tpu.wait_dma2 semaphore(%run_scoped3A : memref<!tpu.dma_semaphore, #tpu.memory_space<semaphore_mem>>) src(%dma_wait3A_59 : memref<16x128xf32, #tpu.memory_space<vmem_shared>>) dst(%dma_wait3A_56 : memref<16x128xf32, #tpu.memory_space<hbm>>)
        tpu.yield
      }) : () -> ()
    } else {
    }
    return
  }
}

module attributes {stable_mosaic.version = 14 : i64} {
  func.func @_mid_kernel(%arg0: i32, %arg1: memref<1000x128xf32, #tpu.memory_space<vmem>>, %arg2: memref<1000x128xf32, #tpu.memory_space<vmem>>, %arg3: memref<1000x128xf32, #tpu.memory_space<vmem>>, %arg4: memref<128x128xf32, #tpu.memory_space<vmem>>, %arg5: memref<1x128xf32, #tpu.memory_space<vmem>>, %arg6: memref<1x128xf32, #tpu.memory_space<vmem>>, %arg7: memref<1x128xf32, #tpu.memory_space<vmem>>, %arg8: memref<1000x128xf32, #tpu.memory_space<vmem>>, %arg9: memref<1000x128xf32, #tpu.memory_space<vmem>>) attributes {dimension_semantics = [#tpu.dimension_semantics<arbitrary>], iteration_bounds = array<i64: 10>, scalar_prefetch = 0 : i64, scratch_operands = 0 : i64, tpu.core_type = #tpu.core_type<tc>, window_params = [{transform_indices = @transform_0, window_bounds = array<i64: 1000, 128>}, {transform_indices = @transform_1, window_bounds = array<i64: 1000, 128>}, {transform_indices = @transform_2, window_bounds = array<i64: 1000, 128>}, {pipeline_mode = #tpu.pipeline_mode<synchronous>, transform_indices = @transform_3, window_bounds = array<i64: 128, 128>}, {pipeline_mode = #tpu.pipeline_mode<synchronous>, transform_indices = @transform_4, window_bounds = array<i64: 1, 128>}, {pipeline_mode = #tpu.pipeline_mode<synchronous>, transform_indices = @transform_5, window_bounds = array<i64: 1, 128>}, {pipeline_mode = #tpu.pipeline_mode<synchronous>, transform_indices = @transform_6, window_bounds = array<i64: 1, 128>}, {transform_indices = @transform_7, window_bounds = array<i64: 1000, 128>}, {transform_indices = @transform_8, window_bounds = array<i64: 1000, 128>}]} {
    %get3A = arith.constant 0 : index
    %get3A_0 = arith.constant 0 : index
    %get3A_1 = vector.load %arg1[%get3A, %get3A_0] : memref<1000x128xf32, #tpu.memory_space<vmem>>, vector<1000x128xf32>
    %get3A_2 = arith.constant 0 : index
    %get3A_3 = arith.constant 0 : index
    %get3A_4 = vector.load %arg2[%get3A_2, %get3A_3] : memref<1000x128xf32, #tpu.memory_space<vmem>>, vector<1000x128xf32>
    %add3A = arith.addf %get3A_1, %get3A_4 : vector<1000x128xf32>
    %get3A_5 = arith.constant 0 : index
    %get3A_6 = arith.constant 0 : index
    %get3A_7 = vector.load %arg4[%get3A_5, %get3A_6] : memref<128x128xf32, #tpu.memory_space<vmem>>, vector<128x128xf32>
    %dot_general3A = arith.constant dense<0.000000e+00> : vector<1000x128xf32>
    %dot_general3A_8 = tpu.matmul %add3A, %get3A_7, %dot_general3A {dimension_numbers = #tpu.dot_dimension_numbers<[1], [0], [0], [1], [0, 0, 1, 1], [], []>, transpose_lhs_hint = false} : vector<1000x128xf32>, vector<128x128xf32>, vector<1000x128xf32> -> vector<1000x128xf32>
    %get3A_9 = arith.constant 0 : index
    %get3A_10 = arith.constant 0 : index
    %get3A_11 = vector.load %arg5[%get3A_9, %get3A_10] : memref<1x128xf32, #tpu.memory_space<vmem>>, vector<1x128xf32>
    %add3A_12 = vector.broadcast %get3A_11 : vector<1x128xf32> to vector<1000x128xf32>
    %add3A_13 = arith.addf %dot_general3A_8, %add3A_12 : vector<1000x128xf32>
    %get3A_14 = arith.constant 0 : index
    %get3A_15 = arith.constant 0 : index
    %get3A_16 = vector.load %arg3[%get3A_14, %get3A_15] : memref<1000x128xf32, #tpu.memory_space<vmem>>, vector<1000x128xf32>
    %max3A = arith.constant 0.000000e+00 : f32
    %max3A_17 = vector.broadcast %max3A : f32 to vector<1000x128xf32>
    %max3A_18 = arith.maximumf %add3A_13, %max3A_17 : vector<1000x128xf32>
    %add3A_19 = arith.addf %get3A_16, %max3A_18 : vector<1000x128xf32>
    %swap3A = arith.constant 0 : index
    %swap3A_20 = arith.constant 0 : index
    %swap3A_21 = vector.load %arg8[%swap3A, %swap3A_20] : memref<1000x128xf32, #tpu.memory_space<vmem>>, vector<1000x128xf32>
    tpu.vector_store %arg8[%swap3A, %swap3A_20], %add3A_19 {strides = array<i32>} : memref<1000x128xf32, #tpu.memory_space<vmem>>, vector<1000x128xf32>,
    %get3A_22 = arith.constant 0 : index
    %get3A_23 = arith.constant 0 : index
    %get3A_24 = vector.load %arg6[%get3A_22, %get3A_23] : memref<1x128xf32, #tpu.memory_space<vmem>>, vector<1x128xf32>
    %get3A_25 = arith.constant 0 : index
    %get3A_26 = arith.constant 0 : index
    %get3A_27 = vector.load %arg7[%get3A_25, %get3A_26] : memref<1x128xf32, #tpu.memory_space<vmem>>, vector<1x128xf32>
    %reduce_sum3A = arith.constant dense<0.000000e+00> : vector<1000xf32>
    %reduce_sum3A_28 = vector.multi_reduction <add>, %add3A_19, %reduce_sum3A [1] : vector<1000x128xf32> to vector<1000xf32>
    %broadcast_in_dim3A = vector.shape_cast %reduce_sum3A_28 : vector<1000xf32> to vector<1000x1xf32>
    %div3A = arith.constant 1.280000e+02 : f32
    %div3A_29 = vector.broadcast %div3A : f32 to vector<1000x1xf32>
    %div3A_30 = arith.divf %broadcast_in_dim3A, %div3A_29 : vector<1000x1xf32>
    %sub3A = vector.broadcast %div3A_30 : vector<1000x1xf32> to vector<1000x128xf32>
    %sub3A_31 = arith.subf %add3A_19, %sub3A : vector<1000x128xf32>
    %integer_pow3A = arith.mulf %sub3A_31, %sub3A_31 : vector<1000x128xf32>
    %reduce_sum3A_32 = arith.constant dense<0.000000e+00> : vector<1000xf32>
    %reduce_sum3A_33 = vector.multi_reduction <add>, %integer_pow3A, %reduce_sum3A_32 [1] : vector<1000x128xf32> to vector<1000xf32>
    %broadcast_in_dim3A_34 = vector.shape_cast %reduce_sum3A_33 : vector<1000xf32> to vector<1000x1xf32>
    %div3A_35 = arith.constant 1.280000e+02 : f32
    %div3A_36 = vector.broadcast %div3A_35 : f32 to vector<1000x1xf32>
    %div3A_37 = arith.divf %broadcast_in_dim3A_34, %div3A_36 : vector<1000x1xf32>
    %sub3A_38 = vector.broadcast %div3A_30 : vector<1000x1xf32> to vector<1000x128xf32>
    %sub3A_39 = arith.subf %add3A_19, %sub3A_38 : vector<1000x128xf32>
    %add3A_40 = arith.constant 9.99999974E-6 : f32
    %add3A_41 = vector.broadcast %add3A_40 : f32 to vector<1000x1xf32>
    %add3A_42 = arith.addf %div3A_37, %add3A_41 : vector<1000x1xf32>
    %sqrt3A = math.sqrt %add3A_42 : vector<1000x1xf32>
    %div3A_43 = vector.broadcast %sqrt3A : vector<1000x1xf32> to vector<1000x128xf32>
    %div3A_44 = arith.divf %sub3A_39, %div3A_43 : vector<1000x128xf32>
    %mul3A = vector.broadcast %get3A_24 : vector<1x128xf32> to vector<1000x128xf32>
    %mul3A_45 = arith.mulf %div3A_44, %mul3A : vector<1000x128xf32>
    %add3A_46 = vector.broadcast %get3A_27 : vector<1x128xf32> to vector<1000x128xf32>
    %add3A_47 = arith.addf %mul3A_45, %add3A_46 : vector<1000x128xf32>
    %swap3A_48 = arith.constant 0 : index
    %swap3A_49 = arith.constant 0 : index
    %swap3A_50 = vector.load %arg9[%swap3A_48, %swap3A_49] : memref<1000x128xf32, #tpu.memory_space<vmem>>, vector<1000x128xf32>
    tpu.vector_store %arg9[%swap3A_48, %swap3A_49], %add3A_47 {strides = array<i32>} : memref<1000x128xf32, #tpu.memory_space<vmem>>, vector<1000x128xf32>,
    return
  }
  func.func @transform_0(%arg0: i32) -> (i32, i32) {
    %c0_i32 = arith.constant 0 : i32
    %c0_i32_0 = arith.constant 0 : i32
    return %arg0, %c0_i32 : i32, i32
  }
  func.func @transform_1(%arg0: i32) -> (i32, i32) {
    %add3A = arith.constant 10 : i32
    %add3A_0 = arith.addi %arg0, %add3A : i32
    %c0_i32 = arith.constant 0 : i32
    %c0_i32_1 = arith.constant 0 : i32
    return %add3A_0, %c0_i32 : i32, i32
  }
  func.func @transform_2(%arg0: i32) -> (i32, i32) {
    %c0_i32 = arith.constant 0 : i32
    %c0_i32_0 = arith.constant 0 : i32
    return %arg0, %c0_i32 : i32, i32
  }
  func.func @transform_3(%arg0: i32) -> (i32, i32) {
    %c0_i32 = arith.constant 0 : i32
    %c0_i32_0 = arith.constant 0 : i32
    %c0_i32_1 = arith.constant 0 : i32
    return %c0_i32, %c0_i32_0 : i32, i32
  }
  func.func @transform_4(%arg0: i32) -> (i32, i32) {
    %c0_i32 = arith.constant 0 : i32
    %c0_i32_0 = arith.constant 0 : i32
    %c0_i32_1 = arith.constant 0 : i32
    return %c0_i32, %c0_i32_0 : i32, i32
  }
  func.func @transform_5(%arg0: i32) -> (i32, i32) {
    %c0_i32 = arith.constant 0 : i32
    %c0_i32_0 = arith.constant 0 : i32
    %c0_i32_1 = arith.constant 0 : i32
    return %c0_i32, %c0_i32_0 : i32, i32
  }
  func.func @transform_6(%arg0: i32) -> (i32, i32) {
    %c0_i32 = arith.constant 0 : i32
    %c0_i32_0 = arith.constant 0 : i32
    %c0_i32_1 = arith.constant 0 : i32
    return %c0_i32, %c0_i32_0 : i32, i32
  }
  func.func @transform_7(%arg0: i32) -> (i32, i32) {
    %c0_i32 = arith.constant 0 : i32
    %c0_i32_0 = arith.constant 0 : i32
    return %arg0, %c0_i32 : i32, i32
  }
  func.func @transform_8(%arg0: i32) -> (i32, i32) {
    %c0_i32 = arith.constant 0 : i32
    %c0_i32_0 = arith.constant 0 : i32
    return %arg0, %c0_i32 : i32, i32
  }
}

module attributes {stable_mosaic.version = 14 : i64} {
  func.func @_ln_kernel(%arg0: i32, %arg1: memref<1000x128xf32, #tpu.memory_space<vmem>>, %arg2: memref<1x128xf32, #tpu.memory_space<vmem>>, %arg3: memref<1x128xf32, #tpu.memory_space<vmem>>, %arg4: memref<1000x128xf32, #tpu.memory_space<vmem>>) attributes {dimension_semantics = [#tpu.dimension_semantics<arbitrary>], iteration_bounds = array<i64: 10>, scalar_prefetch = 0 : i64, scratch_operands = 0 : i64, tpu.core_type = #tpu.core_type<tc>, window_params = [{transform_indices = @transform_0, window_bounds = array<i64: 1000, 128>}, {pipeline_mode = #tpu.pipeline_mode<synchronous>, transform_indices = @transform_1, window_bounds = array<i64: 1, 128>}, {pipeline_mode = #tpu.pipeline_mode<synchronous>, transform_indices = @transform_2, window_bounds = array<i64: 1, 128>}, {transform_indices = @transform_3, window_bounds = array<i64: 1000, 128>}]} {
    %get3A = arith.constant 0 : index
    %get3A_0 = arith.constant 0 : index
    %get3A_1 = vector.load %arg1[%get3A, %get3A_0] : memref<1000x128xf32, #tpu.memory_space<vmem>>, vector<1000x128xf32>
    %get3A_2 = arith.constant 0 : index
    %get3A_3 = arith.constant 0 : index
    %get3A_4 = vector.load %arg2[%get3A_2, %get3A_3] : memref<1x128xf32, #tpu.memory_space<vmem>>, vector<1x128xf32>
    %get3A_5 = arith.constant 0 : index
    %get3A_6 = arith.constant 0 : index
    %get3A_7 = vector.load %arg3[%get3A_5, %get3A_6] : memref<1x128xf32, #tpu.memory_space<vmem>>, vector<1x128xf32>
    %reduce_sum3A = arith.constant dense<0.000000e+00> : vector<1000xf32>
    %reduce_sum3A_8 = vector.multi_reduction <add>, %get3A_1, %reduce_sum3A [1] : vector<1000x128xf32> to vector<1000xf32>
    %broadcast_in_dim3A = vector.shape_cast %reduce_sum3A_8 : vector<1000xf32> to vector<1000x1xf32>
    %div3A = arith.constant 1.280000e+02 : f32
    %div3A_9 = vector.broadcast %div3A : f32 to vector<1000x1xf32>
    %div3A_10 = arith.divf %broadcast_in_dim3A, %div3A_9 : vector<1000x1xf32>
    %sub3A = vector.broadcast %div3A_10 : vector<1000x1xf32> to vector<1000x128xf32>
    %sub3A_11 = arith.subf %get3A_1, %sub3A : vector<1000x128xf32>
    %integer_pow3A = arith.mulf %sub3A_11, %sub3A_11 : vector<1000x128xf32>
    %reduce_sum3A_12 = arith.constant dense<0.000000e+00> : vector<1000xf32>
    %reduce_sum3A_13 = vector.multi_reduction <add>, %integer_pow3A, %reduce_sum3A_12 [1] : vector<1000x128xf32> to vector<1000xf32>
    %broadcast_in_dim3A_14 = vector.shape_cast %reduce_sum3A_13 : vector<1000xf32> to vector<1000x1xf32>
    %div3A_15 = arith.constant 1.280000e+02 : f32
    %div3A_16 = vector.broadcast %div3A_15 : f32 to vector<1000x1xf32>
    %div3A_17 = arith.divf %broadcast_in_dim3A_14, %div3A_16 : vector<1000x1xf32>
    %sub3A_18 = vector.broadcast %div3A_10 : vector<1000x1xf32> to vector<1000x128xf32>
    %sub3A_19 = arith.subf %get3A_1, %sub3A_18 : vector<1000x128xf32>
    %add3A = arith.constant 9.99999974E-6 : f32
    %add3A_20 = vector.broadcast %add3A : f32 to vector<1000x1xf32>
    %add3A_21 = arith.addf %div3A_17, %add3A_20 : vector<1000x1xf32>
    %sqrt3A = math.sqrt %add3A_21 : vector<1000x1xf32>
    %div3A_22 = vector.broadcast %sqrt3A : vector<1000x1xf32> to vector<1000x128xf32>
    %div3A_23 = arith.divf %sub3A_19, %div3A_22 : vector<1000x128xf32>
    %mul3A = vector.broadcast %get3A_4 : vector<1x128xf32> to vector<1000x128xf32>
    %mul3A_24 = arith.mulf %div3A_23, %mul3A : vector<1000x128xf32>
    %add3A_25 = vector.broadcast %get3A_7 : vector<1x128xf32> to vector<1000x128xf32>
    %add3A_26 = arith.addf %mul3A_24, %add3A_25 : vector<1000x128xf32>
    %swap3A = arith.constant 0 : index
    %swap3A_27 = arith.constant 0 : index
    %swap3A_28 = vector.load %arg4[%swap3A, %swap3A_27] : memref<1000x128xf32, #tpu.memory_space<vmem>>, vector<1000x128xf32>
    tpu.vector_store %arg4[%swap3A, %swap3A_27], %add3A_26 {strides = array<i32>} : memref<1000x128xf32, #tpu.memory_space<vmem>>, vector<1000x128xf32>,
    return
  }
  func.func @transform_0(%arg0: i32) -> (i32, i32) {
    %c0_i32 = arith.constant 0 : i32
    %c0_i32_0 = arith.constant 0 : i32
    return %arg0, %c0_i32 : i32, i32
  }
  func.func @transform_1(%arg0: i32) -> (i32, i32) {
    %c0_i32 = arith.constant 0 : i32
    %c0_i32_0 = arith.constant 0 : i32
    %c0_i32_1 = arith.constant 0 : i32
    return %c0_i32, %c0_i32_0 : i32, i32
  }
  func.func @transform_2(%arg0: i32) -> (i32, i32) {
    %c0_i32 = arith.constant 0 : i32
    %c0_i32_0 = arith.constant 0 : i32
    %c0_i32_1 = arith.constant 0 : i32
    return %c0_i32, %c0_i32_0 : i32, i32
  }
  func.func @transform_3(%arg0: i32) -> (i32, i32) {
    %c0_i32 = arith.constant 0 : i32
    %c0_i32_0 = arith.constant 0 : i32
    return %arg0, %c0_i32 : i32, i32
  }
}

module attributes {stable_mosaic.version = 14 : i64} {
  func.func @_final_kernel(%arg0: i32, %arg1: memref<1000x128xf32, #tpu.memory_space<vmem>>, %arg2: memref<1000x128xf32, #tpu.memory_space<vmem>>, %arg3: memref<1000x128xf32, #tpu.memory_space<vmem>>, %arg4: memref<128x128xf32, #tpu.memory_space<vmem>>, %arg5: memref<1x128xf32, #tpu.memory_space<vmem>>, %arg6: memref<128x128xf32, #tpu.memory_space<vmem>>, %arg7: memref<1x128xf32, #tpu.memory_space<vmem>>, %arg8: memref<1000x128xf32, #tpu.memory_space<vmem>>) attributes {dimension_semantics = [#tpu.dimension_semantics<arbitrary>], iteration_bounds = array<i64: 10>, scalar_prefetch = 0 : i64, scratch_operands = 0 : i64, tpu.core_type = #tpu.core_type<tc>, window_params = [{transform_indices = @transform_0, window_bounds = array<i64: 1000, 128>}, {transform_indices = @transform_1, window_bounds = array<i64: 1000, 128>}, {transform_indices = @transform_2, window_bounds = array<i64: 1000, 128>}, {pipeline_mode = #tpu.pipeline_mode<synchronous>, transform_indices = @transform_3, window_bounds = array<i64: 128, 128>}, {pipeline_mode = #tpu.pipeline_mode<synchronous>, transform_indices = @transform_4, window_bounds = array<i64: 1, 128>}, {pipeline_mode = #tpu.pipeline_mode<synchronous>, transform_indices = @transform_5, window_bounds = array<i64: 128, 128>}, {pipeline_mode = #tpu.pipeline_mode<synchronous>, transform_indices = @transform_6, window_bounds = array<i64: 1, 128>}, {transform_indices = @transform_7, window_bounds = array<i64: 1000, 128>}]} {
    %get3A = arith.constant 0 : index
    %get3A_0 = arith.constant 0 : index
    %get3A_1 = vector.load %arg1[%get3A, %get3A_0] : memref<1000x128xf32, #tpu.memory_space<vmem>>, vector<1000x128xf32>
    %get3A_2 = arith.constant 0 : index
    %get3A_3 = arith.constant 0 : index
    %get3A_4 = vector.load %arg2[%get3A_2, %get3A_3] : memref<1000x128xf32, #tpu.memory_space<vmem>>, vector<1000x128xf32>
    %add3A = arith.addf %get3A_1, %get3A_4 : vector<1000x128xf32>
    %get3A_5 = arith.constant 0 : index
    %get3A_6 = arith.constant 0 : index
    %get3A_7 = vector.load %arg4[%get3A_5, %get3A_6] : memref<128x128xf32, #tpu.memory_space<vmem>>, vector<128x128xf32>
    %dot_general3A = arith.constant dense<0.000000e+00> : vector<1000x128xf32>
    %dot_general3A_8 = tpu.matmul %add3A, %get3A_7, %dot_general3A {dimension_numbers = #tpu.dot_dimension_numbers<[1], [0], [0], [1], [0, 0, 1, 1], [], []>, transpose_lhs_hint = false} : vector<1000x128xf32>, vector<128x128xf32>, vector<1000x128xf32> -> vector<1000x128xf32>
    %get3A_9 = arith.constant 0 : index
    %get3A_10 = arith.constant 0 : index
    %get3A_11 = vector.load %arg5[%get3A_9, %get3A_10] : memref<1x128xf32, #tpu.memory_space<vmem>>, vector<1x128xf32>
    %add3A_12 = vector.broadcast %get3A_11 : vector<1x128xf32> to vector<1000x128xf32>
    %add3A_13 = arith.addf %dot_general3A_8, %add3A_12 : vector<1000x128xf32>
    %get3A_14 = arith.constant 0 : index
    %get3A_15 = arith.constant 0 : index
    %get3A_16 = vector.load %arg3[%get3A_14, %get3A_15] : memref<1000x128xf32, #tpu.memory_space<vmem>>, vector<1000x128xf32>
    %max3A = arith.constant 0.000000e+00 : f32
    %max3A_17 = vector.broadcast %max3A : f32 to vector<1000x128xf32>
    %max3A_18 = arith.maximumf %add3A_13, %max3A_17 : vector<1000x128xf32>
    %add3A_19 = arith.addf %get3A_16, %max3A_18 : vector<1000x128xf32>
    %get3A_20 = arith.constant 0 : index
    %get3A_21 = arith.constant 0 : index
    %get3A_22 = vector.load %arg6[%get3A_20, %get3A_21] : memref<128x128xf32, #tpu.memory_space<vmem>>, vector<128x128xf32>
    %dot_general3A_23 = arith.constant dense<0.000000e+00> : vector<1000x128xf32>
    %dot_general3A_24 = tpu.matmul %add3A_19, %get3A_22, %dot_general3A_23 {dimension_numbers = #tpu.dot_dimension_numbers<[1], [0], [0], [1], [0, 0, 1, 1], [], []>, transpose_lhs_hint = false} : vector<1000x128xf32>, vector<128x128xf32>, vector<1000x128xf32> -> vector<1000x128xf32>
    %get3A_25 = arith.constant 0 : index
    %get3A_26 = arith.constant 0 : index
    %get3A_27 = vector.load %arg7[%get3A_25, %get3A_26] : memref<1x128xf32, #tpu.memory_space<vmem>>, vector<1x128xf32>
    %add3A_28 = vector.broadcast %get3A_27 : vector<1x128xf32> to vector<1000x128xf32>
    %add3A_29 = arith.addf %dot_general3A_24, %add3A_28 : vector<1000x128xf32>
    %swap3A = arith.constant 0 : index
    %swap3A_30 = arith.constant 0 : index
    %swap3A_31 = vector.load %arg8[%swap3A, %swap3A_30] : memref<1000x128xf32, #tpu.memory_space<vmem>>, vector<1000x128xf32>
    tpu.vector_store %arg8[%swap3A, %swap3A_30], %add3A_29 {strides = array<i32>} : memref<1000x128xf32, #tpu.memory_space<vmem>>, vector<1000x128xf32>,
    return
  }
  func.func @transform_0(%arg0: i32) -> (i32, i32) {
    %c0_i32 = arith.constant 0 : i32
    %c0_i32_0 = arith.constant 0 : i32
    return %arg0, %c0_i32 : i32, i32
  }
  func.func @transform_1(%arg0: i32) -> (i32, i32) {
    %add3A = arith.constant 10 : i32
    %add3A_0 = arith.addi %arg0, %add3A : i32
    %c0_i32 = arith.constant 0 : i32
    %c0_i32_1 = arith.constant 0 : i32
    return %add3A_0, %c0_i32 : i32, i32
  }
  func.func @transform_2(%arg0: i32) -> (i32, i32) {
    %c0_i32 = arith.constant 0 : i32
    %c0_i32_0 = arith.constant 0 : i32
    return %arg0, %c0_i32 : i32, i32
  }
  func.func @transform_3(%arg0: i32) -> (i32, i32) {
    %c0_i32 = arith.constant 0 : i32
    %c0_i32_0 = arith.constant 0 : i32
    %c0_i32_1 = arith.constant 0 : i32
    return %c0_i32, %c0_i32_0 : i32, i32
  }
  func.func @transform_4(%arg0: i32) -> (i32, i32) {
    %c0_i32 = arith.constant 0 : i32
    %c0_i32_0 = arith.constant 0 : i32
    %c0_i32_1 = arith.constant 0 : i32
    return %c0_i32, %c0_i32_0 : i32, i32
  }
  func.func @transform_5(%arg0: i32) -> (i32, i32) {
    %c0_i32 = arith.constant 0 : i32
    %c0_i32_0 = arith.constant 0 : i32
    %c0_i32_1 = arith.constant 0 : i32
    return %c0_i32, %c0_i32_0 : i32, i32
  }
  func.func @transform_6(%arg0: i32) -> (i32, i32) {
    %c0_i32 = arith.constant 0 : i32
    %c0_i32_0 = arith.constant 0 : i32
    %c0_i32_1 = arith.constant 0 : i32
    return %c0_i32, %c0_i32_0 : i32, i32
  }
  func.func @transform_7(%arg0: i32) -> (i32, i32) {
    %c0_i32 = arith.constant 0 : i32
    %c0_i32_0 = arith.constant 0 : i32
    return %arg0, %c0_i32 : i32, i32
  }
}

</mosaic_0001>

<sc_bundles>
// kernel: kernel.11.cloned.1.call-start
scs
__scs_entry_jumppad:
0x0: {  	(pc) =	sbr.rel $0x88, $3  }
0x1: {  	(tag) =	ssettag $0x0;
	lr =	simm.s32 $0x1  }
0x2: {  	[smem:$0x3F8C] =	sst lr;
	_ =	strace $0xD0000000  }
0x3: {  	_ = 	snop  }
0x4: {  	_ = 	snop  }
0x5: {  	_ = 	snop  }
0x6: {  	_ = 	snop  }
0x7: {  	_ = 	snop  }
__scs_overlays_trampoline_lowered:
0x8: {  	[smem:$0x3F9B] =	sst s0  }
0x9: {  	[smem:$0x3F9C] =	sst s1  }
0xa: {  	[smem:$0x3F9D] =	sst s2  }
0xb: {  	[smem:$0x3F9E] =	sst s3  }
0xc: {  	[smem:$0x3F9F] =	sst s4  }
0xd: {  	[smem:$0x3FA0] =	sst s5  }
0xe: {  	[smem:$0x3FA1] =	sst s6  }
0xf: {  	[smem:$0x3FA2] =	sst s7  }
0x10: {  	[smem:$0x3FA3] =	sst s8  }
0x11: {  	[smem:$0x3FA4] =	sst s9;
	s0 =	simm.s32 @!p0 $0x0  }
0x12: {  	s1 =	sld [smem:$0x3F8A];
	s0 =	simm.s32 @p0 $0x1  }
0x13: {  	[smem:$0x3FA5] =	sst s0;
	s0 =	simm.s32 @!p1 $0x0  }
0x14: {  	s2 =	sld [smem:$0x3F89];
	s0 =	simm.s32 @p1 $0x1  }
0x15: {  	[smem:$0x3FA6] =	sst s0;
	s0 =	simm.s32 @!p2 $0x0  }
0x16: {  	s3 =	sld [smem:$0x3FDB];
	s0 =	simm.s32 @p2 $0x1  }
0x17: {  	s4 =	simm.s32 $0x1BF5;
	[smem:$0x3FA8] =	sst s0  }
0x18: {  	s0 =	sld [smem:$0x3F8B];
	_ =	swait.ge [sflag:s4], $0x0  }
0x19: {  	s7 =	sld [smem:$0x3F8C]  }
0x1a: {  	s8 =	sadd.s32 $0xFFFFE003, lr  }
0x1b: {  	s9 =	sadd.s32 $0xFFFFFEF7, lr;
	s5 =	simm.s32 $0xFFFFFFFF;
	p2 =	slt.u32 s8, $0xFFFFF086  }
0x1c: {  	p1 =	slt.u32 s9, $0xF7A;
	s5 =	simm.s32 @!p2 $0x0  }
0x1d: {  	s5 =	simm.s32 @p1 $0x1;
	p0 =	seq.s32 s7, s2  }
0x1e: {  	s7 =	smul.u32 @!p0 $0xF7A, s2;
	p2 =	seq.s32 @!p0 s5, $0x0  }
0x1f: {  	s9 =	smul.u32 $0xF7A, s1;
	s8 =	simm.s32 @!p0 $0x1BF5;
	p2 =	por !p2, p0  }
0x20: {  	[sflag:s8] =	ssyncset.s32 @!p0 $0xFFFFF086;
	s6 =	sadd.s32 @!p0 s3, s7;
	s7 =	simm.s32 @!p0 $0x108  }
0x21: {  	s3 =	sadd.s32 s3, s9;
	s6 =	sadd.s32 @!p0 $0x88, s6;
	s7 =	simm.s32 @p2 $0x1082  }
0x22: {  	[simem:s7], [sflag:s8] =	dma.local @!p0 [hbm:s6], $0xF7A  }
0x23: {  	s9 =	sor.u32 $0xD0000000, s2;
	s6 =	simm.s32 $0x108;
	_ =	swait.ge @!p0 [sflag:s8], $0x0  }
0x24: {  	s3 =	sadd.s32 $0x88, s3;
	s6 =	simm.s32 @!p1 $0x1082;
	[sflag:s4] =	ssyncset.s32 $0xFFFFF086  }
0x25: {  	[simem:s6], [sflag:s4] =	dma.local [hbm:s3], $0xF7A  }
0x26: {  	[smem:$0x3F8C] =	sst s1;
	(tag) =	ssettag s2;
	_ =	strace s9  }
0x27: {  	s1 =	sld [smem:$0x3F9C]  }
0x28: {  	s2 =	sld [smem:$0x3F9D]  }
0x29: {  	s4 =	sld [smem:$0x3F9F]  }
0x2a: {  	p0 =	seq.s32 s5, $0x0;
	s5 =	sld [smem:$0x3FA0]  }
0x2b: {  	s6 =	sld [smem:$0x3FA1]  }
0x2c: {  	s7 =	sld [smem:$0x3FA2]  }
0x2d: {  	s3 =	simm.s32 $0x108;
	s8 =	sld [smem:$0x3FA3]  }
0x2e: {  	s3 =	simm.s32 @!p0 $0x1082;
	s9 =	sld [smem:$0x3FA4]  }
0x2f: {  	lr =	sadd.s32 s0, s3;
	s0 =	sld [smem:$0x3F9B]  }
0x30: {  	s3 =	sld [smem:$0x3F9E]  }
0x31: {  	[smem:$0x3FA7] =	sst s10  }
0x32: {  	s10 =	sld [smem:$0x3FA5];
	_ =	sdelay $0x3  }
0x33: {  	p0 =	seq.s32 s10, $0x1;
	s10 =	sld [smem:$0x3FA7];
	_ =	sdelay $0x3  }
0x34: {  	[smem:$0x3FA7] =	sst s10  }
0x35: {  	s10 =	sld [smem:$0x3FA6];
	_ =	sdelay $0x3  }
0x36: {  	p1 =	seq.s32 s10, $0x1;
	s10 =	sld [smem:$0x3FA7];
	_ =	sdelay $0x3  }
0x37: {  	[smem:$0x3FA7] =	sst s10  }
0x38: {  	s10 =	sld [smem:$0x3FA8]  }
0x39: {  	_ = 	snop;
	(pc) =	sbr.ind lr, $3  }
0x3a: {  	_ = 	snop  }
0x3b: {  	_ = 	snop  }
0x3c: {  	p2 =	seq.s32 s10, $0x1;
	s10 =	sld [smem:$0x3FA7]  }
0x3d: {  	_ =	shalt  }
0x3e: {  	_ =	shalt  }
0x3f: {  	_ =	shalt  }
0x40: {  	_ =	shalt  }
0x41: {  	_ =	shalt  }
0x42: {  	_ =	shalt  }
0x43: {  	_ =	shalt  }
0x44: {  	_ =	shalt  }
0x45: {  	_ =	shalt  }
0x46: {  	_ =	shalt  }
0x47: {  	_ =	shalt  }
0x48: {  	_ =	shalt  }
0x49: {  	_ =	shalt  }
0x4a: {  	_ =	shalt  }
0x4b: {  	_ =	shalt  }
0x4c: {  	_ =	shalt  }
0x4d: {  	_ =	shalt  }
0x4e: {  	_ =	shalt  }
0x4f: {  	_ =	shalt  }
0x50: {  	_ =	shalt  }
0x51: {  	_ =	shalt  }
0x52: {  	_ =	shalt  }
0x53: {  	_ =	shalt  }
0x54: {  	_ =	shalt  }
0x55: {  	_ =	shalt  }
0x56: {  	_ =	shalt  }
0x57: {  	_ =	shalt  }
0x58: {  	_ =	shalt  }
0x59: {  	_ =	shalt  }
0x5a: {  	_ =	shalt  }
0x5b: {  	_ =	shalt  }
0x5c: {  	_ =	shalt  }
0x5d: {  	_ =	shalt  }
0x5e: {  	_ =	shalt  }
0x5f: {  	_ =	shalt  }
0x60: {  	_ =	shalt  }
0x61: {  	_ =	shalt  }
0x62: {  	_ =	shalt  }
0x63: {  	_ =	shalt  }
0x64: {  	_ =	shalt  }
0x65: {  	_ =	shalt  }
0x66: {  	_ =	shalt  }
0x67: {  	_ =	shalt  }
0x68: {  	_ =	shalt  }
0x69: {  	_ =	shalt  }
0x6a: {  	_ =	shalt  }
0x6b: {  	_ =	shalt  }
0x6c: {  	_ =	shalt  }
0x6d: {  	_ =	shalt  }
0x6e: {  	_ =	shalt  }
0x6f: {  	_ =	shalt  }
0x70: {  	_ =	shalt  }
0x71: {  	_ =	shalt  }
0x72: {  	_ =	shalt  }
0x73: {  	_ =	shalt  }
0x74: {  	_ =	shalt  }
0x75: {  	_ =	shalt  }
0x76: {  	_ =	shalt  }
0x77: {  	_ =	shalt  }
0x78: {  	_ =	shalt  }
0x79: {  	_ =	shalt  }
0x7a: {  	_ =	shalt  }
0x7b: {  	_ =	shalt  }
0x7c: {  	_ =	shalt  }
0x7d: {  	_ =	shalt  }
0x7e: {  	_ =	shalt  }
0x7f: {  	_ =	shalt  }
0x80: {  	_ =	shalt  }
0x81: {  	_ =	shalt  }
0x82: {  	_ =	shalt  }
0x83: {  	_ =	shalt  }
0x84: {  	_ =	shalt  }
0x85: {  	_ =	shalt  }
0x86: {  	_ =	shalt  }
0x87: {  	_ =	shalt  }
.Lfunc_end0:
.L_simem_size_0:
called_computation_lowered:
.L_overlay_start_0:
0x88: {  	s2 =	sld [smem:$0x3FD9]  }
0x89: {  	s3 =	sld [smem:$0x3FFE];
	_ =	sdelay $0x1  }
0x8a: {  	s1 =	srdreg.scid  }
0x8b: {  	s0 =	sand.u32 $0x1, s1  }
0x8c: {  	s17 =	sshll.u32 s0, $0xA;
	s2 =	sadd.s32 s3, s2  }
0x8d: {  	s2 =	sadd.s32 s2, s17  }
0x8e: {  	[smem:$0x3FB3] =	sst s2  }
0x8f: {  	_ = 	snop  }
0x90: {  	s2 =	sld [smem:$0x3FD0];
	(tm) =	ssettm $0x1  }
0x91: {  	s18 =	sld [smem:$0x3FFB];
	_ =	sdelay $0x3  }
0x92: {  	_ =	strace s18  }
0x93: {  	s3 =	sld [smem:$0x3FFC];
	_ =	sdelay $0x3  }
0x94: {  	_ =	strace s3  }
0x95: {  	s3 =	sld [smem:$0x3FFD];
	_ =	sdelay $0x3  }
0x96: {  	_ =	strace s3  }
0x97: {  	_ =	strace $0x8FFFFFFF  }
0x98: {  	s19 =	sld [smem:$0x3FDB];
	_ =	sdelay $0x1  }
0x99: {  	s4 =	simm.s32 $_scs_section_size  }
0x9a: {  	s5 =	simm.s32 $_size__tile_overlayer_lowered;
	s6 =	simm.s32 $_tile_overlayer_lowered  }
0x9b: {  	s22 =	simm.s32 $0x1BFF;
	s21 =	sshll.u32 s6, $0x1;
	s3 =	sadd.s32 s4, s19  }
0x9c: {  	s7 =	simm.s32 $0x0;
	s20 =	sshll.u32 s5, $0x1;
	s5 =	sadd.s32 s21, s3  }
0x9d: {  	[timem:s7], [sflag:s22] =	dma.local [hbm:s5], s20  }
0x9e: {  	_ =	swait.ge [sflag:s22], s20  }
0x9f: {  	s4 =	ssub.s32 $0x0, s20;
	[sflag:s22] =	ssyncset.done $0x0  }
0xa0: {  	[sflag:s22] =	ssyncadd.s32 s4;
	_ =	sdelay $0x1  }
0xa1: {  	s23 =	simm.s32 $0x1B8B  }
0xa2: {  	_ =	swait.ge [sflag:s23], $0x1  }
0xa3: {  	[sflag:s23] =	ssyncset.done $0x0  }
0xa4: {  	s25 =	simm.s32 $0x1B8E;
	s24 =	sld [smem:$0x3FFE];
	[sflag:s23] =	ssyncadd.s32 $0xFFFFFFFF  }
0xa5: {  	s26 =	simm.s32 $execute0_lowered;
	[smem:$0x3FD2] =	sst s25  }
0xa6: {  	s5 =	sshll.u32 s26, $0x1;
	_ =	strace $0x80000046;
	[dreg:$0x1] =	wrdreg $0xFFFFFFFF  }
0xa7: {  	s28 =	simm.s32 $_size_execute0_lowered;
	s3 =	sadd.s32 s3, s5;
	[dreg:$0x0] =	wrdreg $0x0  }
0xa8: {  	s5 =	sshll.u32 s28, $0x1;
	[dreg:$0x2] =	wrdreg s3  }
0xa9: {  	[dreg:$0x3] =	wrdreg s5  }
0xaa: {  	[dreg:$0x4] =	wrdreg $0xC0  }
0xab: {  	_ =	task [dreg:s7], $0x5FFFF  }
0xac: {  	[dreg:$0x1] =	wrdreg $0xFFFFFFFF  }
0xad: {  	[dreg:$0x0] =	wrdreg $0x60  }
0xae: {  	[dreg:$0x2] =	wrdreg s2  }
0xaf: {  	[dreg:$0x3] =	wrdreg s24  }
0xb0: {  	[dreg:$0x4] =	wrdreg $0x81000  }
0xb1: {  	[dreg:$0x5] =	wrdreg $0x9  }
0xb2: {  	_ =	task.clear_ibuf [dreg:s7], $0x6FFFF;
	_ =	strace $0x90000046  }
0xb3: {  	s29 =	simm.s32 $0x9;
	_ =	strace $0x80000048  }
0xb4: {  	_ =	swait.ge [sflag:s29], $0x1  }
0xb5: {  	[sflag:s29] =	ssyncadd.s32 $0xFFFFFFFF  }
0xb6: {  	_ =	strace $0x90000048  }
0xb7: {  	_ =	sfence  }
0xb8: {  	s30 =	sld [smem:$0x0];
	_ =	sdelay $0x2  }
0xb9: {  	s31 =	sshll.u32 s1, $0xD;
	s1 =	sshrl.u32 s1, $0x2  }
0xba: {  	s3 =	sand.u32 $0x4000, s31;
	s1 =	sadd.s32 s1, s30  }
0xbb: {  	s0 =	sor.u32 s3, s0;
	s1 =	sshll.u32 s1, $0x11  }
0xbc: {  	s0 =	sor.u32 s1, s0  }
0xbd: {  	s0 =	sadd.s32 $0x8F2B, s0  }
0xbe: {  	[sflag:s0] =	ssyncadd.remote.s32 $0x1  }
0xbf: {  	_ =	sfence.sel $0xFFFF  }
0xc0: {  	[dreg:$0x0] =	wrdreg $0xFFFFFFFF;
	(pc) =	sbr.abs _section_cstart, $3  }
0xc1: {  	[dreg:$0x1] =	wrdreg $0xFFFFFFFF  }
0xc2: {  	_ =	task.clear_ibuf [dreg:s7], $0x2FFFF;
	_ =	strace $0x9FFFFFFF  }
0xc3: {  	(tm) =	ssettm $0x7FFFFFFF  }
tec
execute0_lowered:
.L_overlay_start_1:
0x0: {  	(tag) =	ssettag $0x1  }
0x1: {  	s1 =	rddreg [dreg:$0x0]  }
0x2: {  	s9 =	rddreg [dreg:$0x1]  }
0x3: {  	s2 =	rddreg [dreg:$0x2]  }
0x4: {  	s0 =	rddreg [dreg:$0x3];
	s3 =	simm.s32 $0x0  }
0x5: {  	s6 =	srdreg.scid;
	s7 =	stileid.u32;
	s20 =	simm.s32 $0x2  }
0x6: {  	s21 =	simm.s32 $0x3;
	s22 =	simm.s32 $0x80;
	s23 =	simm.s32 $0x100  }
0x7: {  	s24 =	simm.s32 $0x1;
	s30 =	simm.s32 $0x0;
	[smem:$0x7FF] =	sst s3  }
0x8: {  	s4 =	sadd.s32 $0xEC00, s9;
	s5 =	sadd.s32 $0x4E00, s9;
	s6 =	sand.u32 $0x1, s6  }
0x9: {  	s8 =	sadd.s32 $0x18A00, s9;
	s11 =	smul.u32 $0x4E000, s7;
	s17 =	sadd.s32 $0x4FAA00, s9  }
0xa: {  	s15 =	smul.u32 $0x2700, s7;
	s9 =	sshll.u32 s7, $0x1;
	p0 =	sne.s32 s7, $0x0  }
0xb: {  	_ =	strace $0x80000047;
	s10 =	ssub.s32 $0x2, s6;
	s16 =	smul.u32 $0x27100, s6  }
0xc: {  	s19 =	smul.u32 $0x138800, s6;
	s29 =	sshrl.u32 s10, $0x1;
	s31 =	sshrl.u32 s11, $0x2  }
.Ltmp0:
0xd: {  	s18 =	ssub.s32 s10, s29;
	s10 =	sadd.s32 s31, s2;
	(pc) =	sbr.rel .LBB2_1-.Ltmp0, $4  }
0xe: {  	s16 =	sadd.s32 s15, s16;
	s19 =	sshrl.u32 s19, $0x3;
	s15 =	sadd.s32 $0x138000, s2  }
0xf: {  	s11 =	sadd.s32 $0x4000, s10;
	s12 =	sadd.s32 $0x8000, s10;
	s13 =	sadd.s32 $0xC000, s10  }
0x10: {  	s14 =	sadd.s32 $0x10000, s10;
	s16 =	sadd.s32 s17, s16;
	s17 =	sadd.s32 s17, s19  }
0x11: {  	v0 =	vimm.f32 $0.0e+00;
	s18 =	smax.u32 s18, $0x1;
	s19 =	simm.s32 $0x4100;
	s17 =	sadd.s32 $0x27000, s17  }
.LBB2_9:
0x12: {  	s25 =	sshll.u32 s7, $0x6  }
0x13: {  	[bflag:$0x0] =	sbarrier.arrive $0xFFFF;
	s26 =	sshrl.u32 s10, $0x3;
	s25 =	sor.u32 $0x1C02, s25  }
0x14: {  	[hbm:s16], [sflag:s25] =	dma.local [spmem:s26], $0x2700  }
0x15: {  	_ =	swait.ge [sflag:s20], $0x2700  }
0x16: {  	s3 =	sadd.s32 $0x1, s3;
	[sflag:s20] =	ssyncset.done $0x0  }
0x17: {  	p1 =	sne.s32 s3, s18;
	s26 =	sshrl.u32 @!p0 s15, $0x3;
	[sflag:s20] =	ssyncadd.s32 $0xFFFFD900  }
0x18: {  	[hbm:s17], [sflag:s25] =	dma.local @!p0 [spmem:s26], $0x100  }
.Ltmp1:
0x19: {  	_ = 	snop;
	(pc) =	sbr.rel @!p1 .LBB2_10-.Ltmp1, $4  }
0x1a: {  	s25 =	simm.s32 @!p0 $0x2  }
0x1b: {  	_ =	swait.ge @!p0 [sflag:s25], $0x100  }
0x1c: {  	[sflag:s25] =	ssyncset.done @!p0 $0x0  }
0x1d: {  	[sflag:s25] =	ssyncadd.s32 @!p0 $0xFFFFFF00  }
.LBB2_1:
0x1e: {  	s25 =	simm.s32 $0x0;
	s26 =	simm.s32 $0x200  }
.LBB2_2:
0x1f: {  	p1 =	sne.s32 s26, $0xFE00;
	[tilespmem:s25+$0x4170] =	vst v0  }
0x20: {  	[tilespmem:s25+$0x4100] =	vst v0  }
0x21: {  	[tilespmem:s25+$0x4110] =	vst v0  }
.Ltmp2:
0x22: {  	[tilespmem:s25+$0x4120] =	vst v0;
	(pc) =	sbr.rel @p1 .LBB2_2-.Ltmp2, $4  }
0x23: {  	[tilespmem:s25+$0x4130] =	vst v0  }
0x24: {  	[tilespmem:s25+$0x4140] =	vst v0  }
0x25: {  	[tilespmem:s25+$0x4150] =	vst v0  }
0x26: {  	[tilespmem:s25+$0x4160] =	vst v0;
	s25 =	sshra.s32 s26, $0x2;
	s26 =	sadd.s32 $0x200, s26  }
0x27: {  	[tilespmem:s25+$0x4170] =	vst v0  }
0x28: {  	[tilespmem:s25+$0x4100] =	vst v0  }
0x29: {  	[tilespmem:s25+$0x4110] =	vst v0  }
0x2a: {  	[tilespmem:s25+$0x4120] =	vst v0  }
0x2b: {  	[tilespmem:s25+$0x4130] =	vst v0  }
0x2c: {  	[tilespmem:s25+$0x4140] =	vst v0  }
0x2d: {  	[tilespmem:s25+$0x4150] =	vst v0  }
0x2e: {  	[tilespmem:s25+$0x4160] =	vst v0  }
0x2f: {  	[spmem:s10] =	stream.linear.scatter [tilespmem:s19], [sflag:$0x2], $0x4000, $0x38;
	[tilespmem:$0x1B980] =	vst v63  }
0x30: {  	_ =	swait.ge [sflag:s20], $0x4000  }
0x31: {  	[sflag:s20] =	ssyncset.done $0x0  }
0x32: {  	[sflag:s20] =	ssyncadd.s32 $0xFFFFC000  }
0x33: {  	[spmem:s11] =	stream.linear.scatter [tilespmem:s19], [sflag:$0x2], $0x4000, $0x38;
	[tilespmem:$0x1B980] =	vst v63  }
0x34: {  	_ =	swait.ge [sflag:s20], $0x4000  }
0x35: {  	[sflag:s20] =	ssyncset.done $0x0  }
0x36: {  	[sflag:s20] =	ssyncadd.s32 $0xFFFFC000  }
0x37: {  	[spmem:s12] =	stream.linear.scatter [tilespmem:s19], [sflag:$0x2], $0x4000, $0x38;
	[tilespmem:$0x1B980] =	vst v63  }
0x38: {  	_ =	swait.ge [sflag:s20], $0x4000  }
0x39: {  	[sflag:s20] =	ssyncset.done $0x0  }
0x3a: {  	[sflag:s20] =	ssyncadd.s32 $0xFFFFC000  }
0x3b: {  	[spmem:s13] =	stream.linear.scatter [tilespmem:s19], [sflag:$0x2], $0x4000, $0x38;
	[tilespmem:$0x1B980] =	vst v63  }
0x3c: {  	_ =	swait.ge [sflag:s20], $0x4000  }
0x3d: {  	[sflag:s20] =	ssyncset.done $0x0  }
0x3e: {  	[sflag:s20] =	ssyncadd.s32 $0xFFFFC000  }
0x3f: {  	[spmem:s14] =	stream.linear.scatter [tilespmem:s19], [sflag:$0x2], $0x3800, $0x38;
	[tilespmem:$0x1B980] =	vst v63  }
0x40: {  	_ =	swait.ge [sflag:s20], $0x3800  }
0x41: {  	[sflag:s20] =	ssyncset.done $0x0  }
0x42: {  	s25 =	simm.s32 @!p0 $0x4100;
	[sflag:s20] =	ssyncadd.s32 $0xFFFFC800  }
0x43: {  	[spmem:s15] =	stream.linear.scatter @!p0 [tilespmem:s25], [sflag:$0x2], $0x800, $0x38;
	[tilespmem:$0x1B980] =	vst v63  }
0x44: {  	s25 =	simm.s32 @!p0 $0x2  }
.Ltmp3:
0x45: {  	_ =	swait.ge @!p0 [sflag:s25], $0x800;
	(pc) =	sbr.rel .LBB2_4-.Ltmp3, $4  }
0x46: {  	[sflag:s25] =	ssyncset.done @!p0 $0x0  }
0x47: {  	[sflag:s25] =	ssyncadd.s32 @!p0 $0xFFFFF800  }
0x48: {  	[bflag:$0x0] =	sbarrier.arrive $0xFFFF  }
0x49: {  	s25 =	simm.s32 $0x0  }
.LBB2_8:
0x4a: {  	s25 =	sadd.s32 $0x1, s25  }
0x4b: {  	p1 =	sne.s32 s25, $0x4F  }
.Ltmp4:
0x4c: {  	_ = 	snop;
	(pc) =	sbr.rel @!p1 .LBB2_9-.Ltmp4, $1  }
0x4d: {  	_ =	sdelay $0x3  }
.LBB2_4:
0x4e: {  	s26 =	sshll.u32 s25, $0x5  }
0x4f: {  	s26 =	sor.u32 s9, s26  }
0x50: {  	p1 =	sgt.u32 s26, $0x9C3  }
.Ltmp5:
0x51: {  	_ = 	snop;
	(pc) =	sbr.rel @p1 .LBB2_8-.Ltmp5, $1  }
0x52: {  	_ =	sdelay $0x3  }
0x53: {  	s26 =	sor.u32 s6, s26  }
0x54: {  	s28 =	sshll.u32 s26, $0x4  }
0x55: {  	s29 =	sadd.s32 s4, s28  }
0x56: {  	[tilespmem:s30], [sflag:$0x3] =	stream.linear.gather [hbm4b:s29+s30], $0x80, $0x38;
	[tilespmem:$0x1B980] =	vst v63  }
0x57: {  	_ =	swait.ge [sflag:s21], $0x80  }
0x58: {  	[sflag:s21] =	ssyncset.done $0x0  }
0x59: {  	s28 =	sadd.s32 s5, s28;
	[sflag:s21] =	ssyncadd.s32 $0xFFFFFF80  }
0x5a: {  	[tilespmem:s22], [sflag:$0x3] =	stream.linear.gather [hbm4b:s28+s30], $0x80, $0x38;
	[tilespmem:$0x1B980] =	vst v63  }
0x5b: {  	_ =	swait.ge [sflag:s21], $0x80  }
0x5c: {  	s26 =	sshll.u32 s26, $0xB;
	[sflag:s21] =	ssyncset.done $0x0  }
0x5d: {  	s26 =	sadd.s32 s8, s26;
	[sflag:s21] =	ssyncadd.s32 $0xFFFFFF80  }
0x5e: {  	[tilespmem:s23], [sflag:$0x3] =	stream.linear.gather [hbm4b:s26+s30], $0x4000, $0x38;
	[tilespmem:$0x1B980] =	vst v63  }
0x5f: {  	_ =	swait.ge [sflag:s21], $0x4000  }
0x60: {  	[sflag:s21] =	ssyncset.done $0x0  }
0x61: {  	[sflag:s21] =	ssyncadd.s32 $0xFFFFC000  }
0x62: {  	[tilespmem:s19], [sflag:$0x1] =	stream.indirect.gather [hbm4b:s1+s22], $0x80, s30, s22, $0xb8;
	[tilespmem:$0x1B980] =	vst v63  }
0x63: {  	_ =	swait.ge [sflag:s24], $0x4000  }
0x64: {  	[sflag:s24] =	ssyncset.done $0x0  }
0x65: {  	s26 =	simm.s32 $0x0;
	[sflag:s24] =	ssyncadd.s32 $0xFFFFC000  }
0x66: {  	v1 =	vld [tilespmem:s26+$0x100]  }
0x67: {  	v5 =	vld [tilespmem:s26+$0x4100]  }
0x68: {  	v7 =	vld [tilespmem:s26+$0x4110]  }
0x69: {  	v6 =	vld [tilespmem:s26+$0x4120]  }
0x6a: {  	v4 =	vld [tilespmem:s26+$0x4130]  }
0x6b: {  	v2 =	vld [tilespmem:s26+$0x4140]  }
0x6c: {  	v3 =	vld [tilespmem:s26+$0x4150];
	v8 =	vmul.f32 v5, v1  }
0x6d: {  	s28 =	simm.s32 $0x200;
	v7 =	vmul.f32 v7, v1;
	v5 =	vld [tilespmem:s26+$0x4160]  }
.LBB2_6:
0x6e: {  	s29 =	sshra.s32 s28, $0x2;
	p1 =	sne.s32 s28, $0xFE00;
	[tilespmem:s26+$0x4100] =	vst v8;
	v6 =	vmul.f32 v6, v1;
	v8 =	vld [tilespmem:s26+$0x4170]  }
0x6f: {  	v9 =	vld [tilespmem:s29+$0x100];
	[tilespmem:s26+$0x4110] =	vst v7;
	v4 =	vmul.f32 v4, v1  }
0x70: {  	v7 =	vld [tilespmem:s29+$0x4100];
	[tilespmem:s26+$0x4120] =	vst v6;
	v2 =	vmul.f32 v2, v1  }
0x71: {  	v10 =	vld [tilespmem:s29+$0x4110];
	[tilespmem:s26+$0x4130] =	vst v4;
	v3 =	vmul.f32 v3, v1  }
.Ltmp6:
0x72: {  	v6 =	vld [tilespmem:s29+$0x4120];
	[tilespmem:s26+$0x4140] =	vst v2;
	v5 =	vmul.f32 v5, v1;
	(pc) =	sbr.rel @p1 .LBB2_6-.Ltmp6, $4  }
0x73: {  	v4 =	vld [tilespmem:s29+$0x4130];
	[tilespmem:s26+$0x4150] =	vst v3;
	v11 =	vmul.f32 v8, v1  }
0x74: {  	v2 =	vld [tilespmem:s29+$0x4140];
	[tilespmem:s26+$0x4160] =	vst v5;
	v1 =	vmov v9  }
0x75: {  	v8 =	vmul.f32 v7, v1;
	v3 =	vld [tilespmem:s29+$0x4150];
	[tilespmem:s26+$0x4170] =	vst v11;
	s26 =	smov.u32 s29  }
0x76: {  	s28 =	sadd.s32 $0x200, s28;
	v7 =	vmul.f32 v10, v1;
	v5 =	vld [tilespmem:s26+$0x4160]  }
0x77: {  	[tilespmem:s26+$0x4100] =	vst v8;
	v6 =	vmul.f32 v6, v1;
	v63 =	vld [tilespmem:s26+$0x4170]  }
0x78: {  	[tilespmem:s26+$0x4110] =	vst v7;
	v4 =	vmul.f32 v4, v1  }
0x79: {  	[tilespmem:s26+$0x4120] =	vst v6;
	v2 =	vmul.f32 v2, v1  }
0x7a: {  	[tilespmem:s26+$0x4130] =	vst v4;
	v3 =	vmul.f32 v3, v1  }
0x7b: {  	[tilespmem:s26+$0x4140] =	vst v2;
	v2 =	vmul.f32 v5, v1  }
0x7c: {  	[tilespmem:s26+$0x4150] =	vst v3;
	v1 =	vmul.f32 v63, v1  }
0x7d: {  	[tilespmem:s26+$0x4160] =	vst v2  }
.Ltmp7:
0x7e: {  	[tilespmem:s26+$0x4170] =	vst v1;
	(pc) =	sbr.rel .LBB2_8-.Ltmp7, $4  }
0x7f: {  	[spmem:s2] =	stream.indirect.scatter.add.f32 [tilespmem:s19], [sflag:$0x2], $0x80, s22, s22, $0xb8;
	[tilespmem:$0x1B980] =	vst v63  }
0x80: {  	_ =	swait.ge [sflag:s20], $0x4000  }
0x81: {  	[sflag:s20] =	ssyncset.done $0x0  }
0x82: {  	[sflag:s20] =	ssyncadd.s32 $0xFFFFC000  }
.LBB2_10:
0x83: {  	_ =	sfence.sel $0x180000  }
0x84: {  	[bflag:$0x0] =	sbarrier.arrive $0xFFFF  }
0x85: {  	_ =	strace $0x90000047  }
0x86: {  	s0 =	sadd.s32 @!p0 $0x100000, s0;
	[bflag:$0x2] =	sbarrier.arrive $0xFFFF  }
0x87: {  	[sflag:s0] =	ssyncadd.tile.s32 @!p0 $0x1;
	_ =	shalt  }
.Lfunc_end2:
_tile_overlayer_lowered:
.L_overlay_start_2:
0x88: {  	(tag) =	ssettag $0x2  }
0x89: {  	s0 =	rddreg [dreg:$0x0];
	s2 =	stileid.u32  }
0x8a: {  	s1 =	rddreg [dreg:$0x1];
	p0 =	sne.s32 s2, $0x0  }
0x8b: {  	s3 =	rddreg [dreg:$0x2];
	[bflag:$0x3] =	sbarrier.arrive $0xFFFF;
	s2 =	simm.s32 @!p0 $0x1C02  }
0x8c: {  	[timem:s3], [sflag:s2] =	dma.local @!p0 [hbm:s0], s1  }
0x8d: {  	s0 =	simm.s32 @!p0 $0x2  }
0x8e: {  	_ =	swait.ge @!p0 [sflag:s0], s1  }
0x8f: {  	s1 =	ssub.s32 @!p0 $0x0, s1;
	[sflag:s0] =	ssyncset.done @!p0 $0x0  }
0x90: {  	[sflag:s0] =	ssyncadd.s32 @!p0 s1  }
0x91: {  	[bflag:$0x3] =	sbarrier.arrive $0xFFFF  }
0x92: {  	_ =	shalt  }

// kernel: kernel.14.cloned.1.call-start
scs
__scs_entry_jumppad:
0x0: {  	(pc) =	sbr.rel $0x88, $3  }
0x1: {  	(tag) =	ssettag $0x0;
	lr =	simm.s32 $0x1  }
0x2: {  	[smem:$0x3F8C] =	sst lr;
	_ =	strace $0xD0000000  }
0x3: {  	_ = 	snop  }
0x4: {  	_ = 	snop  }
0x5: {  	_ = 	snop  }
0x6: {  	_ = 	snop  }
0x7: {  	_ = 	snop  }
__scs_overlays_trampoline_lowered:
0x8: {  	[smem:$0x3F9B] =	sst s0  }
0x9: {  	[smem:$0x3F9C] =	sst s1  }
0xa: {  	[smem:$0x3F9D] =	sst s2  }
0xb: {  	[smem:$0x3F9E] =	sst s3  }
0xc: {  	[smem:$0x3F9F] =	sst s4  }
0xd: {  	[smem:$0x3FA0] =	sst s5  }
0xe: {  	[smem:$0x3FA1] =	sst s6  }
0xf: {  	[smem:$0x3FA2] =	sst s7  }
0x10: {  	[smem:$0x3FA3] =	sst s8  }
0x11: {  	[smem:$0x3FA4] =	sst s9;
	s0 =	simm.s32 @!p0 $0x0  }
0x12: {  	s1 =	sld [smem:$0x3F8A];
	s0 =	simm.s32 @p0 $0x1  }
0x13: {  	[smem:$0x3FA5] =	sst s0;
	s0 =	simm.s32 @!p1 $0x0  }
0x14: {  	s2 =	sld [smem:$0x3F89];
	s0 =	simm.s32 @p1 $0x1  }
0x15: {  	[smem:$0x3FA6] =	sst s0;
	s0 =	simm.s32 @!p2 $0x0  }
0x16: {  	s3 =	sld [smem:$0x3FDB];
	s0 =	simm.s32 @p2 $0x1  }
0x17: {  	s4 =	simm.s32 $0x1BF5;
	[smem:$0x3FA8] =	sst s0  }
0x18: {  	s0 =	sld [smem:$0x3F8B];
	_ =	swait.ge [sflag:s4], $0x0  }
0x19: {  	s7 =	sld [smem:$0x3F8C]  }
0x1a: {  	s8 =	sadd.s32 $0xFFFFE003, lr  }
0x1b: {  	s9 =	sadd.s32 $0xFFFFFEF7, lr;
	s5 =	simm.s32 $0xFFFFFFFF;
	p2 =	slt.u32 s8, $0xFFFFF086  }
0x1c: {  	p1 =	slt.u32 s9, $0xF7A;
	s5 =	simm.s32 @!p2 $0x0  }
0x1d: {  	s5 =	simm.s32 @p1 $0x1;
	p0 =	seq.s32 s7, s2  }
0x1e: {  	s7 =	smul.u32 @!p0 $0xF7A, s2;
	p2 =	seq.s32 @!p0 s5, $0x0  }
0x1f: {  	s9 =	smul.u32 $0xF7A, s1;
	s8 =	simm.s32 @!p0 $0x1BF5;
	p2 =	por !p2, p0  }
0x20: {  	[sflag:s8] =	ssyncset.s32 @!p0 $0xFFFFF086;
	s6 =	sadd.s32 @!p0 s3, s7;
	s7 =	simm.s32 @!p0 $0x108  }
0x21: {  	s3 =	sadd.s32 s3, s9;
	s6 =	sadd.s32 @!p0 $0x88, s6;
	s7 =	simm.s32 @p2 $0x1082  }
0x22: {  	[simem:s7], [sflag:s8] =	dma.local @!p0 [hbm:s6], $0xF7A  }
0x23: {  	s9 =	sor.u32 $0xD0000000, s2;
	s6 =	simm.s32 $0x108;
	_ =	swait.ge @!p0 [sflag:s8], $0x0  }
0x24: {  	s3 =	sadd.s32 $0x88, s3;
	s6 =	simm.s32 @!p1 $0x1082;
	[sflag:s4] =	ssyncset.s32 $0xFFFFF086  }
0x25: {  	[simem:s6], [sflag:s4] =	dma.local [hbm:s3], $0xF7A  }
0x26: {  	[smem:$0x3F8C] =	sst s1;
	(tag) =	ssettag s2;
	_ =	strace s9  }
0x27: {  	s1 =	sld [smem:$0x3F9C]  }
0x28: {  	s2 =	sld [smem:$0x3F9D]  }
0x29: {  	s4 =	sld [smem:$0x3F9F]  }
0x2a: {  	p0 =	seq.s32 s5, $0x0;
	s5 =	sld [smem:$0x3FA0]  }
0x2b: {  	s6 =	sld [smem:$0x3FA1]  }
0x2c: {  	s7 =	sld [smem:$0x3FA2]  }
0x2d: {  	s3 =	simm.s32 $0x108;
	s8 =	sld [smem:$0x3FA3]  }
0x2e: {  	s3 =	simm.s32 @!p0 $0x1082;
	s9 =	sld [smem:$0x3FA4]  }
0x2f: {  	lr =	sadd.s32 s0, s3;
	s0 =	sld [smem:$0x3F9B]  }
0x30: {  	s3 =	sld [smem:$0x3F9E]  }
0x31: {  	[smem:$0x3FA7] =	sst s10  }
0x32: {  	s10 =	sld [smem:$0x3FA5];
	_ =	sdelay $0x3  }
0x33: {  	p0 =	seq.s32 s10, $0x1;
	s10 =	sld [smem:$0x3FA7];
	_ =	sdelay $0x3  }
0x34: {  	[smem:$0x3FA7] =	sst s10  }
0x35: {  	s10 =	sld [smem:$0x3FA6];
	_ =	sdelay $0x3  }
0x36: {  	p1 =	seq.s32 s10, $0x1;
	s10 =	sld [smem:$0x3FA7];
	_ =	sdelay $0x3  }
0x37: {  	[smem:$0x3FA7] =	sst s10  }
0x38: {  	s10 =	sld [smem:$0x3FA8]  }
0x39: {  	_ = 	snop;
	(pc) =	sbr.ind lr, $3  }
0x3a: {  	_ = 	snop  }
0x3b: {  	_ = 	snop  }
0x3c: {  	p2 =	seq.s32 s10, $0x1;
	s10 =	sld [smem:$0x3FA7]  }
0x3d: {  	_ =	shalt  }
0x3e: {  	_ =	shalt  }
0x3f: {  	_ =	shalt  }
0x40: {  	_ =	shalt  }
0x41: {  	_ =	shalt  }
0x42: {  	_ =	shalt  }
0x43: {  	_ =	shalt  }
0x44: {  	_ =	shalt  }
0x45: {  	_ =	shalt  }
0x46: {  	_ =	shalt  }
0x47: {  	_ =	shalt  }
0x48: {  	_ =	shalt  }
0x49: {  	_ =	shalt  }
0x4a: {  	_ =	shalt  }
0x4b: {  	_ =	shalt  }
0x4c: {  	_ =	shalt  }
0x4d: {  	_ =	shalt  }
0x4e: {  	_ =	shalt  }
0x4f: {  	_ =	shalt  }
0x50: {  	_ =	shalt  }
0x51: {  	_ =	shalt  }
0x52: {  	_ =	shalt  }
0x53: {  	_ =	shalt  }
0x54: {  	_ =	shalt  }
0x55: {  	_ =	shalt  }
0x56: {  	_ =	shalt  }
0x57: {  	_ =	shalt  }
0x58: {  	_ =	shalt  }
0x59: {  	_ =	shalt  }
0x5a: {  	_ =	shalt  }
0x5b: {  	_ =	shalt  }
0x5c: {  	_ =	shalt  }
0x5d: {  	_ =	shalt  }
0x5e: {  	_ =	shalt  }
0x5f: {  	_ =	shalt  }
0x60: {  	_ =	shalt  }
0x61: {  	_ =	shalt  }
0x62: {  	_ =	shalt  }
0x63: {  	_ =	shalt  }
0x64: {  	_ =	shalt  }
0x65: {  	_ =	shalt  }
0x66: {  	_ =	shalt  }
0x67: {  	_ =	shalt  }
0x68: {  	_ =	shalt  }
0x69: {  	_ =	shalt  }
0x6a: {  	_ =	shalt  }
0x6b: {  	_ =	shalt  }
0x6c: {  	_ =	shalt  }
0x6d: {  	_ =	shalt  }
0x6e: {  	_ =	shalt  }
0x6f: {  	_ =	shalt  }
0x70: {  	_ =	shalt  }
0x71: {  	_ =	shalt  }
0x72: {  	_ =	shalt  }
0x73: {  	_ =	shalt  }
0x74: {  	_ =	shalt  }
0x75: {  	_ =	shalt  }
0x76: {  	_ =	shalt  }
0x77: {  	_ =	shalt  }
0x78: {  	_ =	shalt  }
0x79: {  	_ =	shalt  }
0x7a: {  	_ =	shalt  }
0x7b: {  	_ =	shalt  }
0x7c: {  	_ =	shalt  }
0x7d: {  	_ =	shalt  }
0x7e: {  	_ =	shalt  }
0x7f: {  	_ =	shalt  }
0x80: {  	_ =	shalt  }
0x81: {  	_ =	shalt  }
0x82: {  	_ =	shalt  }
0x83: {  	_ =	shalt  }
0x84: {  	_ =	shalt  }
0x85: {  	_ =	shalt  }
0x86: {  	_ =	shalt  }
0x87: {  	_ =	shalt  }
.Lfunc_end0:
.L_simem_size_0:
called_computation.1_lowered:
.L_overlay_start_0:
0x88: {  	s2 =	sld [smem:$0x3FD9]  }
0x89: {  	s3 =	sld [smem:$0x3FFE];
	_ =	sdelay $0x1  }
0x8a: {  	s1 =	srdreg.scid  }
0x8b: {  	s0 =	sand.u32 $0x1, s1  }
0x8c: {  	s17 =	sshll.u32 s0, $0xA;
	s2 =	sadd.s32 s3, s2  }
0x8d: {  	s2 =	sadd.s32 s2, s17  }
0x8e: {  	[smem:$0x3FB3] =	sst s2  }
0x8f: {  	_ = 	snop  }
0x90: {  	s2 =	sld [smem:$0x3FD0];
	(tm) =	ssettm $0x1  }
0x91: {  	s18 =	sld [smem:$0x3FFB];
	_ =	sdelay $0x3  }
0x92: {  	_ =	strace s18  }
0x93: {  	s3 =	sld [smem:$0x3FFC];
	_ =	sdelay $0x3  }
0x94: {  	_ =	strace s3  }
0x95: {  	s3 =	sld [smem:$0x3FFD];
	_ =	sdelay $0x3  }
0x96: {  	_ =	strace s3  }
0x97: {  	_ =	strace $0x8FFFFFFF  }
0x98: {  	s19 =	sld [smem:$0x3FDB];
	_ =	sdelay $0x1  }
0x99: {  	s4 =	simm.s32 $_scs_section_size  }
0x9a: {  	s5 =	simm.s32 $_size__tile_overlayer_lowered;
	s6 =	simm.s32 $_tile_overlayer_lowered  }
0x9b: {  	s22 =	simm.s32 $0x1BFF;
	s21 =	sshll.u32 s6, $0x1;
	s3 =	sadd.s32 s4, s19  }
0x9c: {  	s7 =	simm.s32 $0x0;
	s20 =	sshll.u32 s5, $0x1;
	s5 =	sadd.s32 s21, s3  }
0x9d: {  	[timem:s7], [sflag:s22] =	dma.local [hbm:s5], s20  }
0x9e: {  	_ =	swait.ge [sflag:s22], s20  }
0x9f: {  	s4 =	ssub.s32 $0x0, s20;
	[sflag:s22] =	ssyncset.done $0x0  }
0xa0: {  	[sflag:s22] =	ssyncadd.s32 s4;
	_ =	sdelay $0x1  }
0xa1: {  	s23 =	simm.s32 $0x1B8B  }
0xa2: {  	_ =	swait.ge [sflag:s23], $0x1  }
0xa3: {  	[sflag:s23] =	ssyncset.done $0x0  }
0xa4: {  	s25 =	simm.s32 $0x1B8E;
	s24 =	sld [smem:$0x3FFE];
	[sflag:s23] =	ssyncadd.s32 $0xFFFFFFFF  }
0xa5: {  	s26 =	simm.s32 $execute0_lowered;
	[smem:$0x3FD2] =	sst s25  }
0xa6: {  	s5 =	sshll.u32 s26, $0x1;
	_ =	strace $0x80000049;
	[dreg:$0x1] =	wrdreg $0xFFFFFFFF  }
0xa7: {  	s28 =	simm.s32 $_size_execute0_lowered;
	s3 =	sadd.s32 s3, s5;
	[dreg:$0x0] =	wrdreg $0x0  }
0xa8: {  	s5 =	sshll.u32 s28, $0x1;
	[dreg:$0x2] =	wrdreg s3  }
0xa9: {  	[dreg:$0x3] =	wrdreg s5  }
0xaa: {  	[dreg:$0x4] =	wrdreg $0xC0  }
0xab: {  	_ =	task [dreg:s7], $0x5FFFF  }
0xac: {  	[dreg:$0x1] =	wrdreg $0xFFFFFFFF  }
0xad: {  	[dreg:$0x0] =	wrdreg $0x60  }
0xae: {  	[dreg:$0x2] =	wrdreg s2  }
0xaf: {  	[dreg:$0x3] =	wrdreg s24  }
0xb0: {  	[dreg:$0x4] =	wrdreg $0x81000  }
0xb1: {  	[dreg:$0x5] =	wrdreg $0x9  }
0xb2: {  	_ =	task.clear_ibuf [dreg:s7], $0x6FFFF;
	_ =	strace $0x90000049  }
0xb3: {  	s29 =	simm.s32 $0x9;
	_ =	strace $0x8000004B  }
0xb4: {  	_ =	swait.ge [sflag:s29], $0x1  }
0xb5: {  	[sflag:s29] =	ssyncadd.s32 $0xFFFFFFFF  }
0xb6: {  	_ =	strace $0x9000004B  }
0xb7: {  	_ =	sfence  }
0xb8: {  	s30 =	sld [smem:$0x0];
	_ =	sdelay $0x2  }
0xb9: {  	s31 =	sshll.u32 s1, $0xD;
	s1 =	sshrl.u32 s1, $0x2  }
0xba: {  	s3 =	sand.u32 $0x4000, s31;
	s1 =	sadd.s32 s1, s30  }
0xbb: {  	s0 =	sor.u32 s3, s0;
	s1 =	sshll.u32 s1, $0x11  }
0xbc: {  	s0 =	sor.u32 s1, s0  }
0xbd: {  	s0 =	sadd.s32 $0x8F2B, s0  }
0xbe: {  	[sflag:s0] =	ssyncadd.remote.s32 $0x1  }
0xbf: {  	_ =	sfence.sel $0xFFFF  }
0xc0: {  	[dreg:$0x0] =	wrdreg $0xFFFFFFFF;
	(pc) =	sbr.abs _section_cstart, $3  }
0xc1: {  	[dreg:$0x1] =	wrdreg $0xFFFFFFFF  }
0xc2: {  	_ =	task.clear_ibuf [dreg:s7], $0x2FFFF;
	_ =	strace $0x9FFFFFFF  }
0xc3: {  	(tm) =	ssettm $0x7FFFFFFF  }
tec
execute0_lowered:
.L_overlay_start_1:
0x0: {  	(tag) =	ssettag $0x1  }
0x1: {  	s1 =	rddreg [dreg:$0x0]  }
0x2: {  	s9 =	rddreg [dreg:$0x1]  }
0x3: {  	s2 =	rddreg [dreg:$0x2]  }
0x4: {  	s0 =	rddreg [dreg:$0x3];
	s3 =	simm.s32 $0x0  }
0x5: {  	s6 =	srdreg.scid;
	s7 =	stileid.u32;
	s20 =	simm.s32 $0x2  }
0x6: {  	s21 =	simm.s32 $0x3;
	s22 =	simm.s32 $0x80;
	s23 =	simm.s32 $0x100  }
0x7: {  	s24 =	simm.s32 $0x1;
	s30 =	simm.s32 $0x0;
	[smem:$0x7FF] =	sst s3  }
0x8: {  	s4 =	sadd.s32 $0xEC00, s9;
	s5 =	sadd.s32 $0x4E00, s9;
	s6 =	sand.u32 $0x1, s6  }
0x9: {  	s8 =	sadd.s32 $0x18A00, s9;
	s11 =	smul.u32 $0x4E000, s7;
	s17 =	sadd.s32 $0x521C00, s9  }
0xa: {  	s15 =	smul.u32 $0x2700, s7;
	s9 =	sshll.u32 s7, $0x1;
	p0 =	sne.s32 s7, $0x0  }
0xb: {  	_ =	strace $0x8000004A;
	s10 =	ssub.s32 $0x2, s6;
	s16 =	smul.u32 $0x27100, s6  }
0xc: {  	s19 =	smul.u32 $0x138800, s6;
	s29 =	sshrl.u32 s10, $0x1;
	s31 =	sshrl.u32 s11, $0x2  }
.Ltmp0:
0xd: {  	s18 =	ssub.s32 s10, s29;
	s10 =	sadd.s32 s31, s2;
	(pc) =	sbr.rel .LBB2_1-.Ltmp0, $4  }
0xe: {  	s16 =	sadd.s32 s15, s16;
	s19 =	sshrl.u32 s19, $0x3;
	s15 =	sadd.s32 $0x138000, s2  }
0xf: {  	s11 =	sadd.s32 $0x4000, s10;
	s12 =	sadd.s32 $0x8000, s10;
	s13 =	sadd.s32 $0xC000, s10  }
0x10: {  	s14 =	sadd.s32 $0x10000, s10;
	s16 =	sadd.s32 s17, s16;
	s17 =	sadd.s32 s17, s19  }
0x11: {  	v0 =	vimm.f32 $0.0e+00;
	s18 =	smax.u32 s18, $0x1;
	s19 =	simm.s32 $0x4100;
	s17 =	sadd.s32 $0x27000, s17  }
.LBB2_9:
0x12: {  	s25 =	sshll.u32 s7, $0x6  }
0x13: {  	[bflag:$0x0] =	sbarrier.arrive $0xFFFF;
	s26 =	sshrl.u32 s10, $0x3;
	s25 =	sor.u32 $0x1C02, s25  }
0x14: {  	[hbm:s16], [sflag:s25] =	dma.local [spmem:s26], $0x2700  }
0x15: {  	_ =	swait.ge [sflag:s20], $0x2700  }
0x16: {  	s3 =	sadd.s32 $0x1, s3;
	[sflag:s20] =	ssyncset.done $0x0  }
0x17: {  	p1 =	sne.s32 s3, s18;
	s26 =	sshrl.u32 @!p0 s15, $0x3;
	[sflag:s20] =	ssyncadd.s32 $0xFFFFD900  }
0x18: {  	[hbm:s17], [sflag:s25] =	dma.local @!p0 [spmem:s26], $0x100  }
.Ltmp1:
0x19: {  	_ = 	snop;
	(pc) =	sbr.rel @!p1 .LBB2_10-.Ltmp1, $4  }
0x1a: {  	s25 =	simm.s32 @!p0 $0x2  }
0x1b: {  	_ =	swait.ge @!p0 [sflag:s25], $0x100  }
0x1c: {  	[sflag:s25] =	ssyncset.done @!p0 $0x0  }
0x1d: {  	[sflag:s25] =	ssyncadd.s32 @!p0 $0xFFFFFF00  }
.LBB2_1:
0x1e: {  	s25 =	simm.s32 $0x0;
	s26 =	simm.s32 $0x200  }
.LBB2_2:
0x1f: {  	p1 =	sne.s32 s26, $0xFE00;
	[tilespmem:s25+$0x4170] =	vst v0  }
0x20: {  	[tilespmem:s25+$0x4100] =	vst v0  }
0x21: {  	[tilespmem:s25+$0x4110] =	vst v0  }
.Ltmp2:
0x22: {  	[tilespmem:s25+$0x4120] =	vst v0;
	(pc) =	sbr.rel @p1 .LBB2_2-.Ltmp2, $4  }
0x23: {  	[tilespmem:s25+$0x4130] =	vst v0  }
0x24: {  	[tilespmem:s25+$0x4140] =	vst v0  }
0x25: {  	[tilespmem:s25+$0x4150] =	vst v0  }
0x26: {  	[tilespmem:s25+$0x4160] =	vst v0;
	s25 =	sshra.s32 s26, $0x2;
	s26 =	sadd.s32 $0x200, s26  }
0x27: {  	[tilespmem:s25+$0x4170] =	vst v0  }
0x28: {  	[tilespmem:s25+$0x4100] =	vst v0  }
0x29: {  	[tilespmem:s25+$0x4110] =	vst v0  }
0x2a: {  	[tilespmem:s25+$0x4120] =	vst v0  }
0x2b: {  	[tilespmem:s25+$0x4130] =	vst v0  }
0x2c: {  	[tilespmem:s25+$0x4140] =	vst v0  }
0x2d: {  	[tilespmem:s25+$0x4150] =	vst v0  }
0x2e: {  	[tilespmem:s25+$0x4160] =	vst v0  }
0x2f: {  	[spmem:s10] =	stream.linear.scatter [tilespmem:s19], [sflag:$0x2], $0x4000, $0x38;
	[tilespmem:$0x1B980] =	vst v63  }
0x30: {  	_ =	swait.ge [sflag:s20], $0x4000  }
0x31: {  	[sflag:s20] =	ssyncset.done $0x0  }
0x32: {  	[sflag:s20] =	ssyncadd.s32 $0xFFFFC000  }
0x33: {  	[spmem:s11] =	stream.linear.scatter [tilespmem:s19], [sflag:$0x2], $0x4000, $0x38;
	[tilespmem:$0x1B980] =	vst v63  }
0x34: {  	_ =	swait.ge [sflag:s20], $0x4000  }
0x35: {  	[sflag:s20] =	ssyncset.done $0x0  }
0x36: {  	[sflag:s20] =	ssyncadd.s32 $0xFFFFC000  }
0x37: {  	[spmem:s12] =	stream.linear.scatter [tilespmem:s19], [sflag:$0x2], $0x4000, $0x38;
	[tilespmem:$0x1B980] =	vst v63  }
0x38: {  	_ =	swait.ge [sflag:s20], $0x4000  }
0x39: {  	[sflag:s20] =	ssyncset.done $0x0  }
0x3a: {  	[sflag:s20] =	ssyncadd.s32 $0xFFFFC000  }
0x3b: {  	[spmem:s13] =	stream.linear.scatter [tilespmem:s19], [sflag:$0x2], $0x4000, $0x38;
	[tilespmem:$0x1B980] =	vst v63  }
0x3c: {  	_ =	swait.ge [sflag:s20], $0x4000  }
0x3d: {  	[sflag:s20] =	ssyncset.done $0x0  }
0x3e: {  	[sflag:s20] =	ssyncadd.s32 $0xFFFFC000  }
0x3f: {  	[spmem:s14] =	stream.linear.scatter [tilespmem:s19], [sflag:$0x2], $0x3800, $0x38;
	[tilespmem:$0x1B980] =	vst v63  }
0x40: {  	_ =	swait.ge [sflag:s20], $0x3800  }
0x41: {  	[sflag:s20] =	ssyncset.done $0x0  }
0x42: {  	s25 =	simm.s32 @!p0 $0x4100;
	[sflag:s20] =	ssyncadd.s32 $0xFFFFC800  }
0x43: {  	[spmem:s15] =	stream.linear.scatter @!p0 [tilespmem:s25], [sflag:$0x2], $0x800, $0x38;
	[tilespmem:$0x1B980] =	vst v63  }
0x44: {  	s25 =	simm.s32 @!p0 $0x2  }
.Ltmp3:
0x45: {  	_ =	swait.ge @!p0 [sflag:s25], $0x800;
	(pc) =	sbr.rel .LBB2_4-.Ltmp3, $4  }
0x46: {  	[sflag:s25] =	ssyncset.done @!p0 $0x0  }
0x47: {  	[sflag:s25] =	ssyncadd.s32 @!p0 $0xFFFFF800  }
0x48: {  	[bflag:$0x0] =	sbarrier.arrive $0xFFFF  }
0x49: {  	s25 =	simm.s32 $0x0  }
.LBB2_8:
0x4a: {  	s25 =	sadd.s32 $0x1, s25  }
0x4b: {  	p1 =	sne.s32 s25, $0x4F  }
.Ltmp4:
0x4c: {  	_ = 	snop;
	(pc) =	sbr.rel @!p1 .LBB2_9-.Ltmp4, $1  }
0x4d: {  	_ =	sdelay $0x3  }
.LBB2_4:
0x4e: {  	s26 =	sshll.u32 s25, $0x5  }
0x4f: {  	s26 =	sor.u32 s9, s26  }
0x50: {  	p1 =	sgt.u32 s26, $0x9C3  }
.Ltmp5:
0x51: {  	_ = 	snop;
	(pc) =	sbr.rel @p1 .LBB2_8-.Ltmp5, $1  }
0x52: {  	_ =	sdelay $0x3  }
0x53: {  	s26 =	sor.u32 s6, s26  }
0x54: {  	s28 =	sshll.u32 s26, $0x4  }
0x55: {  	s29 =	sadd.s32 s4, s28  }
0x56: {  	[tilespmem:s30], [sflag:$0x3] =	stream.linear.gather [hbm4b:s29+s30], $0x80, $0x38;
	[tilespmem:$0x1B980] =	vst v63  }
0x57: {  	_ =	swait.ge [sflag:s21], $0x80  }
0x58: {  	[sflag:s21] =	ssyncset.done $0x0  }
0x59: {  	s28 =	sadd.s32 s5, s28;
	[sflag:s21] =	ssyncadd.s32 $0xFFFFFF80  }
0x5a: {  	[tilespmem:s22], [sflag:$0x3] =	stream.linear.gather [hbm4b:s28+s30], $0x80, $0x38;
	[tilespmem:$0x1B980] =	vst v63  }
0x5b: {  	_ =	swait.ge [sflag:s21], $0x80  }
0x5c: {  	s26 =	sshll.u32 s26, $0xB;
	[sflag:s21] =	ssyncset.done $0x0  }
0x5d: {  	s26 =	sadd.s32 s8, s26;
	[sflag:s21] =	ssyncadd.s32 $0xFFFFFF80  }
0x5e: {  	[tilespmem:s23], [sflag:$0x3] =	stream.linear.gather [hbm4b:s26+s30], $0x4000, $0x38;
	[tilespmem:$0x1B980] =	vst v63  }
0x5f: {  	_ =	swait.ge [sflag:s21], $0x4000  }
0x60: {  	[sflag:s21] =	ssyncset.done $0x0  }
0x61: {  	[sflag:s21] =	ssyncadd.s32 $0xFFFFC000  }
0x62: {  	[tilespmem:s19], [sflag:$0x1] =	stream.indirect.gather [hbm4b:s1+s22], $0x80, s30, s22, $0xb8;
	[tilespmem:$0x1B980] =	vst v63  }
0x63: {  	_ =	swait.ge [sflag:s24], $0x4000  }
0x64: {  	[sflag:s24] =	ssyncset.done $0x0  }
0x65: {  	s26 =	simm.s32 $0x0;
	[sflag:s24] =	ssyncadd.s32 $0xFFFFC000  }
0x66: {  	v1 =	vld [tilespmem:s26+$0x100]  }
0x67: {  	v5 =	vld [tilespmem:s26+$0x4100]  }
0x68: {  	v7 =	vld [tilespmem:s26+$0x4110]  }
0x69: {  	v6 =	vld [tilespmem:s26+$0x4120]  }
0x6a: {  	v4 =	vld [tilespmem:s26+$0x4130]  }
0x6b: {  	v2 =	vld [tilespmem:s26+$0x4140]  }
0x6c: {  	v3 =	vld [tilespmem:s26+$0x4150];
	v8 =	vmul.f32 v5, v1  }
0x6d: {  	s28 =	simm.s32 $0x200;
	v7 =	vmul.f32 v7, v1;
	v5 =	vld [tilespmem:s26+$0x4160]  }
.LBB2_6:
0x6e: {  	s29 =	sshra.s32 s28, $0x2;
	p1 =	sne.s32 s28, $0xFE00;
	[tilespmem:s26+$0x4100] =	vst v8;
	v6 =	vmul.f32 v6, v1;
	v8 =	vld [tilespmem:s26+$0x4170]  }
0x6f: {  	v9 =	vld [tilespmem:s29+$0x100];
	[tilespmem:s26+$0x4110] =	vst v7;
	v4 =	vmul.f32 v4, v1  }
0x70: {  	v7 =	vld [tilespmem:s29+$0x4100];
	[tilespmem:s26+$0x4120] =	vst v6;
	v2 =	vmul.f32 v2, v1  }
0x71: {  	v10 =	vld [tilespmem:s29+$0x4110];
	[tilespmem:s26+$0x4130] =	vst v4;
	v3 =	vmul.f32 v3, v1  }
.Ltmp6:
0x72: {  	v6 =	vld [tilespmem:s29+$0x4120];
	[tilespmem:s26+$0x4140] =	vst v2;
	v5 =	vmul.f32 v5, v1;
	(pc) =	sbr.rel @p1 .LBB2_6-.Ltmp6, $4  }
0x73: {  	v4 =	vld [tilespmem:s29+$0x4130];
	[tilespmem:s26+$0x4150] =	vst v3;
	v11 =	vmul.f32 v8, v1  }
0x74: {  	v2 =	vld [tilespmem:s29+$0x4140];
	[tilespmem:s26+$0x4160] =	vst v5;
	v1 =	vmov v9  }
0x75: {  	v8 =	vmul.f32 v7, v1;
	v3 =	vld [tilespmem:s29+$0x4150];
	[tilespmem:s26+$0x4170] =	vst v11;
	s26 =	smov.u32 s29  }
0x76: {  	s28 =	sadd.s32 $0x200, s28;
	v7 =	vmul.f32 v10, v1;
	v5 =	vld [tilespmem:s26+$0x4160]  }
0x77: {  	[tilespmem:s26+$0x4100] =	vst v8;
	v6 =	vmul.f32 v6, v1;
	v63 =	vld [tilespmem:s26+$0x4170]  }
0x78: {  	[tilespmem:s26+$0x4110] =	vst v7;
	v4 =	vmul.f32 v4, v1  }
0x79: {  	[tilespmem:s26+$0x4120] =	vst v6;
	v2 =	vmul.f32 v2, v1  }
0x7a: {  	[tilespmem:s26+$0x4130] =	vst v4;
	v3 =	vmul.f32 v3, v1  }
0x7b: {  	[tilespmem:s26+$0x4140] =	vst v2;
	v2 =	vmul.f32 v5, v1  }
0x7c: {  	[tilespmem:s26+$0x4150] =	vst v3;
	v1 =	vmul.f32 v63, v1  }
0x7d: {  	[tilespmem:s26+$0x4160] =	vst v2  }
.Ltmp7:
0x7e: {  	[tilespmem:s26+$0x4170] =	vst v1;
	(pc) =	sbr.rel .LBB2_8-.Ltmp7, $4  }
0x7f: {  	[spmem:s2] =	stream.indirect.scatter.add.f32 [tilespmem:s19], [sflag:$0x2], $0x80, s22, s22, $0xb8;
	[tilespmem:$0x1B980] =	vst v63  }
0x80: {  	_ =	swait.ge [sflag:s20], $0x4000  }
0x81: {  	[sflag:s20] =	ssyncset.done $0x0  }
0x82: {  	[sflag:s20] =	ssyncadd.s32 $0xFFFFC000  }
.LBB2_10:
0x83: {  	_ =	sfence.sel $0x180000  }
0x84: {  	[bflag:$0x0] =	sbarrier.arrive $0xFFFF  }
0x85: {  	_ =	strace $0x9000004A  }
0x86: {  	s0 =	sadd.s32 @!p0 $0x100000, s0;
	[bflag:$0x2] =	sbarrier.arrive $0xFFFF  }
0x87: {  	[sflag:s0] =	ssyncadd.tile.s32 @!p0 $0x1;
	_ =	shalt  }
.Lfunc_end2:
_tile_overlayer_lowered:
.L_overlay_start_2:
0x88: {  	(tag) =	ssettag $0x2  }
0x89: {  	s0 =	rddreg [dreg:$0x0];
	s2 =	stileid.u32  }
0x8a: {  	s1 =	rddreg [dreg:$0x1];
	p0 =	sne.s32 s2, $0x0  }
0x8b: {  	s3 =	rddreg [dreg:$0x2];
	[bflag:$0x3] =	sbarrier.arrive $0xFFFF;
	s2 =	simm.s32 @!p0 $0x1C02  }
0x8c: {  	[timem:s3], [sflag:s2] =	dma.local @!p0 [hbm:s0], s1  }
0x8d: {  	s0 =	simm.s32 @!p0 $0x2  }
0x8e: {  	_ =	swait.ge @!p0 [sflag:s0], s1  }
0x8f: {  	s1 =	ssub.s32 @!p0 $0x0, s1;
	[sflag:s0] =	ssyncset.done @!p0 $0x0  }
0x90: {  	[sflag:s0] =	ssyncadd.s32 @!p0 s1  }
0x91: {  	[bflag:$0x3] =	sbarrier.arrive $0xFFFF  }
0x92: {  	_ =	shalt  }

// kernel: kernel.17.cloned.1.call-start
scs
__scs_entry_jumppad:
0x0: {  	(pc) =	sbr.rel $0x88, $3  }
0x1: {  	(tag) =	ssettag $0x0;
	lr =	simm.s32 $0x1  }
0x2: {  	[smem:$0x3F8C] =	sst lr;
	_ =	strace $0xD0000000  }
0x3: {  	_ = 	snop  }
0x4: {  	_ = 	snop  }
0x5: {  	_ = 	snop  }
0x6: {  	_ = 	snop  }
0x7: {  	_ = 	snop  }
__scs_overlays_trampoline_lowered:
0x8: {  	[smem:$0x3F9B] =	sst s0  }
0x9: {  	[smem:$0x3F9C] =	sst s1  }
0xa: {  	[smem:$0x3F9D] =	sst s2  }
0xb: {  	[smem:$0x3F9E] =	sst s3  }
0xc: {  	[smem:$0x3F9F] =	sst s4  }
0xd: {  	[smem:$0x3FA0] =	sst s5  }
0xe: {  	[smem:$0x3FA1] =	sst s6  }
0xf: {  	[smem:$0x3FA2] =	sst s7  }
0x10: {  	[smem:$0x3FA3] =	sst s8  }
0x11: {  	[smem:$0x3FA4] =	sst s9;
	s0 =	simm.s32 @!p0 $0x0  }
0x12: {  	s1 =	sld [smem:$0x3F8A];
	s0 =	simm.s32 @p0 $0x1  }
0x13: {  	[smem:$0x3FA5] =	sst s0;
	s0 =	simm.s32 @!p1 $0x0  }
0x14: {  	s2 =	sld [smem:$0x3F89];
	s0 =	simm.s32 @p1 $0x1  }
0x15: {  	[smem:$0x3FA6] =	sst s0;
	s0 =	simm.s32 @!p2 $0x0  }
0x16: {  	s3 =	sld [smem:$0x3FDB];
	s0 =	simm.s32 @p2 $0x1  }
0x17: {  	s4 =	simm.s32 $0x1BF5;
	[smem:$0x3FA8] =	sst s0  }
0x18: {  	s0 =	sld [smem:$0x3F8B];
	_ =	swait.ge [sflag:s4], $0x0  }
0x19: {  	s7 =	sld [smem:$0x3F8C]  }
0x1a: {  	s8 =	sadd.s32 $0xFFFFE003, lr  }
0x1b: {  	s9 =	sadd.s32 $0xFFFFFEF7, lr;
	s5 =	simm.s32 $0xFFFFFFFF;
	p2 =	slt.u32 s8, $0xFFFFF086  }
0x1c: {  	p1 =	slt.u32 s9, $0xF7A;
	s5 =	simm.s32 @!p2 $0x0  }
0x1d: {  	s5 =	simm.s32 @p1 $0x1;
	p0 =	seq.s32 s7, s2  }
0x1e: {  	s7 =	smul.u32 @!p0 $0xF7A, s2;
	p2 =	seq.s32 @!p0 s5, $0x0  }
0x1f: {  	s9 =	smul.u32 $0xF7A, s1;
	s8 =	simm.s32 @!p0 $0x1BF5;
	p2 =	por !p2, p0  }
0x20: {  	[sflag:s8] =	ssyncset.s32 @!p0 $0xFFFFF086;
	s6 =	sadd.s32 @!p0 s3, s7;
	s7 =	simm.s32 @!p0 $0x108  }
0x21: {  	s3 =	sadd.s32 s3, s9;
	s6 =	sadd.s32 @!p0 $0x88, s6;
	s7 =	simm.s32 @p2 $0x1082  }
0x22: {  	[simem:s7], [sflag:s8] =	dma.local @!p0 [hbm:s6], $0xF7A  }
0x23: {  	s9 =	sor.u32 $0xD0000000, s2;
	s6 =	simm.s32 $0x108;
	_ =	swait.ge @!p0 [sflag:s8], $0x0  }
0x24: {  	s3 =	sadd.s32 $0x88, s3;
	s6 =	simm.s32 @!p1 $0x1082;
	[sflag:s4] =	ssyncset.s32 $0xFFFFF086  }
0x25: {  	[simem:s6], [sflag:s4] =	dma.local [hbm:s3], $0xF7A  }
0x26: {  	[smem:$0x3F8C] =	sst s1;
	(tag) =	ssettag s2;
	_ =	strace s9  }
0x27: {  	s1 =	sld [smem:$0x3F9C]  }
0x28: {  	s2 =	sld [smem:$0x3F9D]  }
0x29: {  	s4 =	sld [smem:$0x3F9F]  }
0x2a: {  	p0 =	seq.s32 s5, $0x0;
	s5 =	sld [smem:$0x3FA0]  }
0x2b: {  	s6 =	sld [smem:$0x3FA1]  }
0x2c: {  	s7 =	sld [smem:$0x3FA2]  }
0x2d: {  	s3 =	simm.s32 $0x108;
	s8 =	sld [smem:$0x3FA3]  }
0x2e: {  	s3 =	simm.s32 @!p0 $0x1082;
	s9 =	sld [smem:$0x3FA4]  }
0x2f: {  	lr =	sadd.s32 s0, s3;
	s0 =	sld [smem:$0x3F9B]  }
0x30: {  	s3 =	sld [smem:$0x3F9E]  }
0x31: {  	[smem:$0x3FA7] =	sst s10  }
0x32: {  	s10 =	sld [smem:$0x3FA5];
	_ =	sdelay $0x3  }
0x33: {  	p0 =	seq.s32 s10, $0x1;
	s10 =	sld [smem:$0x3FA7];
	_ =	sdelay $0x3  }
0x34: {  	[smem:$0x3FA7] =	sst s10  }
0x35: {  	s10 =	sld [smem:$0x3FA6];
	_ =	sdelay $0x3  }
0x36: {  	p1 =	seq.s32 s10, $0x1;
	s10 =	sld [smem:$0x3FA7];
	_ =	sdelay $0x3  }
0x37: {  	[smem:$0x3FA7] =	sst s10  }
0x38: {  	s10 =	sld [smem:$0x3FA8]  }
0x39: {  	_ = 	snop;
	(pc) =	sbr.ind lr, $3  }
0x3a: {  	_ = 	snop  }
0x3b: {  	_ = 	snop  }
0x3c: {  	p2 =	seq.s32 s10, $0x1;
	s10 =	sld [smem:$0x3FA7]  }
0x3d: {  	_ =	shalt  }
0x3e: {  	_ =	shalt  }
0x3f: {  	_ =	shalt  }
0x40: {  	_ =	shalt  }
0x41: {  	_ =	shalt  }
0x42: {  	_ =	shalt  }
0x43: {  	_ =	shalt  }
0x44: {  	_ =	shalt  }
0x45: {  	_ =	shalt  }
0x46: {  	_ =	shalt  }
0x47: {  	_ =	shalt  }
0x48: {  	_ =	shalt  }
0x49: {  	_ =	shalt  }
0x4a: {  	_ =	shalt  }
0x4b: {  	_ =	shalt  }
0x4c: {  	_ =	shalt  }
0x4d: {  	_ =	shalt  }
0x4e: {  	_ =	shalt  }
0x4f: {  	_ =	shalt  }
0x50: {  	_ =	shalt  }
0x51: {  	_ =	shalt  }
0x52: {  	_ =	shalt  }
0x53: {  	_ =	shalt  }
0x54: {  	_ =	shalt  }
0x55: {  	_ =	shalt  }
0x56: {  	_ =	shalt  }
0x57: {  	_ =	shalt  }
0x58: {  	_ =	shalt  }
0x59: {  	_ =	shalt  }
0x5a: {  	_ =	shalt  }
0x5b: {  	_ =	shalt  }
0x5c: {  	_ =	shalt  }
0x5d: {  	_ =	shalt  }
0x5e: {  	_ =	shalt  }
0x5f: {  	_ =	shalt  }
0x60: {  	_ =	shalt  }
0x61: {  	_ =	shalt  }
0x62: {  	_ =	shalt  }
0x63: {  	_ =	shalt  }
0x64: {  	_ =	shalt  }
0x65: {  	_ =	shalt  }
0x66: {  	_ =	shalt  }
0x67: {  	_ =	shalt  }
0x68: {  	_ =	shalt  }
0x69: {  	_ =	shalt  }
0x6a: {  	_ =	shalt  }
0x6b: {  	_ =	shalt  }
0x6c: {  	_ =	shalt  }
0x6d: {  	_ =	shalt  }
0x6e: {  	_ =	shalt  }
0x6f: {  	_ =	shalt  }
0x70: {  	_ =	shalt  }
0x71: {  	_ =	shalt  }
0x72: {  	_ =	shalt  }
0x73: {  	_ =	shalt  }
0x74: {  	_ =	shalt  }
0x75: {  	_ =	shalt  }
0x76: {  	_ =	shalt  }
0x77: {  	_ =	shalt  }
0x78: {  	_ =	shalt  }
0x79: {  	_ =	shalt  }
0x7a: {  	_ =	shalt  }
0x7b: {  	_ =	shalt  }
0x7c: {  	_ =	shalt  }
0x7d: {  	_ =	shalt  }
0x7e: {  	_ =	shalt  }
0x7f: {  	_ =	shalt  }
0x80: {  	_ =	shalt  }
0x81: {  	_ =	shalt  }
0x82: {  	_ =	shalt  }
0x83: {  	_ =	shalt  }
0x84: {  	_ =	shalt  }
0x85: {  	_ =	shalt  }
0x86: {  	_ =	shalt  }
0x87: {  	_ =	shalt  }
.Lfunc_end0:
.L_simem_size_0:
called_computation.2_lowered:
.L_overlay_start_0:
0x88: {  	s2 =	sld [smem:$0x3FD9]  }
0x89: {  	s3 =	sld [smem:$0x3FFE];
	_ =	sdelay $0x1  }
0x8a: {  	s1 =	srdreg.scid  }
0x8b: {  	s0 =	sand.u32 $0x1, s1  }
0x8c: {  	s17 =	sshll.u32 s0, $0xA;
	s2 =	sadd.s32 s3, s2  }
0x8d: {  	s2 =	sadd.s32 s2, s17  }
0x8e: {  	[smem:$0x3FB3] =	sst s2  }
0x8f: {  	_ = 	snop  }
0x90: {  	s2 =	sld [smem:$0x3FD0];
	(tm) =	ssettm $0x1  }
0x91: {  	s18 =	sld [smem:$0x3FFB];
	_ =	sdelay $0x3  }
0x92: {  	_ =	strace s18  }
0x93: {  	s3 =	sld [smem:$0x3FFC];
	_ =	sdelay $0x3  }
0x94: {  	_ =	strace s3  }
0x95: {  	s3 =	sld [smem:$0x3FFD];
	_ =	sdelay $0x3  }
0x96: {  	_ =	strace s3  }
0x97: {  	_ =	strace $0x8FFFFFFF  }
0x98: {  	s19 =	sld [smem:$0x3FDB];
	_ =	sdelay $0x1  }
0x99: {  	s4 =	simm.s32 $_scs_section_size  }
0x9a: {  	s5 =	simm.s32 $_size__tile_overlayer_lowered;
	s6 =	simm.s32 $_tile_overlayer_lowered  }
0x9b: {  	s22 =	simm.s32 $0x1BFF;
	s21 =	sshll.u32 s6, $0x1;
	s3 =	sadd.s32 s4, s19  }
0x9c: {  	s7 =	simm.s32 $0x0;
	s20 =	sshll.u32 s5, $0x1;
	s5 =	sadd.s32 s21, s3  }
0x9d: {  	[timem:s7], [sflag:s22] =	dma.local [hbm:s5], s20  }
0x9e: {  	_ =	swait.ge [sflag:s22], s20  }
0x9f: {  	s4 =	ssub.s32 $0x0, s20;
	[sflag:s22] =	ssyncset.done $0x0  }
0xa0: {  	[sflag:s22] =	ssyncadd.s32 s4;
	_ =	sdelay $0x1  }
0xa1: {  	s23 =	simm.s32 $0x1B8B  }
0xa2: {  	_ =	swait.ge [sflag:s23], $0x1  }
0xa3: {  	[sflag:s23] =	ssyncset.done $0x0  }
0xa4: {  	s25 =	simm.s32 $0x1B8E;
	s24 =	sld [smem:$0x3FFE];
	[sflag:s23] =	ssyncadd.s32 $0xFFFFFFFF  }
0xa5: {  	s26 =	simm.s32 $execute0_lowered;
	[smem:$0x3FD2] =	sst s25  }
0xa6: {  	s5 =	sshll.u32 s26, $0x1;
	_ =	strace $0x8000004C;
	[dreg:$0x1] =	wrdreg $0xFFFFFFFF  }
0xa7: {  	s28 =	simm.s32 $_size_execute0_lowered;
	s3 =	sadd.s32 s3, s5;
	[dreg:$0x0] =	wrdreg $0x0  }
0xa8: {  	s5 =	sshll.u32 s28, $0x1;
	[dreg:$0x2] =	wrdreg s3  }
0xa9: {  	[dreg:$0x3] =	wrdreg s5  }
0xaa: {  	[dreg:$0x4] =	wrdreg $0xC0  }
0xab: {  	_ =	task [dreg:s7], $0x5FFFF  }
0xac: {  	[dreg:$0x1] =	wrdreg $0xFFFFFFFF  }
0xad: {  	[dreg:$0x0] =	wrdreg $0x60  }
0xae: {  	[dreg:$0x2] =	wrdreg s2  }
0xaf: {  	[dreg:$0x3] =	wrdreg s24  }
0xb0: {  	[dreg:$0x4] =	wrdreg $0x81000  }
0xb1: {  	[dreg:$0x5] =	wrdreg $0x9  }
0xb2: {  	_ =	task.clear_ibuf [dreg:s7], $0x6FFFF;
	_ =	strace $0x9000004C  }
0xb3: {  	s29 =	simm.s32 $0x9;
	_ =	strace $0x8000004E  }
0xb4: {  	_ =	swait.ge [sflag:s29], $0x1  }
0xb5: {  	[sflag:s29] =	ssyncadd.s32 $0xFFFFFFFF  }
0xb6: {  	_ =	strace $0x9000004E  }
0xb7: {  	_ =	sfence  }
0xb8: {  	s30 =	sld [smem:$0x0];
	_ =	sdelay $0x2  }
0xb9: {  	s31 =	sshll.u32 s1, $0xD;
	s1 =	sshrl.u32 s1, $0x2  }
0xba: {  	s3 =	sand.u32 $0x4000, s31;
	s1 =	sadd.s32 s1, s30  }
0xbb: {  	s0 =	sor.u32 s3, s0;
	s1 =	sshll.u32 s1, $0x11  }
0xbc: {  	s0 =	sor.u32 s1, s0  }
0xbd: {  	s0 =	sadd.s32 $0x8F2B, s0  }
0xbe: {  	[sflag:s0] =	ssyncadd.remote.s32 $0x1  }
0xbf: {  	_ =	sfence.sel $0xFFFF  }
0xc0: {  	[dreg:$0x0] =	wrdreg $0xFFFFFFFF;
	(pc) =	sbr.abs _section_cstart, $3  }
0xc1: {  	[dreg:$0x1] =	wrdreg $0xFFFFFFFF  }
0xc2: {  	_ =	task.clear_ibuf [dreg:s7], $0x2FFFF;
	_ =	strace $0x9FFFFFFF  }
0xc3: {  	(tm) =	ssettm $0x7FFFFFFF  }
tec
execute0_lowered:
.L_overlay_start_1:
0x0: {  	(tag) =	ssettag $0x1  }
0x1: {  	s1 =	rddreg [dreg:$0x0]  }
0x2: {  	s9 =	rddreg [dreg:$0x1]  }
0x3: {  	s2 =	rddreg [dreg:$0x2]  }
0x4: {  	s0 =	rddreg [dreg:$0x3];
	s3 =	simm.s32 $0x0  }
0x5: {  	s6 =	srdreg.scid;
	s7 =	stileid.u32;
	s20 =	simm.s32 $0x2  }
0x6: {  	s21 =	simm.s32 $0x3;
	s22 =	simm.s32 $0x80;
	s23 =	simm.s32 $0x100  }
0x7: {  	s24 =	simm.s32 $0x1;
	s30 =	simm.s32 $0x0;
	[smem:$0x7FF] =	sst s3  }
0x8: {  	s4 =	sadd.s32 $0xEC00, s9;
	s5 =	sadd.s32 $0x4E00, s9;
	s6 =	sand.u32 $0x1, s6  }
0x9: {  	s8 =	sadd.s32 $0x18A00, s9;
	s11 =	smul.u32 $0x4E000, s7;
	s17 =	sadd.s32 $0x521C00, s9  }
0xa: {  	s15 =	smul.u32 $0x2700, s7;
	s9 =	sshll.u32 s7, $0x1;
	p0 =	sne.s32 s7, $0x0  }
0xb: {  	_ =	strace $0x8000004D;
	s10 =	ssub.s32 $0x2, s6;
	s16 =	smul.u32 $0x27100, s6  }
0xc: {  	s19 =	smul.u32 $0x138800, s6;
	s29 =	sshrl.u32 s10, $0x1;
	s31 =	sshrl.u32 s11, $0x2  }
.Ltmp0:
0xd: {  	s18 =	ssub.s32 s10, s29;
	s10 =	sadd.s32 s31, s2;
	(pc) =	sbr.rel .LBB2_1-.Ltmp0, $4  }
0xe: {  	s16 =	sadd.s32 s15, s16;
	s19 =	sshrl.u32 s19, $0x3;
	s15 =	sadd.s32 $0x138000, s2  }
0xf: {  	s11 =	sadd.s32 $0x4000, s10;
	s12 =	sadd.s32 $0x8000, s10;
	s13 =	sadd.s32 $0xC000, s10  }
0x10: {  	s14 =	sadd.s32 $0x10000, s10;
	s16 =	sadd.s32 s17, s16;
	s17 =	sadd.s32 s17, s19  }
0x11: {  	v0 =	vimm.f32 $0.0e+00;
	s18 =	smax.u32 s18, $0x1;
	s19 =	simm.s32 $0x4100;
	s17 =	sadd.s32 $0x27000, s17  }
.LBB2_9:
0x12: {  	s25 =	sshll.u32 s7, $0x6  }
0x13: {  	[bflag:$0x0] =	sbarrier.arrive $0xFFFF;
	s26 =	sshrl.u32 s10, $0x3;
	s25 =	sor.u32 $0x1C02, s25  }
0x14: {  	[hbm:s16], [sflag:s25] =	dma.local [spmem:s26], $0x2700  }
0x15: {  	_ =	swait.ge [sflag:s20], $0x2700  }
0x16: {  	s3 =	sadd.s32 $0x1, s3;
	[sflag:s20] =	ssyncset.done $0x0  }
0x17: {  	p1 =	sne.s32 s3, s18;
	s26 =	sshrl.u32 @!p0 s15, $0x3;
	[sflag:s20] =	ssyncadd.s32 $0xFFFFD900  }
0x18: {  	[hbm:s17], [sflag:s25] =	dma.local @!p0 [spmem:s26], $0x100  }
.Ltmp1:
0x19: {  	_ = 	snop;
	(pc) =	sbr.rel @!p1 .LBB2_10-.Ltmp1, $4  }
0x1a: {  	s25 =	simm.s32 @!p0 $0x2  }
0x1b: {  	_ =	swait.ge @!p0 [sflag:s25], $0x100  }
0x1c: {  	[sflag:s25] =	ssyncset.done @!p0 $0x0  }
0x1d: {  	[sflag:s25] =	ssyncadd.s32 @!p0 $0xFFFFFF00  }
.LBB2_1:
0x1e: {  	s25 =	simm.s32 $0x0;
	s26 =	simm.s32 $0x200  }
.LBB2_2:
0x1f: {  	p1 =	sne.s32 s26, $0xFE00;
	[tilespmem:s25+$0x4170] =	vst v0  }
0x20: {  	[tilespmem:s25+$0x4100] =	vst v0  }
0x21: {  	[tilespmem:s25+$0x4110] =	vst v0  }
.Ltmp2:
0x22: {  	[tilespmem:s25+$0x4120] =	vst v0;
	(pc) =	sbr.rel @p1 .LBB2_2-.Ltmp2, $4  }
0x23: {  	[tilespmem:s25+$0x4130] =	vst v0  }
0x24: {  	[tilespmem:s25+$0x4140] =	vst v0  }
0x25: {  	[tilespmem:s25+$0x4150] =	vst v0  }
0x26: {  	[tilespmem:s25+$0x4160] =	vst v0;
	s25 =	sshra.s32 s26, $0x2;
	s26 =	sadd.s32 $0x200, s26  }
0x27: {  	[tilespmem:s25+$0x4170] =	vst v0  }
0x28: {  	[tilespmem:s25+$0x4100] =	vst v0  }
0x29: {  	[tilespmem:s25+$0x4110] =	vst v0  }
0x2a: {  	[tilespmem:s25+$0x4120] =	vst v0  }
0x2b: {  	[tilespmem:s25+$0x4130] =	vst v0  }
0x2c: {  	[tilespmem:s25+$0x4140] =	vst v0  }
0x2d: {  	[tilespmem:s25+$0x4150] =	vst v0  }
0x2e: {  	[tilespmem:s25+$0x4160] =	vst v0  }
0x2f: {  	[spmem:s10] =	stream.linear.scatter [tilespmem:s19], [sflag:$0x2], $0x4000, $0x38;
	[tilespmem:$0x1B980] =	vst v63  }
0x30: {  	_ =	swait.ge [sflag:s20], $0x4000  }
0x31: {  	[sflag:s20] =	ssyncset.done $0x0  }
0x32: {  	[sflag:s20] =	ssyncadd.s32 $0xFFFFC000  }
0x33: {  	[spmem:s11] =	stream.linear.scatter [tilespmem:s19], [sflag:$0x2], $0x4000, $0x38;
	[tilespmem:$0x1B980] =	vst v63  }
0x34: {  	_ =	swait.ge [sflag:s20], $0x4000  }
0x35: {  	[sflag:s20] =	ssyncset.done $0x0  }
0x36: {  	[sflag:s20] =	ssyncadd.s32 $0xFFFFC000  }
0x37: {  	[spmem:s12] =	stream.linear.scatter [tilespmem:s19], [sflag:$0x2], $0x4000, $0x38;
	[tilespmem:$0x1B980] =	vst v63  }
0x38: {  	_ =	swait.ge [sflag:s20], $0x4000  }
0x39: {  	[sflag:s20] =	ssyncset.done $0x0  }
0x3a: {  	[sflag:s20] =	ssyncadd.s32 $0xFFFFC000  }
0x3b: {  	[spmem:s13] =	stream.linear.scatter [tilespmem:s19], [sflag:$0x2], $0x4000, $0x38;
	[tilespmem:$0x1B980] =	vst v63  }
0x3c: {  	_ =	swait.ge [sflag:s20], $0x4000  }
0x3d: {  	[sflag:s20] =	ssyncset.done $0x0  }
0x3e: {  	[sflag:s20] =	ssyncadd.s32 $0xFFFFC000  }
0x3f: {  	[spmem:s14] =	stream.linear.scatter [tilespmem:s19], [sflag:$0x2], $0x3800, $0x38;
	[tilespmem:$0x1B980] =	vst v63  }
0x40: {  	_ =	swait.ge [sflag:s20], $0x3800  }
0x41: {  	[sflag:s20] =	ssyncset.done $0x0  }
0x42: {  	s25 =	simm.s32 @!p0 $0x4100;
	[sflag:s20] =	ssyncadd.s32 $0xFFFFC800  }
0x43: {  	[spmem:s15] =	stream.linear.scatter @!p0 [tilespmem:s25], [sflag:$0x2], $0x800, $0x38;
	[tilespmem:$0x1B980] =	vst v63  }
0x44: {  	s25 =	simm.s32 @!p0 $0x2  }
.Ltmp3:
0x45: {  	_ =	swait.ge @!p0 [sflag:s25], $0x800;
	(pc) =	sbr.rel .LBB2_4-.Ltmp3, $4  }
0x46: {  	[sflag:s25] =	ssyncset.done @!p0 $0x0  }
0x47: {  	[sflag:s25] =	ssyncadd.s32 @!p0 $0xFFFFF800  }
0x48: {  	[bflag:$0x0] =	sbarrier.arrive $0xFFFF  }
0x49: {  	s25 =	simm.s32 $0x0  }
.LBB2_8:
0x4a: {  	s25 =	sadd.s32 $0x1, s25  }
0x4b: {  	p1 =	sne.s32 s25, $0x4F  }
.Ltmp4:
0x4c: {  	_ = 	snop;
	(pc) =	sbr.rel @!p1 .LBB2_9-.Ltmp4, $1  }
0x4d: {  	_ =	sdelay $0x3  }
.LBB2_4:
0x4e: {  	s26 =	sshll.u32 s25, $0x5  }
0x4f: {  	s26 =	sor.u32 s9, s26  }
0x50: {  	p1 =	sgt.u32 s26, $0x9C3  }
.Ltmp5:
0x51: {  	_ = 	snop;
	(pc) =	sbr.rel @p1 .LBB2_8-.Ltmp5, $1  }
0x52: {  	_ =	sdelay $0x3  }
0x53: {  	s26 =	sor.u32 s6, s26  }
0x54: {  	s28 =	sshll.u32 s26, $0x4  }
0x55: {  	s29 =	sadd.s32 s4, s28  }
0x56: {  	[tilespmem:s30], [sflag:$0x3] =	stream.linear.gather [hbm4b:s29+s30], $0x80, $0x38;
	[tilespmem:$0x1B980] =	vst v63  }
0x57: {  	_ =	swait.ge [sflag:s21], $0x80  }
0x58: {  	[sflag:s21] =	ssyncset.done $0x0  }
0x59: {  	s28 =	sadd.s32 s5, s28;
	[sflag:s21] =	ssyncadd.s32 $0xFFFFFF80  }
0x5a: {  	[tilespmem:s22], [sflag:$0x3] =	stream.linear.gather [hbm4b:s28+s30], $0x80, $0x38;
	[tilespmem:$0x1B980] =	vst v63  }
0x5b: {  	_ =	swait.ge [sflag:s21], $0x80  }
0x5c: {  	s26 =	sshll.u32 s26, $0xB;
	[sflag:s21] =	ssyncset.done $0x0  }
0x5d: {  	s26 =	sadd.s32 s8, s26;
	[sflag:s21] =	ssyncadd.s32 $0xFFFFFF80  }
0x5e: {  	[tilespmem:s23], [sflag:$0x3] =	stream.linear.gather [hbm4b:s26+s30], $0x4000, $0x38;
	[tilespmem:$0x1B980] =	vst v63  }
0x5f: {  	_ =	swait.ge [sflag:s21], $0x4000  }
0x60: {  	[sflag:s21] =	ssyncset.done $0x0  }
0x61: {  	[sflag:s21] =	ssyncadd.s32 $0xFFFFC000  }
0x62: {  	[tilespmem:s19], [sflag:$0x1] =	stream.indirect.gather [hbm4b:s1+s22], $0x80, s30, s22, $0xb8;
	[tilespmem:$0x1B980] =	vst v63  }
0x63: {  	_ =	swait.ge [sflag:s24], $0x4000  }
0x64: {  	[sflag:s24] =	ssyncset.done $0x0  }
0x65: {  	s26 =	simm.s32 $0x0;
	[sflag:s24] =	ssyncadd.s32 $0xFFFFC000  }
0x66: {  	v1 =	vld [tilespmem:s26+$0x100]  }
0x67: {  	v5 =	vld [tilespmem:s26+$0x4100]  }
0x68: {  	v7 =	vld [tilespmem:s26+$0x4110]  }
0x69: {  	v6 =	vld [tilespmem:s26+$0x4120]  }
0x6a: {  	v4 =	vld [tilespmem:s26+$0x4130]  }
0x6b: {  	v2 =	vld [tilespmem:s26+$0x4140]  }
0x6c: {  	v3 =	vld [tilespmem:s26+$0x4150];
	v8 =	vmul.f32 v5, v1  }
0x6d: {  	s28 =	simm.s32 $0x200;
	v7 =	vmul.f32 v7, v1;
	v5 =	vld [tilespmem:s26+$0x4160]  }
.LBB2_6:
0x6e: {  	s29 =	sshra.s32 s28, $0x2;
	p1 =	sne.s32 s28, $0xFE00;
	[tilespmem:s26+$0x4100] =	vst v8;
	v6 =	vmul.f32 v6, v1;
	v8 =	vld [tilespmem:s26+$0x4170]  }
0x6f: {  	v9 =	vld [tilespmem:s29+$0x100];
	[tilespmem:s26+$0x4110] =	vst v7;
	v4 =	vmul.f32 v4, v1  }
0x70: {  	v7 =	vld [tilespmem:s29+$0x4100];
	[tilespmem:s26+$0x4120] =	vst v6;
	v2 =	vmul.f32 v2, v1  }
0x71: {  	v10 =	vld [tilespmem:s29+$0x4110];
	[tilespmem:s26+$0x4130] =	vst v4;
	v3 =	vmul.f32 v3, v1  }
.Ltmp6:
0x72: {  	v6 =	vld [tilespmem:s29+$0x4120];
	[tilespmem:s26+$0x4140] =	vst v2;
	v5 =	vmul.f32 v5, v1;
	(pc) =	sbr.rel @p1 .LBB2_6-.Ltmp6, $4  }
0x73: {  	v4 =	vld [tilespmem:s29+$0x4130];
	[tilespmem:s26+$0x4150] =	vst v3;
	v11 =	vmul.f32 v8, v1  }
0x74: {  	v2 =	vld [tilespmem:s29+$0x4140];
	[tilespmem:s26+$0x4160] =	vst v5;
	v1 =	vmov v9  }
0x75: {  	v8 =	vmul.f32 v7, v1;
	v3 =	vld [tilespmem:s29+$0x4150];
	[tilespmem:s26+$0x4170] =	vst v11;
	s26 =	smov.u32 s29  }
0x76: {  	s28 =	sadd.s32 $0x200, s28;
	v7 =	vmul.f32 v10, v1;
	v5 =	vld [tilespmem:s26+$0x4160]  }
0x77: {  	[tilespmem:s26+$0x4100] =	vst v8;
	v6 =	vmul.f32 v6, v1;
	v63 =	vld [tilespmem:s26+$0x4170]  }
0x78: {  	[tilespmem:s26+$0x4110] =	vst v7;
	v4 =	vmul.f32 v4, v1  }
0x79: {  	[tilespmem:s26+$0x4120] =	vst v6;
	v2 =	vmul.f32 v2, v1  }
0x7a: {  	[tilespmem:s26+$0x4130] =	vst v4;
	v3 =	vmul.f32 v3, v1  }
0x7b: {  	[tilespmem:s26+$0x4140] =	vst v2;
	v2 =	vmul.f32 v5, v1  }
0x7c: {  	[tilespmem:s26+$0x4150] =	vst v3;
	v1 =	vmul.f32 v63, v1  }
0x7d: {  	[tilespmem:s26+$0x4160] =	vst v2  }
.Ltmp7:
0x7e: {  	[tilespmem:s26+$0x4170] =	vst v1;
	(pc) =	sbr.rel .LBB2_8-.Ltmp7, $4  }
0x7f: {  	[spmem:s2] =	stream.indirect.scatter.add.f32 [tilespmem:s19], [sflag:$0x2], $0x80, s22, s22, $0xb8;
	[tilespmem:$0x1B980] =	vst v63  }
0x80: {  	_ =	swait.ge [sflag:s20], $0x4000  }
0x81: {  	[sflag:s20] =	ssyncset.done $0x0  }
0x82: {  	[sflag:s20] =	ssyncadd.s32 $0xFFFFC000  }
.LBB2_10:
0x83: {  	_ =	sfence.sel $0x180000  }
0x84: {  	[bflag:$0x0] =	sbarrier.arrive $0xFFFF  }
0x85: {  	_ =	strace $0x9000004D  }
0x86: {  	s0 =	sadd.s32 @!p0 $0x100000, s0;
	[bflag:$0x2] =	sbarrier.arrive $0xFFFF  }
0x87: {  	[sflag:s0] =	ssyncadd.tile.s32 @!p0 $0x1;
	_ =	shalt  }
.Lfunc_end2:
_tile_overlayer_lowered:
.L_overlay_start_2:
0x88: {  	(tag) =	ssettag $0x2  }
0x89: {  	s0 =	rddreg [dreg:$0x0];
	s2 =	stileid.u32  }
0x8a: {  	s1 =	rddreg [dreg:$0x1];
	p0 =	sne.s32 s2, $0x0  }
0x8b: {  	s3 =	rddreg [dreg:$0x2];
	[bflag:$0x3] =	sbarrier.arrive $0xFFFF;
	s2 =	simm.s32 @!p0 $0x1C02  }
0x8c: {  	[timem:s3], [sflag:s2] =	dma.local @!p0 [hbm:s0], s1  }
0x8d: {  	s0 =	simm.s32 @!p0 $0x2  }
0x8e: {  	_ =	swait.ge @!p0 [sflag:s0], s1  }
0x8f: {  	s1 =	ssub.s32 @!p0 $0x0, s1;
	[sflag:s0] =	ssyncset.done @!p0 $0x0  }
0x90: {  	[sflag:s0] =	ssyncadd.s32 @!p0 s1  }
0x91: {  	[bflag:$0x3] =	sbarrier.arrive $0xFFFF  }
0x92: {  	_ =	shalt  }

// kernel: kernel.20.cloned.1.call-start
scs
__scs_entry_jumppad:
0x0: {  	(pc) =	sbr.rel $0x88, $3  }
0x1: {  	(tag) =	ssettag $0x0;
	lr =	simm.s32 $0x1  }
0x2: {  	[smem:$0x3F8C] =	sst lr;
	_ =	strace $0xD0000000  }
0x3: {  	_ = 	snop  }
0x4: {  	_ = 	snop  }
0x5: {  	_ = 	snop  }
0x6: {  	_ = 	snop  }
0x7: {  	_ = 	snop  }
__scs_overlays_trampoline_lowered:
0x8: {  	[smem:$0x3F9B] =	sst s0  }
0x9: {  	[smem:$0x3F9C] =	sst s1  }
0xa: {  	[smem:$0x3F9D] =	sst s2  }
0xb: {  	[smem:$0x3F9E] =	sst s3  }
0xc: {  	[smem:$0x3F9F] =	sst s4  }
0xd: {  	[smem:$0x3FA0] =	sst s5  }
0xe: {  	[smem:$0x3FA1] =	sst s6  }
0xf: {  	[smem:$0x3FA2] =	sst s7  }
0x10: {  	[smem:$0x3FA3] =	sst s8  }
0x11: {  	[smem:$0x3FA4] =	sst s9;
	s0 =	simm.s32 @!p0 $0x0  }
0x12: {  	s1 =	sld [smem:$0x3F8A];
	s0 =	simm.s32 @p0 $0x1  }
0x13: {  	[smem:$0x3FA5] =	sst s0;
	s0 =	simm.s32 @!p1 $0x0  }
0x14: {  	s2 =	sld [smem:$0x3F89];
	s0 =	simm.s32 @p1 $0x1  }
0x15: {  	[smem:$0x3FA6] =	sst s0;
	s0 =	simm.s32 @!p2 $0x0  }
0x16: {  	s3 =	sld [smem:$0x3FDB];
	s0 =	simm.s32 @p2 $0x1  }
0x17: {  	s4 =	simm.s32 $0x1BF5;
	[smem:$0x3FA8] =	sst s0  }
0x18: {  	s0 =	sld [smem:$0x3F8B];
	_ =	swait.ge [sflag:s4], $0x0  }
0x19: {  	s7 =	sld [smem:$0x3F8C]  }
0x1a: {  	s8 =	sadd.s32 $0xFFFFE003, lr  }
0x1b: {  	s9 =	sadd.s32 $0xFFFFFEF7, lr;
	s5 =	simm.s32 $0xFFFFFFFF;
	p2 =	slt.u32 s8, $0xFFFFF086  }
0x1c: {  	p1 =	slt.u32 s9, $0xF7A;
	s5 =	simm.s32 @!p2 $0x0  }
0x1d: {  	s5 =	simm.s32 @p1 $0x1;
	p0 =	seq.s32 s7, s2  }
0x1e: {  	s7 =	smul.u32 @!p0 $0xF7A, s2;
	p2 =	seq.s32 @!p0 s5, $0x0  }
0x1f: {  	s9 =	smul.u32 $0xF7A, s1;
	s8 =	simm.s32 @!p0 $0x1BF5;
	p2 =	por !p2, p0  }
0x20: {  	[sflag:s8] =	ssyncset.s32 @!p0 $0xFFFFF086;
	s6 =	sadd.s32 @!p0 s3, s7;
	s7 =	simm.s32 @!p0 $0x108  }
0x21: {  	s3 =	sadd.s32 s3, s9;
	s6 =	sadd.s32 @!p0 $0x88, s6;
	s7 =	simm.s32 @p2 $0x1082  }
0x22: {  	[simem:s7], [sflag:s8] =	dma.local @!p0 [hbm:s6], $0xF7A  }
0x23: {  	s9 =	sor.u32 $0xD0000000, s2;
	s6 =	simm.s32 $0x108;
	_ =	swait.ge @!p0 [sflag:s8], $0x0  }
0x24: {  	s3 =	sadd.s32 $0x88, s3;
	s6 =	simm.s32 @!p1 $0x1082;
	[sflag:s4] =	ssyncset.s32 $0xFFFFF086  }
0x25: {  	[simem:s6], [sflag:s4] =	dma.local [hbm:s3], $0xF7A  }
0x26: {  	[smem:$0x3F8C] =	sst s1;
	(tag) =	ssettag s2;
	_ =	strace s9  }
0x27: {  	s1 =	sld [smem:$0x3F9C]  }
0x28: {  	s2 =	sld [smem:$0x3F9D]  }
0x29: {  	s4 =	sld [smem:$0x3F9F]  }
0x2a: {  	p0 =	seq.s32 s5, $0x0;
	s5 =	sld [smem:$0x3FA0]  }
0x2b: {  	s6 =	sld [smem:$0x3FA1]  }
0x2c: {  	s7 =	sld [smem:$0x3FA2]  }
0x2d: {  	s3 =	simm.s32 $0x108;
	s8 =	sld [smem:$0x3FA3]  }
0x2e: {  	s3 =	simm.s32 @!p0 $0x1082;
	s9 =	sld [smem:$0x3FA4]  }
0x2f: {  	lr =	sadd.s32 s0, s3;
	s0 =	sld [smem:$0x3F9B]  }
0x30: {  	s3 =	sld [smem:$0x3F9E]  }
0x31: {  	[smem:$0x3FA7] =	sst s10  }
0x32: {  	s10 =	sld [smem:$0x3FA5];
	_ =	sdelay $0x3  }
0x33: {  	p0 =	seq.s32 s10, $0x1;
	s10 =	sld [smem:$0x3FA7];
	_ =	sdelay $0x3  }
0x34: {  	[smem:$0x3FA7] =	sst s10  }
0x35: {  	s10 =	sld [smem:$0x3FA6];
	_ =	sdelay $0x3  }
0x36: {  	p1 =	seq.s32 s10, $0x1;
	s10 =	sld [smem:$0x3FA7];
	_ =	sdelay $0x3  }
0x37: {  	[smem:$0x3FA7] =	sst s10  }
0x38: {  	s10 =	sld [smem:$0x3FA8]  }
0x39: {  	_ = 	snop;
	(pc) =	sbr.ind lr, $3  }
0x3a: {  	_ = 	snop  }
0x3b: {  	_ = 	snop  }
0x3c: {  	p2 =	seq.s32 s10, $0x1;
	s10 =	sld [smem:$0x3FA7]  }
0x3d: {  	_ =	shalt  }
0x3e: {  	_ =	shalt  }
0x3f: {  	_ =	shalt  }
0x40: {  	_ =	shalt  }
0x41: {  	_ =	shalt  }
0x42: {  	_ =	shalt  }
0x43: {  	_ =	shalt  }
0x44: {  	_ =	shalt  }
0x45: {  	_ =	shalt  }
0x46: {  	_ =	shalt  }
0x47: {  	_ =	shalt  }
0x48: {  	_ =	shalt  }
0x49: {  	_ =	shalt  }
0x4a: {  	_ =	shalt  }
0x4b: {  	_ =	shalt  }
0x4c: {  	_ =	shalt  }
0x4d: {  	_ =	shalt  }
0x4e: {  	_ =	shalt  }
0x4f: {  	_ =	shalt  }
0x50: {  	_ =	shalt  }
0x51: {  	_ =	shalt  }
0x52: {  	_ =	shalt  }
0x53: {  	_ =	shalt  }
0x54: {  	_ =	shalt  }
0x55: {  	_ =	shalt  }
0x56: {  	_ =	shalt  }
0x57: {  	_ =	shalt  }
0x58: {  	_ =	shalt  }
0x59: {  	_ =	shalt  }
0x5a: {  	_ =	shalt  }
0x5b: {  	_ =	shalt  }
0x5c: {  	_ =	shalt  }
0x5d: {  	_ =	shalt  }
0x5e: {  	_ =	shalt  }
0x5f: {  	_ =	shalt  }
0x60: {  	_ =	shalt  }
0x61: {  	_ =	shalt  }
0x62: {  	_ =	shalt  }
0x63: {  	_ =	shalt  }
0x64: {  	_ =	shalt  }
0x65: {  	_ =	shalt  }
0x66: {  	_ =	shalt  }
0x67: {  	_ =	shalt  }
0x68: {  	_ =	shalt  }
0x69: {  	_ =	shalt  }
0x6a: {  	_ =	shalt  }
0x6b: {  	_ =	shalt  }
0x6c: {  	_ =	shalt  }
0x6d: {  	_ =	shalt  }
0x6e: {  	_ =	shalt  }
0x6f: {  	_ =	shalt  }
0x70: {  	_ =	shalt  }
0x71: {  	_ =	shalt  }
0x72: {  	_ =	shalt  }
0x73: {  	_ =	shalt  }
0x74: {  	_ =	shalt  }
0x75: {  	_ =	shalt  }
0x76: {  	_ =	shalt  }
0x77: {  	_ =	shalt  }
0x78: {  	_ =	shalt  }
0x79: {  	_ =	shalt  }
0x7a: {  	_ =	shalt  }
0x7b: {  	_ =	shalt  }
0x7c: {  	_ =	shalt  }
0x7d: {  	_ =	shalt  }
0x7e: {  	_ =	shalt  }
0x7f: {  	_ =	shalt  }
0x80: {  	_ =	shalt  }
0x81: {  	_ =	shalt  }
0x82: {  	_ =	shalt  }
0x83: {  	_ =	shalt  }
0x84: {  	_ =	shalt  }
0x85: {  	_ =	shalt  }
0x86: {  	_ =	shalt  }
0x87: {  	_ =	shalt  }
.Lfunc_end0:
.L_simem_size_0:
called_computation.3_lowered:
.L_overlay_start_0:
0x88: {  	s2 =	sld [smem:$0x3FD9]  }
0x89: {  	s3 =	sld [smem:$0x3FFE];
	_ =	sdelay $0x1  }
0x8a: {  	s1 =	srdreg.scid  }
0x8b: {  	s0 =	sand.u32 $0x1, s1  }
0x8c: {  	s17 =	sshll.u32 s0, $0xA;
	s2 =	sadd.s32 s3, s2  }
0x8d: {  	s2 =	sadd.s32 s2, s17  }
0x8e: {  	[smem:$0x3FB3] =	sst s2  }
0x8f: {  	_ = 	snop  }
0x90: {  	s2 =	sld [smem:$0x3FD0];
	(tm) =	ssettm $0x1  }
0x91: {  	s18 =	sld [smem:$0x3FFB];
	_ =	sdelay $0x3  }
0x92: {  	_ =	strace s18  }
0x93: {  	s3 =	sld [smem:$0x3FFC];
	_ =	sdelay $0x3  }
0x94: {  	_ =	strace s3  }
0x95: {  	s3 =	sld [smem:$0x3FFD];
	_ =	sdelay $0x3  }
0x96: {  	_ =	strace s3  }
0x97: {  	_ =	strace $0x8FFFFFFF  }
0x98: {  	s19 =	sld [smem:$0x3FDB];
	_ =	sdelay $0x1  }
0x99: {  	s4 =	simm.s32 $_scs_section_size  }
0x9a: {  	s5 =	simm.s32 $_size__tile_overlayer_lowered;
	s6 =	simm.s32 $_tile_overlayer_lowered  }
0x9b: {  	s22 =	simm.s32 $0x1BFF;
	s21 =	sshll.u32 s6, $0x1;
	s3 =	sadd.s32 s4, s19  }
0x9c: {  	s7 =	simm.s32 $0x0;
	s20 =	sshll.u32 s5, $0x1;
	s5 =	sadd.s32 s21, s3  }
0x9d: {  	[timem:s7], [sflag:s22] =	dma.local [hbm:s5], s20  }
0x9e: {  	_ =	swait.ge [sflag:s22], s20  }
0x9f: {  	s4 =	ssub.s32 $0x0, s20;
	[sflag:s22] =	ssyncset.done $0x0  }
0xa0: {  	[sflag:s22] =	ssyncadd.s32 s4;
	_ =	sdelay $0x1  }
0xa1: {  	s23 =	simm.s32 $0x1B8B  }
0xa2: {  	_ =	swait.ge [sflag:s23], $0x1  }
0xa3: {  	[sflag:s23] =	ssyncset.done $0x0  }
0xa4: {  	s25 =	simm.s32 $0x1B8E;
	s24 =	sld [smem:$0x3FFE];
	[sflag:s23] =	ssyncadd.s32 $0xFFFFFFFF  }
0xa5: {  	s26 =	simm.s32 $execute0_lowered;
	[smem:$0x3FD2] =	sst s25  }
0xa6: {  	s5 =	sshll.u32 s26, $0x1;
	_ =	strace $0x8000004F;
	[dreg:$0x1] =	wrdreg $0xFFFFFFFF  }
0xa7: {  	s28 =	simm.s32 $_size_execute0_lowered;
	s3 =	sadd.s32 s3, s5;
	[dreg:$0x0] =	wrdreg $0x0  }
0xa8: {  	s5 =	sshll.u32 s28, $0x1;
	[dreg:$0x2] =	wrdreg s3  }
0xa9: {  	[dreg:$0x3] =	wrdreg s5  }
0xaa: {  	[dreg:$0x4] =	wrdreg $0xC0  }
0xab: {  	_ =	task [dreg:s7], $0x5FFFF  }
0xac: {  	[dreg:$0x1] =	wrdreg $0xFFFFFFFF  }
0xad: {  	[dreg:$0x0] =	wrdreg $0x60  }
0xae: {  	[dreg:$0x2] =	wrdreg s2  }
0xaf: {  	[dreg:$0x3] =	wrdreg s24  }
0xb0: {  	[dreg:$0x4] =	wrdreg $0x81000  }
0xb1: {  	[dreg:$0x5] =	wrdreg $0x9  }
0xb2: {  	_ =	task.clear_ibuf [dreg:s7], $0x6FFFF;
	_ =	strace $0x9000004F  }
0xb3: {  	s29 =	simm.s32 $0x9;
	_ =	strace $0x80000051  }
0xb4: {  	_ =	swait.ge [sflag:s29], $0x1  }
0xb5: {  	[sflag:s29] =	ssyncadd.s32 $0xFFFFFFFF  }
0xb6: {  	_ =	strace $0x90000051  }
0xb7: {  	_ =	sfence  }
0xb8: {  	s30 =	sld [smem:$0x0];
	_ =	sdelay $0x2  }
0xb9: {  	s31 =	sshll.u32 s1, $0xD;
	s1 =	sshrl.u32 s1, $0x2  }
0xba: {  	s3 =	sand.u32 $0x4000, s31;
	s1 =	sadd.s32 s1, s30  }
0xbb: {  	s0 =	sor.u32 s3, s0;
	s1 =	sshll.u32 s1, $0x11  }
0xbc: {  	s0 =	sor.u32 s1, s0  }
0xbd: {  	s0 =	sadd.s32 $0x8F2B, s0  }
0xbe: {  	[sflag:s0] =	ssyncadd.remote.s32 $0x1  }
0xbf: {  	_ =	sfence.sel $0xFFFF  }
0xc0: {  	[dreg:$0x0] =	wrdreg $0xFFFFFFFF;
	(pc) =	sbr.abs _section_cstart, $3  }
0xc1: {  	[dreg:$0x1] =	wrdreg $0xFFFFFFFF  }
0xc2: {  	_ =	task.clear_ibuf [dreg:s7], $0x2FFFF;
	_ =	strace $0x9FFFFFFF  }
0xc3: {  	(tm) =	ssettm $0x7FFFFFFF  }
tec
execute0_lowered:
.L_overlay_start_1:
0x0: {  	(tag) =	ssettag $0x1  }
0x1: {  	s1 =	rddreg [dreg:$0x0]  }
0x2: {  	s9 =	rddreg [dreg:$0x1]  }
0x3: {  	s2 =	rddreg [dreg:$0x2]  }
0x4: {  	s0 =	rddreg [dreg:$0x3];
	s3 =	simm.s32 $0x0  }
0x5: {  	s6 =	srdreg.scid;
	s7 =	stileid.u32;
	s20 =	simm.s32 $0x2  }
0x6: {  	s21 =	simm.s32 $0x3;
	s22 =	simm.s32 $0x80;
	s23 =	simm.s32 $0x100  }
0x7: {  	s24 =	simm.s32 $0x1;
	s30 =	simm.s32 $0x0;
	[smem:$0x7FF] =	sst s3  }
0x8: {  	s4 =	sadd.s32 $0xEC00, s9;
	s5 =	sadd.s32 $0x4E00, s9;
	s6 =	sand.u32 $0x1, s6  }
0x9: {  	s8 =	sadd.s32 $0x18A00, s9;
	s11 =	smul.u32 $0x4E000, s7;
	s17 =	sadd.s32 $0x521C00, s9  }
0xa: {  	s15 =	smul.u32 $0x2700, s7;
	s9 =	sshll.u32 s7, $0x1;
	p0 =	sne.s32 s7, $0x0  }
0xb: {  	_ =	strace $0x80000050;
	s10 =	ssub.s32 $0x2, s6;
	s16 =	smul.u32 $0x27100, s6  }
0xc: {  	s19 =	smul.u32 $0x138800, s6;
	s29 =	sshrl.u32 s10, $0x1;
	s31 =	sshrl.u32 s11, $0x2  }
.Ltmp0:
0xd: {  	s18 =	ssub.s32 s10, s29;
	s10 =	sadd.s32 s31, s2;
	(pc) =	sbr.rel .LBB2_1-.Ltmp0, $4  }
0xe: {  	s16 =	sadd.s32 s15, s16;
	s19 =	sshrl.u32 s19, $0x3;
	s15 =	sadd.s32 $0x138000, s2  }
0xf: {  	s11 =	sadd.s32 $0x4000, s10;
	s12 =	sadd.s32 $0x8000, s10;
	s13 =	sadd.s32 $0xC000, s10  }
0x10: {  	s14 =	sadd.s32 $0x10000, s10;
	s16 =	sadd.s32 s17, s16;
	s17 =	sadd.s32 s17, s19  }
0x11: {  	v0 =	vimm.f32 $0.0e+00;
	s18 =	smax.u32 s18, $0x1;
	s19 =	simm.s32 $0x4100;
	s17 =	sadd.s32 $0x27000, s17  }
.LBB2_9:
0x12: {  	s25 =	sshll.u32 s7, $0x6  }
0x13: {  	[bflag:$0x0] =	sbarrier.arrive $0xFFFF;
	s26 =	sshrl.u32 s10, $0x3;
	s25 =	sor.u32 $0x1C02, s25  }
0x14: {  	[hbm:s16], [sflag:s25] =	dma.local [spmem:s26], $0x2700  }
0x15: {  	_ =	swait.ge [sflag:s20], $0x2700  }
0x16: {  	s3 =	sadd.s32 $0x1, s3;
	[sflag:s20] =	ssyncset.done $0x0  }
0x17: {  	p1 =	sne.s32 s3, s18;
	s26 =	sshrl.u32 @!p0 s15, $0x3;
	[sflag:s20] =	ssyncadd.s32 $0xFFFFD900  }
0x18: {  	[hbm:s17], [sflag:s25] =	dma.local @!p0 [spmem:s26], $0x100  }
.Ltmp1:
0x19: {  	_ = 	snop;
	(pc) =	sbr.rel @!p1 .LBB2_10-.Ltmp1, $4  }
0x1a: {  	s25 =	simm.s32 @!p0 $0x2  }
0x1b: {  	_ =	swait.ge @!p0 [sflag:s25], $0x100  }
0x1c: {  	[sflag:s25] =	ssyncset.done @!p0 $0x0  }
0x1d: {  	[sflag:s25] =	ssyncadd.s32 @!p0 $0xFFFFFF00  }
.LBB2_1:
0x1e: {  	s25 =	simm.s32 $0x0;
	s26 =	simm.s32 $0x200  }
.LBB2_2:
0x1f: {  	p1 =	sne.s32 s26, $0xFE00;
	[tilespmem:s25+$0x4170] =	vst v0  }
0x20: {  	[tilespmem:s25+$0x4100] =	vst v0  }
0x21: {  	[tilespmem:s25+$0x4110] =	vst v0  }
.Ltmp2:
0x22: {  	[tilespmem:s25+$0x4120] =	vst v0;
	(pc) =	sbr.rel @p1 .LBB2_2-.Ltmp2, $4  }
0x23: {  	[tilespmem:s25+$0x4130] =	vst v0  }
0x24: {  	[tilespmem:s25+$0x4140] =	vst v0  }
0x25: {  	[tilespmem:s25+$0x4150] =	vst v0  }
0x26: {  	[tilespmem:s25+$0x4160] =	vst v0;
	s25 =	sshra.s32 s26, $0x2;
	s26 =	sadd.s32 $0x200, s26  }
0x27: {  	[tilespmem:s25+$0x4170] =	vst v0  }
0x28: {  	[tilespmem:s25+$0x4100] =	vst v0  }
0x29: {  	[tilespmem:s25+$0x4110] =	vst v0  }
0x2a: {  	[tilespmem:s25+$0x4120] =	vst v0  }
0x2b: {  	[tilespmem:s25+$0x4130] =	vst v0  }
0x2c: {  	[tilespmem:s25+$0x4140] =	vst v0  }
0x2d: {  	[tilespmem:s25+$0x4150] =	vst v0  }
0x2e: {  	[tilespmem:s25+$0x4160] =	vst v0  }
0x2f: {  	[spmem:s10] =	stream.linear.scatter [tilespmem:s19], [sflag:$0x2], $0x4000, $0x38;
	[tilespmem:$0x1B980] =	vst v63  }
0x30: {  	_ =	swait.ge [sflag:s20], $0x4000  }
0x31: {  	[sflag:s20] =	ssyncset.done $0x0  }
0x32: {  	[sflag:s20] =	ssyncadd.s32 $0xFFFFC000  }
0x33: {  	[spmem:s11] =	stream.linear.scatter [tilespmem:s19], [sflag:$0x2], $0x4000, $0x38;
	[tilespmem:$0x1B980] =	vst v63  }
0x34: {  	_ =	swait.ge [sflag:s20], $0x4000  }
0x35: {  	[sflag:s20] =	ssyncset.done $0x0  }
0x36: {  	[sflag:s20] =	ssyncadd.s32 $0xFFFFC000  }
0x37: {  	[spmem:s12] =	stream.linear.scatter [tilespmem:s19], [sflag:$0x2], $0x4000, $0x38;
	[tilespmem:$0x1B980] =	vst v63  }
0x38: {  	_ =	swait.ge [sflag:s20], $0x4000  }
0x39: {  	[sflag:s20] =	ssyncset.done $0x0  }
0x3a: {  	[sflag:s20] =	ssyncadd.s32 $0xFFFFC000  }
0x3b: {  	[spmem:s13] =	stream.linear.scatter [tilespmem:s19], [sflag:$0x2], $0x4000, $0x38;
	[tilespmem:$0x1B980] =	vst v63  }
0x3c: {  	_ =	swait.ge [sflag:s20], $0x4000  }
0x3d: {  	[sflag:s20] =	ssyncset.done $0x0  }
0x3e: {  	[sflag:s20] =	ssyncadd.s32 $0xFFFFC000  }
0x3f: {  	[spmem:s14] =	stream.linear.scatter [tilespmem:s19], [sflag:$0x2], $0x3800, $0x38;
	[tilespmem:$0x1B980] =	vst v63  }
0x40: {  	_ =	swait.ge [sflag:s20], $0x3800  }
0x41: {  	[sflag:s20] =	ssyncset.done $0x0  }
0x42: {  	s25 =	simm.s32 @!p0 $0x4100;
	[sflag:s20] =	ssyncadd.s32 $0xFFFFC800  }
0x43: {  	[spmem:s15] =	stream.linear.scatter @!p0 [tilespmem:s25], [sflag:$0x2], $0x800, $0x38;
	[tilespmem:$0x1B980] =	vst v63  }
0x44: {  	s25 =	simm.s32 @!p0 $0x2  }
.Ltmp3:
0x45: {  	_ =	swait.ge @!p0 [sflag:s25], $0x800;
	(pc) =	sbr.rel .LBB2_4-.Ltmp3, $4  }
0x46: {  	[sflag:s25] =	ssyncset.done @!p0 $0x0  }
0x47: {  	[sflag:s25] =	ssyncadd.s32 @!p0 $0xFFFFF800  }
0x48: {  	[bflag:$0x0] =	sbarrier.arrive $0xFFFF  }
0x49: {  	s25 =	simm.s32 $0x0  }
.LBB2_8:
0x4a: {  	s25 =	sadd.s32 $0x1, s25  }
0x4b: {  	p1 =	sne.s32 s25, $0x4F  }
.Ltmp4:
0x4c: {  	_ = 	snop;
	(pc) =	sbr.rel @!p1 .LBB2_9-.Ltmp4, $1  }
0x4d: {  	_ =	sdelay $0x3  }
.LBB2_4:
0x4e: {  	s26 =	sshll.u32 s25, $0x5  }
0x4f: {  	s26 =	sor.u32 s9, s26  }
0x50: {  	p1 =	sgt.u32 s26, $0x9C3  }
.Ltmp5:
0x51: {  	_ = 	snop;
	(pc) =	sbr.rel @p1 .LBB2_8-.Ltmp5, $1  }
0x52: {  	_ =	sdelay $0x3  }
0x53: {  	s26 =	sor.u32 s6, s26  }
0x54: {  	s28 =	sshll.u32 s26, $0x4  }
0x55: {  	s29 =	sadd.s32 s4, s28  }
0x56: {  	[tilespmem:s30], [sflag:$0x3] =	stream.linear.gather [hbm4b:s29+s30], $0x80, $0x38;
	[tilespmem:$0x1B980] =	vst v63  }
0x57: {  	_ =	swait.ge [sflag:s21], $0x80  }
0x58: {  	[sflag:s21] =	ssyncset.done $0x0  }
0x59: {  	s28 =	sadd.s32 s5, s28;
	[sflag:s21] =	ssyncadd.s32 $0xFFFFFF80  }
0x5a: {  	[tilespmem:s22], [sflag:$0x3] =	stream.linear.gather [hbm4b:s28+s30], $0x80, $0x38;
	[tilespmem:$0x1B980] =	vst v63  }
0x5b: {  	_ =	swait.ge [sflag:s21], $0x80  }
0x5c: {  	s26 =	sshll.u32 s26, $0xB;
	[sflag:s21] =	ssyncset.done $0x0  }
0x5d: {  	s26 =	sadd.s32 s8, s26;
	[sflag:s21] =	ssyncadd.s32 $0xFFFFFF80  }
0x5e: {  	[tilespmem:s23], [sflag:$0x3] =	stream.linear.gather [hbm4b:s26+s30], $0x4000, $0x38;
	[tilespmem:$0x1B980] =	vst v63  }
0x5f: {  	_ =	swait.ge [sflag:s21], $0x4000  }
0x60: {  	[sflag:s21] =	ssyncset.done $0x0  }
0x61: {  	[sflag:s21] =	ssyncadd.s32 $0xFFFFC000  }
0x62: {  	[tilespmem:s19], [sflag:$0x1] =	stream.indirect.gather [hbm4b:s1+s22], $0x80, s30, s22, $0xb8;
	[tilespmem:$0x1B980] =	vst v63  }
0x63: {  	_ =	swait.ge [sflag:s24], $0x4000  }
0x64: {  	[sflag:s24] =	ssyncset.done $0x0  }
0x65: {  	s26 =	simm.s32 $0x0;
	[sflag:s24] =	ssyncadd.s32 $0xFFFFC000  }
0x66: {  	v1 =	vld [tilespmem:s26+$0x100]  }
0x67: {  	v5 =	vld [tilespmem:s26+$0x4100]  }
0x68: {  	v7 =	vld [tilespmem:s26+$0x4110]  }
0x69: {  	v6 =	vld [tilespmem:s26+$0x4120]  }
0x6a: {  	v4 =	vld [tilespmem:s26+$0x4130]  }
0x6b: {  	v2 =	vld [tilespmem:s26+$0x4140]  }
0x6c: {  	v3 =	vld [tilespmem:s26+$0x4150];
	v8 =	vmul.f32 v5, v1  }
0x6d: {  	s28 =	simm.s32 $0x200;
	v7 =	vmul.f32 v7, v1;
	v5 =	vld [tilespmem:s26+$0x4160]  }
.LBB2_6:
0x6e: {  	s29 =	sshra.s32 s28, $0x2;
	p1 =	sne.s32 s28, $0xFE00;
	[tilespmem:s26+$0x4100] =	vst v8;
	v6 =	vmul.f32 v6, v1;
	v8 =	vld [tilespmem:s26+$0x4170]  }
0x6f: {  	v9 =	vld [tilespmem:s29+$0x100];
	[tilespmem:s26+$0x4110] =	vst v7;
	v4 =	vmul.f32 v4, v1  }
0x70: {  	v7 =	vld [tilespmem:s29+$0x4100];
	[tilespmem:s26+$0x4120] =	vst v6;
	v2 =	vmul.f32 v2, v1  }
0x71: {  	v10 =	vld [tilespmem:s29+$0x4110];
	[tilespmem:s26+$0x4130] =	vst v4;
	v3 =	vmul.f32 v3, v1  }
.Ltmp6:
0x72: {  	v6 =	vld [tilespmem:s29+$0x4120];
	[tilespmem:s26+$0x4140] =	vst v2;
	v5 =	vmul.f32 v5, v1;
	(pc) =	sbr.rel @p1 .LBB2_6-.Ltmp6, $4  }
0x73: {  	v4 =	vld [tilespmem:s29+$0x4130];
	[tilespmem:s26+$0x4150] =	vst v3;
	v11 =	vmul.f32 v8, v1  }
0x74: {  	v2 =	vld [tilespmem:s29+$0x4140];
	[tilespmem:s26+$0x4160] =	vst v5;
	v1 =	vmov v9  }
0x75: {  	v8 =	vmul.f32 v7, v1;
	v3 =	vld [tilespmem:s29+$0x4150];
	[tilespmem:s26+$0x4170] =	vst v11;
	s26 =	smov.u32 s29  }
0x76: {  	s28 =	sadd.s32 $0x200, s28;
	v7 =	vmul.f32 v10, v1;
	v5 =	vld [tilespmem:s26+$0x4160]  }
0x77: {  	[tilespmem:s26+$0x4100] =	vst v8;
	v6 =	vmul.f32 v6, v1;
	v63 =	vld [tilespmem:s26+$0x4170]  }
0x78: {  	[tilespmem:s26+$0x4110] =	vst v7;
	v4 =	vmul.f32 v4, v1  }
0x79: {  	[tilespmem:s26+$0x4120] =	vst v6;
	v2 =	vmul.f32 v2, v1  }
0x7a: {  	[tilespmem:s26+$0x4130] =	vst v4;
	v3 =	vmul.f32 v3, v1  }
0x7b: {  	[tilespmem:s26+$0x4140] =	vst v2;
	v2 =	vmul.f32 v5, v1  }
0x7c: {  	[tilespmem:s26+$0x4150] =	vst v3;
	v1 =	vmul.f32 v63, v1  }
0x7d: {  	[tilespmem:s26+$0x4160] =	vst v2  }
.Ltmp7:
0x7e: {  	[tilespmem:s26+$0x4170] =	vst v1;
	(pc) =	sbr.rel .LBB2_8-.Ltmp7, $4  }
0x7f: {  	[spmem:s2] =	stream.indirect.scatter.add.f32 [tilespmem:s19], [sflag:$0x2], $0x80, s22, s22, $0xb8;
	[tilespmem:$0x1B980] =	vst v63  }
0x80: {  	_ =	swait.ge [sflag:s20], $0x4000  }
0x81: {  	[sflag:s20] =	ssyncset.done $0x0  }
0x82: {  	[sflag:s20] =	ssyncadd.s32 $0xFFFFC000  }
.LBB2_10:
0x83: {  	_ =	sfence.sel $0x180000  }
0x84: {  	[bflag:$0x0] =	sbarrier.arrive $0xFFFF  }
0x85: {  	_ =	strace $0x90000050  }
0x86: {  	s0 =	sadd.s32 @!p0 $0x100000, s0;
	[bflag:$0x2] =	sbarrier.arrive $0xFFFF  }
0x87: {  	[sflag:s0] =	ssyncadd.tile.s32 @!p0 $0x1;
	_ =	shalt  }
.Lfunc_end2:
_tile_overlayer_lowered:
.L_overlay_start_2:
0x88: {  	(tag) =	ssettag $0x2  }
0x89: {  	s0 =	rddreg [dreg:$0x0];
	s2 =	stileid.u32  }
0x8a: {  	s1 =	rddreg [dreg:$0x1];
	p0 =	sne.s32 s2, $0x0  }
0x8b: {  	s3 =	rddreg [dreg:$0x2];
	[bflag:$0x3] =	sbarrier.arrive $0xFFFF;
	s2 =	simm.s32 @!p0 $0x1C02  }
0x8c: {  	[timem:s3], [sflag:s2] =	dma.local @!p0 [hbm:s0], s1  }
0x8d: {  	s0 =	simm.s32 @!p0 $0x2  }
0x8e: {  	_ =	swait.ge @!p0 [sflag:s0], s1  }
0x8f: {  	s1 =	ssub.s32 @!p0 $0x0, s1;
	[sflag:s0] =	ssyncset.done @!p0 $0x0  }
0x90: {  	[sflag:s0] =	ssyncadd.s32 @!p0 s1  }
0x91: {  	[bflag:$0x3] =	sbarrier.arrive $0xFFFF  }
0x92: {  	_ =	shalt  }

</sc_bundles>
